<compile_context>
chip_gen: v7x
topology: tpu7x:2x2x1
jax: 0.10.2.dev20260603
libtpu: 0.0.44.dev20260713+nightly
codegen_flags: <defaults>
</compile_context>

<pallas_src>
import functools

import numpy as np
import jax
import jax.numpy as jnp
from jax import lax
from jax.experimental import pallas as pl
from jax.experimental.pallas import tpu as pltpu
from jax.experimental.pallas import tpu_sc as plsc

DIM = 128
B = 4096
S_TOK = 153
NGROUPS = 51
STRIDE = 1104
NID = 4000
RID = 4001

NW = 32
BPW = B // NW
NBUF = 7


def _pe_np(seq_len, dim):
    pos = np.arange(seq_len, dtype=np.float32)[:, None]
    div = np.exp(np.arange(0, dim, 2, dtype=np.float32) * (-np.log(10000.0) / dim))
    pe = np.zeros((seq_len, dim), dtype=np.float32)
    pe[:, 0::2] = np.sin(pos * div)
    pe[:, 1::2] = np.cos(pos * div)
    return pe


def _pe_groups():
    pe = _pe_np(S_TOK, DIM)
    rows = np.zeros((NGROUPS, 3, DIM), np.float32)
    for g in range(26):
        rows[g] = pe[[6 * g, 6 * g + 1, 6 * g + 2]]
    for g in range(25):
        rows[26 + g] = pe[[6 * g + 3, 6 * g + 4, 6 * g + 5]]
    return jnp.asarray(rows)


def _build_fused_body(emb_ref, type_ref, gamma_ref, beta_ref, pe_ref, out_ref):
    j = pl.program_id(0)
    is_node = j < 26
    sp = jnp.where(is_node, emb_ref[NID], emb_ref[RID])
    hi = jnp.where(is_node, emb_ref[1000:1100, :], emb_ref[3000:3100, :])
    lo = jnp.where(is_node, emb_ref[0:1000, :], emb_ref[2000:3000, :])
    t0, t1, t2 = type_ref[0], type_ref[1], type_ref[2]
    row_is0 = lax.broadcasted_iota(jnp.int32, (1000, 1), 0) == 0
    tlo = jnp.where(jnp.logical_and(is_node, row_is0), t0, t1)
    pe_sp, pe_hi, pe_lo = pe_ref[0, 0], pe_ref[0, 1], pe_ref[0, 2]
    x = jnp.concatenate(
        [
            (sp + pe_sp + t2)[None, :],
            hi + pe_hi[None, :] + t1[None, :],
            lo + pe_lo[None, :] + tlo,
            jnp.zeros((3, DIM), jnp.float32),
        ],
        axis=0,
    )
    m = jnp.mean(x, axis=-1, keepdims=True)
    v = jnp.mean((x - m) ** 2, axis=-1, keepdims=True)
    y = (x - m) * lax.rsqrt(v + 1e-5)
    out_ref[0] = y * gamma_ref[...][None, :] + beta_ref[...][None, :]


def _build_fused(emb_table, type_table, gamma, beta):
    pe_grp = _pe_groups()
    return pl.pallas_call(
        _build_fused_body,
        grid=(NGROUPS,),
        in_specs=[
            pl.BlockSpec(emb_table.shape, lambda j: (0, 0)),
            pl.BlockSpec(type_table.shape, lambda j: (0, 0)),
            pl.BlockSpec((DIM,), lambda j: (0,)),
            pl.BlockSpec((DIM,), lambda j: (0,)),
            pl.BlockSpec((1, 3, DIM), lambda j: (j, 0, 0)),
        ],
        out_specs=pl.BlockSpec((1, STRIDE, DIM), lambda j: (j, 0, 0)),
        out_shape=jax.ShapeDtypeStruct((NGROUPS, STRIDE, DIM), jnp.float32),
    )(emb_table, type_table, gamma, beta, pe_grp)


def _sc_body(seqT_hbm, ft_hbm, out_hbm, seq_v, fid_v, bufs, gsems, ssems):
    wid = lax.axis_index("s") * 2 + lax.axis_index("c")
    b0 = wid * BPW
    iota = lax.iota(jnp.int32, 16)

    pltpu.sync_copy(seqT_hbm.at[:, pl.ds(b0, BPW)], seq_v)

    def fill_row(col, irow, base):
        for j in range(BPW // 16):
            sl = pl.ds(16 * j, 16)
            vals = seq_v[col, sl]
            q = (vals.astype(jnp.float32) * 0.001 + 0.5).astype(jnp.int32)
            r = vals - q * 1000
            lo = jnp.where(r < 0, r + 1000, r)
            fid_v[irow, sl] = lo + (base + 101)

    def grp_body(g, carry):
        fill_row(2 * g, 2 * g, g * STRIDE)
        fill_row(2 * g + 1, 2 * g + 1, (26 + g) * STRIDE)
        return carry

    lax.fori_loop(0, 25, grp_body, 0)
    fill_row(50, 50, 25 * STRIDE)

    NLO = 51

    def g_issue(i, k):
        pltpu.async_copy(ft_hbm.at[fid_v.at[i]], bufs[k], gsems[k])

    def g_wait(i, k):
        pltpu.make_async_copy(ft_hbm.at[fid_v.at[i]], bufs[k], gsems[k]).wait()

    def s_issue(i, k):
        pltpu.async_copy(bufs[k], out_hbm.at[3 * i + 2, pl.ds(b0, BPW)],
                         ssems[k])

    def s_wait(i, k):
        pltpu.make_async_copy(
            bufs[k], out_hbm.at[3 * i + 2, pl.ds(b0, BPW)], ssems[k]).wait()

    def step(i, o, first_fill, refill):
        g_wait(i, o)
        s_issue(i, o)
        if refill:
            k5 = (o + NBUF - 1) % NBUF
            if not first_fill:
                s_wait(i - 1, k5)
            g_issue(i + NBUF - 1, k5)

    for o in range(NBUF - 1):
        g_issue(o, o)
    for o in range(NBUF):
        step(o, o, first_fill=(o == 0), refill=True)

    def pipe_body(t, carry):
        for o in range(NBUF):
            step(NBUF * t + o, o, first_fill=False, refill=True)
        return carry

    n_full = (NLO - (NBUF - 1)) // NBUF
    lax.fori_loop(1, n_full, pipe_body, 0)

    for i in range(NBUF * n_full, NLO):
        step(i, i % NBUF, first_fill=False, refill=(i + NBUF - 1 < NLO))

    for k in range(NBUF):
        s_wait(NLO - 1 - ((NLO - 1 - k) % NBUF), k)


@functools.partial(
    pl.kernel,
    out_type=jax.ShapeDtypeStruct((S_TOK, B, DIM), jnp.float32),
    mesh=plsc.VectorSubcoreMesh(core_axis_name="c", subcore_axis_name="s"),
    scratch_types=(
        [pltpu.VMEM((51, BPW), jnp.int32), pltpu.VMEM((51, BPW), jnp.int32)]
        + [pltpu.VMEM((BPW, DIM), jnp.float32)] * NBUF
        + [pltpu.SemaphoreType.DMA] * (2 * NBUF)
    ),
)
def _sc_lookup(seqT_hbm, ft_hbm, out_hbm, seq_v, fid_v, *rest):
    bufs = rest[:NBUF]
    gsems = rest[NBUF:2 * NBUF]
    ssems = rest[2 * NBUF:]
    _sc_body(seqT_hbm, ft_hbm, out_hbm, seq_v, fid_v, bufs, gsems, ssems)


def _specials_body(ft_ref, _prev_ref, out_ref):
    out_ref[0] = jnp.broadcast_to(ft_ref[0, 0], (B, DIM))


def _write_specials(ft3, out):
    def sp_row(j):
        return jnp.where(j < 26, 6 * j, 6 * j - 153)

    return pl.pallas_call(
        _specials_body,
        grid=(NGROUPS,),
        in_specs=[
            pl.BlockSpec((1, 8, DIM), lambda j: (j, 0, 0)),
            pl.BlockSpec(memory_space=pl.ANY),
        ],
        out_specs=pl.BlockSpec((1, B, DIM), lambda j: (sp_row(j), 0, 0)),
        out_shape=jax.ShapeDtypeStruct((S_TOK, B, DIM), jnp.float32),
        input_output_aliases={1: 0},
    )(ft3, out)


def _hi_body(ft_ref, seq_ref, _prev_ref, out_ref):
    v = seq_ref[0, 0, :]
    hi = v // 1000
    sub = ft_ref[0, 1:101, :]
    oh = (lax.broadcasted_iota(jnp.int32, (B, 100), 1) == hi[:, None])
    oh16 = oh.astype(jnp.bfloat16)
    s_hi = sub.astype(jnp.bfloat16)
    s_lo = (sub - s_hi.astype(jnp.float32)).astype(jnp.bfloat16)
    out_ref[0] = (jnp.dot(oh16, s_hi, preferred_element_type=jnp.float32)
                  + jnp.dot(oh16, s_lo, preferred_element_type=jnp.float32))


def _write_high(ft3, seqT3, out):
    def seq_row(p):
        return jnp.where(p < 26, 2 * p, 2 * p - 51)

    def hi_row(p):
        return jnp.where(p < 26, 6 * p + 1, 6 * p - 152)

    return pl.pallas_call(
        _hi_body,
        grid=(NGROUPS,),
        in_specs=[
            pl.BlockSpec((1, 112, DIM), lambda p: (p, 0, 0)),
            pl.BlockSpec((1, 1, B), lambda p: (seq_row(p), 0, 0)),
            pl.BlockSpec(memory_space=pl.ANY),
        ],
        out_specs=pl.BlockSpec((1, B, DIM), lambda p: (hi_row(p), 0, 0)),
        out_shape=jax.ShapeDtypeStruct((S_TOK, B, DIM), jnp.float32),
        input_output_aliases={2: 0},
    )(ft3, seqT3, out)


def kernel(seq, emb_table, type_table, gamma, beta):
    ft3 = _build_fused(emb_table, type_table, gamma, beta)
    ft = ft3.reshape(NGROUPS * STRIDE, DIM)
    seqT = seq.T
    out = _sc_lookup(seqT, ft)
    out = _write_specials(ft3, out)
    return _write_high(ft3, seqT.reshape(51, 1, B), out)

# --- scband reference (transcript-rebuilt; emitter-appended) ---
"""Pipeline reference for scband-node-tokenizer-31284541784112 (READ-ONLY COPY).

The authoritative reference and input builder live on the scoring server;
editing this copy changes nothing except your own understanding.
"""

import jax, jax.numpy as jnp
import numpy as np

NUM_NODES = 100000
NUM_RELS = 100000
DIM = 128
NUM_NODE_EMBS = 2
NUM_REL_EMBS = 2
NID = 1000 * (NUM_NODE_EMBS + NUM_REL_EMBS)
RID = NID + 1


def _decompose(inputs, num_embs, special_token, offset=0):
    toks = [inputs // (1000 ** i) % 1000 + 1000 * (i + offset) for i in range(num_embs - 1, -1, -1)]
    toks = jnp.stack(toks, axis=2)
    st = jnp.full((toks.shape[0], toks.shape[1], 1), special_token, dtype=toks.dtype)
    toks = jnp.concatenate([st, toks], axis=-1)
    return toks.reshape(toks.shape[0], -1)


def _tokenize(seq):
    B, S = seq.shape
    nodes = seq[:, 0::2]
    rels = seq[:, 1::2]
    node_tokens = _decompose(nodes, NUM_NODE_EMBS, NID)
    rel_tokens = _decompose(rels, NUM_REL_EMBS, RID, offset=NUM_NODE_EMBS)
    node_len = NUM_NODE_EMBS + 1
    rel_len = NUM_REL_EMBS + 1
    n = nodes.shape[1]
    r = rels.shape[1]
    ng = node_tokens.reshape(B, n, node_len)
    rg = rel_tokens.reshape(B, r, rel_len)
    # torch loop interleaves: node_len node tokens, then rel_len rel tokens, ..., ending with final node group
    pairs = jnp.concatenate([ng[:, :r], rg], axis=2).reshape(B, r * (node_len + rel_len))
    tail = ng[:, r:].reshape(B, (n - r) * node_len)
    tokens = jnp.concatenate([pairs, tail], axis=1)
    return tokens.T  # [S_tok, B]


def _pe(seq_len, dim):
    pos = np.arange(seq_len, dtype=np.float32)[:, None]
    div = np.exp(np.arange(0, dim, 2, dtype=np.float32) * (-np.log(10000.0) / dim))
    pe = np.zeros((seq_len, dim), dtype=np.float32)
    pe[:, 0::2] = np.sin(pos * div)
    pe[:, 1::2] = np.cos(pos * div)
    return jnp.asarray(pe)[:, None, :]


def setup_inputs(seed: int = 0):
    key = jax.random.key(seed)
    k1, k2, k3 = jax.random.split(key, 3)
    seq = jax.random.randint(k1, (4096, 51), 0, NUM_NODES, dtype=jnp.int32)
    emb_table = 0.02 * jax.random.normal(k2, (1000 * (NUM_NODE_EMBS + NUM_REL_EMBS) + 5, DIM), dtype=jnp.float32)
    type_table = 0.02 * jax.random.normal(k3, (3, DIM), dtype=jnp.float32)
    gamma = jnp.ones((DIM,), dtype=jnp.float32)
    beta = jnp.zeros((DIM,), dtype=jnp.float32)
    return {"seq": seq, "emb_table": emb_table, "type_table": type_table, "gamma": gamma, "beta": beta}


def reference(seq, emb_table, type_table, gamma, beta):
    tokens = _tokenize(seq)
    REL = 1
    types = jnp.zeros(tokens.shape, dtype=jnp.int32)
    types = jnp.where((tokens >= REL) & (tokens < NID), 1, types)
    types = jnp.where(tokens >= NID, 2, types)
    embs = jnp.take(emb_table, tokens, axis=0)
    pe = _pe(tokens.shape[0], DIM)
    ttypes = jnp.take(type_table, types, axis=0)
    x = embs + pe + ttypes
    mean = jnp.mean(x, axis=-1, keepdims=True)
    var = jnp.var(x, axis=-1, keepdims=True)
    x = (x - mean) / jnp.sqrt(var + 1e-5)
    return x * gamma + beta

if __name__ == "__main__":
    import jax
    _d = setup_inputs()
    print(jax.jit(kernel)(*tuple(_d.values())))

</pallas_src>

<mosaic_0001>
#map = affine_map<(d0, d1) -> (0, 0)>
#map1 = affine_map<(d0, d1) -> (0, 0, 0)>
module attributes {stable_mosaic.version = 14 : i64} {
  func.func @_sc_lookup(%arg0: i32, %arg1: i32, %arg2: memref<51x4096xi32, #tpu.memory_space<hbm>>, %arg3: memref<56304x128xf32, #tpu.memory_space<hbm>>, %arg4: memref<153x4096x128xf32, #tpu.memory_space<hbm>>, %arg5: memref<51x128xi32, #tpu.memory_space<vmem>>, %arg6: memref<51x128xi32, #tpu.memory_space<vmem>>, %arg7: memref<128x128xf32, #tpu.memory_space<vmem>>, %arg8: memref<128x128xf32, #tpu.memory_space<vmem>>, %arg9: memref<128x128xf32, #tpu.memory_space<vmem>>, %arg10: memref<128x128xf32, #tpu.memory_space<vmem>>, %arg11: memref<128x128xf32, #tpu.memory_space<vmem>>, %arg12: memref<128x128xf32, #tpu.memory_space<vmem>>, %arg13: memref<128x128xf32, #tpu.memory_space<vmem>>, %arg14: memref<!tpu.dma_semaphore, #tpu.memory_space<semaphore_mem>>, %arg15: memref<!tpu.dma_semaphore, #tpu.memory_space<semaphore_mem>>, %arg16: memref<!tpu.dma_semaphore, #tpu.memory_space<semaphore_mem>>, %arg17: memref<!tpu.dma_semaphore, #tpu.memory_space<semaphore_mem>>, %arg18: memref<!tpu.dma_semaphore, #tpu.memory_space<semaphore_mem>>, %arg19: memref<!tpu.dma_semaphore, #tpu.memory_space<semaphore_mem>>, %arg20: memref<!tpu.dma_semaphore, #tpu.memory_space<semaphore_mem>>, %arg21: memref<!tpu.dma_semaphore, #tpu.memory_space<semaphore_mem>>, %arg22: memref<!tpu.dma_semaphore, #tpu.memory_space<semaphore_mem>>, %arg23: memref<!tpu.dma_semaphore, #tpu.memory_space<semaphore_mem>>, %arg24: memref<!tpu.dma_semaphore, #tpu.memory_space<semaphore_mem>>, %arg25: memref<!tpu.dma_semaphore, #tpu.memory_space<semaphore_mem>>, %arg26: memref<!tpu.dma_semaphore, #tpu.memory_space<semaphore_mem>>, %arg27: memref<!tpu.dma_semaphore, #tpu.memory_space<semaphore_mem>>) attributes {dimension_semantics = [#tpu.dimension_semantics<core_parallel>, #tpu.dimension_semantics<subcore_parallel>], iteration_bounds = array<i64: 2, 16>, scalar_prefetch = 0 : i64, scratch_operands = 23 : i64, tpu.core_type = #tpu.core_type<sc_vector_subcore>, window_params = [{transform_indices = #map}, {transform_indices = #map}, {transform_indices = #map1}]} {
    %mul3A = arith.constant 2 : i32
    %mul3A_0 = arith.muli %arg1, %mul3A : i32
    %add3A = arith.addi %mul3A_0, %arg0 : i32
    %mul3A_1 = arith.constant 128 : i32
    %mul3A_2 = arith.muli %add3A, %mul3A_1 : i32
    %iota3A = tpu.iota {dimensions = array<i32: 0>} : vector<16xi32>
    "tpu.region"() ({
      %run_scoped3A = tpu.sem_alloc : memref<!tpu.dma_semaphore, #tpu.memory_space<semaphore_mem>>
      %dma_start3A_718 = arith.constant 0 : i32
      %dma_start3A_719 = tpu.memref_slice %arg2[%dma_start3A_718, %mul3A_2] : memref<51x4096xi32, #tpu.memory_space<hbm>> -> memref<51x128xi32, #tpu.memory_space<hbm>>
      %dma_start3A_720 = arith.constant 0 : i32
      %dma_start3A_721 = tpu.memref_slice %arg2[%dma_start3A_720, %mul3A_2] : memref<51x4096xi32, #tpu.memory_space<hbm>> -> memref<51x128xi32, #tpu.memory_space<hbm>>
      tpu.enqueue_dma source(%dma_start3A_721 : memref<51x128xi32, #tpu.memory_space<hbm>>) target(%arg5 : memref<51x128xi32, #tpu.memory_space<vmem>>) target_semaphore(%run_scoped3A : memref<!tpu.dma_semaphore, #tpu.memory_space<semaphore_mem>>)
      %dma_wait3A_722 = arith.constant 0 : i32
      %dma_wait3A_723 = tpu.memref_slice %arg2[%dma_wait3A_722, %mul3A_2] : memref<51x4096xi32, #tpu.memory_space<hbm>> -> memref<51x128xi32, #tpu.memory_space<hbm>>
      %dma_wait3A_724 = arith.constant 0 : i32
      %dma_wait3A_725 = tpu.memref_slice %arg2[%dma_wait3A_724, %mul3A_2] : memref<51x4096xi32, #tpu.memory_space<hbm>> -> memref<51x128xi32, #tpu.memory_space<hbm>>
      tpu.wait_dma2 semaphore(%run_scoped3A : memref<!tpu.dma_semaphore, #tpu.memory_space<semaphore_mem>>) src(%dma_wait3A_725 : memref<51x128xi32, #tpu.memory_space<hbm>>) dst(%arg5 : memref<51x128xi32, #tpu.memory_space<vmem>>)
      tpu.yield
    }) : () -> ()
    %scan3A = arith.constant 0 : i32
    %scan3A_3 = arith.constant 0 : i32
    %scan3A_4 = arith.constant 25 : i32
    %scan3A_5 = arith.addi %scan3A_3, %scan3A_4 : i32
    %scan3A_6 = arith.constant 1 : i32
    scf.for %scan3A_718 = %scan3A_3 to %scan3A_5 step %scan3A_6  : i32 {
      %mul3A_719 = arith.constant 2 : i32
      %mul3A_720 = arith.muli %mul3A_719, %scan3A_718 : i32
      %mul3A_721 = arith.constant 2 : i32
      %mul3A_722 = arith.muli %mul3A_721, %scan3A_718 : i32
      %mul3A_723 = arith.constant 1104 : i32
      %mul3A_724 = arith.muli %scan3A_718, %mul3A_723 : i32
      %get3A_725 = arith.index_cast %mul3A_720 : i32 to index
      %get3A_726 = arith.constant 0 : index
      %get3A_727 = tpu.vector_load %arg5[%get3A_725, %get3A_726] {strides = array<i32>} : memref<51x128xi32, #tpu.memory_space<vmem>>, vector<1x16xi32>,
      %get3A_728 = vector.shape_cast %get3A_727 : vector<1x16xi32> to vector<16xi32>
      %convert_element_type3A_729 = arith.sitofp %get3A_728 : vector<16xi32> to vector<16xf32>
      %mul3A_730 = arith.constant 1.000000e-03 : f32
      %mul3A_731 = vector.broadcast %mul3A_730 : f32 to vector<16xf32>
      %mul3A_732 = arith.mulf %convert_element_type3A_729, %mul3A_731 : vector<16xf32>
      %add3A_733 = arith.constant 5.000000e-01 : f32
      %add3A_734 = vector.broadcast %add3A_733 : f32 to vector<16xf32>
      %add3A_735 = arith.addf %mul3A_732, %add3A_734 : vector<16xf32>
      %convert_element_type3A_736 = arith.fptosi %add3A_735 : vector<16xf32> to vector<16xi32>
      %mul3A_737 = arith.constant 1000 : i32
      %mul3A_738 = vector.broadcast %mul3A_737 : i32 to vector<16xi32>
      %mul3A_739 = arith.muli %convert_element_type3A_736, %mul3A_738 : vector<16xi32>
      %sub3A_740 = arith.subi %get3A_728, %mul3A_739 : vector<16xi32>
      %lt3A_741 = arith.constant 0 : i32
      %lt3A_742 = vector.broadcast %lt3A_741 : i32 to vector<16xi32>
      %lt3A_743 = arith.cmpi slt, %sub3A_740, %lt3A_742 : vector<16xi32>
      %add3A_744 = arith.constant 1000 : i32
      %add3A_745 = vector.broadcast %add3A_744 : i32 to vector<16xi32>
      %add3A_746 = arith.addi %sub3A_740, %add3A_745 : vector<16xi32>
      %select_n3A_747 = arith.select %lt3A_743, %add3A_746, %sub3A_740 : vector<16xi1>, vector<16xi32>
      %add3A_748 = arith.constant 101 : i32
      %add3A_749 = arith.addi %mul3A_724, %add3A_748 : i32
      %add3A_750 = vector.broadcast %add3A_749 : i32 to vector<16xi32>
      %add3A_751 = arith.addi %select_n3A_747, %add3A_750 : vector<16xi32>
      %swap3A_752 = arith.index_cast %mul3A_722 : i32 to index
      %swap3A_753 = arith.constant 0 : index
      %swap3A_754 = tpu.vector_load %arg6[%swap3A_752, %swap3A_753] {strides = array<i32>} : memref<51x128xi32, #tpu.memory_space<vmem>>, vector<1x16xi32>,
      %swap3A_755 = vector.shape_cast %swap3A_754 : vector<1x16xi32> to vector<16xi32>
      %swap3A_756 = vector.shape_cast %add3A_751 : vector<16xi32> to vector<1x16xi32>
      tpu.vector_store %arg6[%swap3A_752, %swap3A_753], %swap3A_756 {strides = array<i32>} : memref<51x128xi32, #tpu.memory_space<vmem>>, vector<1x16xi32>,
      %get3A_757 = arith.index_cast %mul3A_720 : i32 to index
      %get3A_758 = arith.constant 16 : index
      %get3A_759 = tpu.vector_load %arg5[%get3A_757, %get3A_758] {strides = array<i32>} : memref<51x128xi32, #tpu.memory_space<vmem>>, vector<1x16xi32>,
      %get3A_760 = vector.shape_cast %get3A_759 : vector<1x16xi32> to vector<16xi32>
      %convert_element_type3A_761 = arith.sitofp %get3A_760 : vector<16xi32> to vector<16xf32>
      %mul3A_762 = arith.constant 1.000000e-03 : f32
      %mul3A_763 = vector.broadcast %mul3A_762 : f32 to vector<16xf32>
      %mul3A_764 = arith.mulf %convert_element_type3A_761, %mul3A_763 : vector<16xf32>
      %add3A_765 = arith.constant 5.000000e-01 : f32
      %add3A_766 = vector.broadcast %add3A_765 : f32 to vector<16xf32>
      %add3A_767 = arith.addf %mul3A_764, %add3A_766 : vector<16xf32>
      %convert_element_type3A_768 = arith.fptosi %add3A_767 : vector<16xf32> to vector<16xi32>
      %mul3A_769 = arith.constant 1000 : i32
      %mul3A_770 = vector.broadcast %mul3A_769 : i32 to vector<16xi32>
      %mul3A_771 = arith.muli %convert_element_type3A_768, %mul3A_770 : vector<16xi32>
      %sub3A_772 = arith.subi %get3A_760, %mul3A_771 : vector<16xi32>
      %lt3A_773 = arith.constant 0 : i32
      %lt3A_774 = vector.broadcast %lt3A_773 : i32 to vector<16xi32>
      %lt3A_775 = arith.cmpi slt, %sub3A_772, %lt3A_774 : vector<16xi32>
      %add3A_776 = arith.constant 1000 : i32
      %add3A_777 = vector.broadcast %add3A_776 : i32 to vector<16xi32>
      %add3A_778 = arith.addi %sub3A_772, %add3A_777 : vector<16xi32>
      %select_n3A_779 = arith.select %lt3A_775, %add3A_778, %sub3A_772 : vector<16xi1>, vector<16xi32>
      %add3A_780 = arith.constant 101 : i32
      %add3A_781 = arith.addi %mul3A_724, %add3A_780 : i32
      %add3A_782 = vector.broadcast %add3A_781 : i32 to vector<16xi32>
      %add3A_783 = arith.addi %select_n3A_779, %add3A_782 : vector<16xi32>
      %swap3A_784 = arith.index_cast %mul3A_722 : i32 to index
      %swap3A_785 = arith.constant 16 : index
      %swap3A_786 = tpu.vector_load %arg6[%swap3A_784, %swap3A_785] {strides = array<i32>} : memref<51x128xi32, #tpu.memory_space<vmem>>, vector<1x16xi32>,
      %swap3A_787 = vector.shape_cast %swap3A_786 : vector<1x16xi32> to vector<16xi32>
      %swap3A_788 = vector.shape_cast %add3A_783 : vector<16xi32> to vector<1x16xi32>
      tpu.vector_store %arg6[%swap3A_784, %swap3A_785], %swap3A_788 {strides = array<i32>} : memref<51x128xi32, #tpu.memory_space<vmem>>, vector<1x16xi32>,
      %get3A_789 = arith.index_cast %mul3A_720 : i32 to index
      %get3A_790 = arith.constant 32 : index
      %get3A_791 = tpu.vector_load %arg5[%get3A_789, %get3A_790] {strides = array<i32>} : memref<51x128xi32, #tpu.memory_space<vmem>>, vector<1x16xi32>,
      %get3A_792 = vector.shape_cast %get3A_791 : vector<1x16xi32> to vector<16xi32>
      %convert_element_type3A_793 = arith.sitofp %get3A_792 : vector<16xi32> to vector<16xf32>
      %mul3A_794 = arith.constant 1.000000e-03 : f32
      %mul3A_795 = vector.broadcast %mul3A_794 : f32 to vector<16xf32>
      %mul3A_796 = arith.mulf %convert_element_type3A_793, %mul3A_795 : vector<16xf32>
      %add3A_797 = arith.constant 5.000000e-01 : f32
      %add3A_798 = vector.broadcast %add3A_797 : f32 to vector<16xf32>
      %add3A_799 = arith.addf %mul3A_796, %add3A_798 : vector<16xf32>
      %convert_element_type3A_800 = arith.fptosi %add3A_799 : vector<16xf32> to vector<16xi32>
      %mul3A_801 = arith.constant 1000 : i32
      %mul3A_802 = vector.broadcast %mul3A_801 : i32 to vector<16xi32>
      %mul3A_803 = arith.muli %convert_element_type3A_800, %mul3A_802 : vector<16xi32>
      %sub3A_804 = arith.subi %get3A_792, %mul3A_803 : vector<16xi32>
      %lt3A_805 = arith.constant 0 : i32
      %lt3A_806 = vector.broadcast %lt3A_805 : i32 to vector<16xi32>
      %lt3A_807 = arith.cmpi slt, %sub3A_804, %lt3A_806 : vector<16xi32>
      %add3A_808 = arith.constant 1000 : i32
      %add3A_809 = vector.broadcast %add3A_808 : i32 to vector<16xi32>
      %add3A_810 = arith.addi %sub3A_804, %add3A_809 : vector<16xi32>
      %select_n3A_811 = arith.select %lt3A_807, %add3A_810, %sub3A_804 : vector<16xi1>, vector<16xi32>
      %add3A_812 = arith.constant 101 : i32
      %add3A_813 = arith.addi %mul3A_724, %add3A_812 : i32
      %add3A_814 = vector.broadcast %add3A_813 : i32 to vector<16xi32>
      %add3A_815 = arith.addi %select_n3A_811, %add3A_814 : vector<16xi32>
      %swap3A_816 = arith.index_cast %mul3A_722 : i32 to index
      %swap3A_817 = arith.constant 32 : index
      %swap3A_818 = tpu.vector_load %arg6[%swap3A_816, %swap3A_817] {strides = array<i32>} : memref<51x128xi32, #tpu.memory_space<vmem>>, vector<1x16xi32>,
      %swap3A_819 = vector.shape_cast %swap3A_818 : vector<1x16xi32> to vector<16xi32>
      %swap3A_820 = vector.shape_cast %add3A_815 : vector<16xi32> to vector<1x16xi32>
      tpu.vector_store %arg6[%swap3A_816, %swap3A_817], %swap3A_820 {strides = array<i32>} : memref<51x128xi32, #tpu.memory_space<vmem>>, vector<1x16xi32>,
      %get3A_821 = arith.index_cast %mul3A_720 : i32 to index
      %get3A_822 = arith.constant 48 : index
      %get3A_823 = tpu.vector_load %arg5[%get3A_821, %get3A_822] {strides = array<i32>} : memref<51x128xi32, #tpu.memory_space<vmem>>, vector<1x16xi32>,
      %get3A_824 = vector.shape_cast %get3A_823 : vector<1x16xi32> to vector<16xi32>
      %convert_element_type3A_825 = arith.sitofp %get3A_824 : vector<16xi32> to vector<16xf32>
      %mul3A_826 = arith.constant 1.000000e-03 : f32
      %mul3A_827 = vector.broadcast %mul3A_826 : f32 to vector<16xf32>
      %mul3A_828 = arith.mulf %convert_element_type3A_825, %mul3A_827 : vector<16xf32>
      %add3A_829 = arith.constant 5.000000e-01 : f32
      %add3A_830 = vector.broadcast %add3A_829 : f32 to vector<16xf32>
      %add3A_831 = arith.addf %mul3A_828, %add3A_830 : vector<16xf32>
      %convert_element_type3A_832 = arith.fptosi %add3A_831 : vector<16xf32> to vector<16xi32>
      %mul3A_833 = arith.constant 1000 : i32
      %mul3A_834 = vector.broadcast %mul3A_833 : i32 to vector<16xi32>
      %mul3A_835 = arith.muli %convert_element_type3A_832, %mul3A_834 : vector<16xi32>
      %sub3A_836 = arith.subi %get3A_824, %mul3A_835 : vector<16xi32>
      %lt3A_837 = arith.constant 0 : i32
      %lt3A_838 = vector.broadcast %lt3A_837 : i32 to vector<16xi32>
      %lt3A_839 = arith.cmpi slt, %sub3A_836, %lt3A_838 : vector<16xi32>
      %add3A_840 = arith.constant 1000 : i32
      %add3A_841 = vector.broadcast %add3A_840 : i32 to vector<16xi32>
      %add3A_842 = arith.addi %sub3A_836, %add3A_841 : vector<16xi32>
      %select_n3A_843 = arith.select %lt3A_839, %add3A_842, %sub3A_836 : vector<16xi1>, vector<16xi32>
      %add3A_844 = arith.constant 101 : i32
      %add3A_845 = arith.addi %mul3A_724, %add3A_844 : i32
      %add3A_846 = vector.broadcast %add3A_845 : i32 to vector<16xi32>
      %add3A_847 = arith.addi %select_n3A_843, %add3A_846 : vector<16xi32>
      %swap3A_848 = arith.index_cast %mul3A_722 : i32 to index
      %swap3A_849 = arith.constant 48 : index
      %swap3A_850 = tpu.vector_load %arg6[%swap3A_848, %swap3A_849] {strides = array<i32>} : memref<51x128xi32, #tpu.memory_space<vmem>>, vector<1x16xi32>,
      %swap3A_851 = vector.shape_cast %swap3A_850 : vector<1x16xi32> to vector<16xi32>
      %swap3A_852 = vector.shape_cast %add3A_847 : vector<16xi32> to vector<1x16xi32>
      tpu.vector_store %arg6[%swap3A_848, %swap3A_849], %swap3A_852 {strides = array<i32>} : memref<51x128xi32, #tpu.memory_space<vmem>>, vector<1x16xi32>,
      %get3A_853 = arith.index_cast %mul3A_720 : i32 to index
      %get3A_854 = arith.constant 64 : index
      %get3A_855 = tpu.vector_load %arg5[%get3A_853, %get3A_854] {strides = array<i32>} : memref<51x128xi32, #tpu.memory_space<vmem>>, vector<1x16xi32>,
      %get3A_856 = vector.shape_cast %get3A_855 : vector<1x16xi32> to vector<16xi32>
      %convert_element_type3A_857 = arith.sitofp %get3A_856 : vector<16xi32> to vector<16xf32>
      %mul3A_858 = arith.constant 1.000000e-03 : f32
      %mul3A_859 = vector.broadcast %mul3A_858 : f32 to vector<16xf32>
      %mul3A_860 = arith.mulf %convert_element_type3A_857, %mul3A_859 : vector<16xf32>
      %add3A_861 = arith.constant 5.000000e-01 : f32
      %add3A_862 = vector.broadcast %add3A_861 : f32 to vector<16xf32>
      %add3A_863 = arith.addf %mul3A_860, %add3A_862 : vector<16xf32>
      %convert_element_type3A_864 = arith.fptosi %add3A_863 : vector<16xf32> to vector<16xi32>
      %mul3A_865 = arith.constant 1000 : i32
      %mul3A_866 = vector.broadcast %mul3A_865 : i32 to vector<16xi32>
      %mul3A_867 = arith.muli %convert_element_type3A_864, %mul3A_866 : vector<16xi32>
      %sub3A_868 = arith.subi %get3A_856, %mul3A_867 : vector<16xi32>
      %lt3A_869 = arith.constant 0 : i32
      %lt3A_870 = vector.broadcast %lt3A_869 : i32 to vector<16xi32>
      %lt3A_871 = arith.cmpi slt, %sub3A_868, %lt3A_870 : vector<16xi32>
      %add3A_872 = arith.constant 1000 : i32
      %add3A_873 = vector.broadcast %add3A_872 : i32 to vector<16xi32>
      %add3A_874 = arith.addi %sub3A_868, %add3A_873 : vector<16xi32>
      %select_n3A_875 = arith.select %lt3A_871, %add3A_874, %sub3A_868 : vector<16xi1>, vector<16xi32>
      %add3A_876 = arith.constant 101 : i32
      %add3A_877 = arith.addi %mul3A_724, %add3A_876 : i32
      %add3A_878 = vector.broadcast %add3A_877 : i32 to vector<16xi32>
      %add3A_879 = arith.addi %select_n3A_875, %add3A_878 : vector<16xi32>
      %swap3A_880 = arith.index_cast %mul3A_722 : i32 to index
      %swap3A_881 = arith.constant 64 : index
      %swap3A_882 = tpu.vector_load %arg6[%swap3A_880, %swap3A_881] {strides = array<i32>} : memref<51x128xi32, #tpu.memory_space<vmem>>, vector<1x16xi32>,
      %swap3A_883 = vector.shape_cast %swap3A_882 : vector<1x16xi32> to vector<16xi32>
      %swap3A_884 = vector.shape_cast %add3A_879 : vector<16xi32> to vector<1x16xi32>
      tpu.vector_store %arg6[%swap3A_880, %swap3A_881], %swap3A_884 {strides = array<i32>} : memref<51x128xi32, #tpu.memory_space<vmem>>, vector<1x16xi32>,
      %get3A_885 = arith.index_cast %mul3A_720 : i32 to index
      %get3A_886 = arith.constant 80 : index
      %get3A_887 = tpu.vector_load %arg5[%get3A_885, %get3A_886] {strides = array<i32>} : memref<51x128xi32, #tpu.memory_space<vmem>>, vector<1x16xi32>,
      %get3A_888 = vector.shape_cast %get3A_887 : vector<1x16xi32> to vector<16xi32>
      %convert_element_type3A_889 = arith.sitofp %get3A_888 : vector<16xi32> to vector<16xf32>
      %mul3A_890 = arith.constant 1.000000e-03 : f32
      %mul3A_891 = vector.broadcast %mul3A_890 : f32 to vector<16xf32>
      %mul3A_892 = arith.mulf %convert_element_type3A_889, %mul3A_891 : vector<16xf32>
      %add3A_893 = arith.constant 5.000000e-01 : f32
      %add3A_894 = vector.broadcast %add3A_893 : f32 to vector<16xf32>
      %add3A_895 = arith.addf %mul3A_892, %add3A_894 : vector<16xf32>
      %convert_element_type3A_896 = arith.fptosi %add3A_895 : vector<16xf32> to vector<16xi32>
      %mul3A_897 = arith.constant 1000 : i32
      %mul3A_898 = vector.broadcast %mul3A_897 : i32 to vector<16xi32>
      %mul3A_899 = arith.muli %convert_element_type3A_896, %mul3A_898 : vector<16xi32>
      %sub3A_900 = arith.subi %get3A_888, %mul3A_899 : vector<16xi32>
      %lt3A_901 = arith.constant 0 : i32
      %lt3A_902 = vector.broadcast %lt3A_901 : i32 to vector<16xi32>
      %lt3A_903 = arith.cmpi slt, %sub3A_900, %lt3A_902 : vector<16xi32>
      %add3A_904 = arith.constant 1000 : i32
      %add3A_905 = vector.broadcast %add3A_904 : i32 to vector<16xi32>
      %add3A_906 = arith.addi %sub3A_900, %add3A_905 : vector<16xi32>
      %select_n3A_907 = arith.select %lt3A_903, %add3A_906, %sub3A_900 : vector<16xi1>, vector<16xi32>
      %add3A_908 = arith.constant 101 : i32
      %add3A_909 = arith.addi %mul3A_724, %add3A_908 : i32
      %add3A_910 = vector.broadcast %add3A_909 : i32 to vector<16xi32>
      %add3A_911 = arith.addi %select_n3A_907, %add3A_910 : vector<16xi32>
      %swap3A_912 = arith.index_cast %mul3A_722 : i32 to index
      %swap3A_913 = arith.constant 80 : index
      %swap3A_914 = tpu.vector_load %arg6[%swap3A_912, %swap3A_913] {strides = array<i32>} : memref<51x128xi32, #tpu.memory_space<vmem>>, vector<1x16xi32>,
      %swap3A_915 = vector.shape_cast %swap3A_914 : vector<1x16xi32> to vector<16xi32>
      %swap3A_916 = vector.shape_cast %add3A_911 : vector<16xi32> to vector<1x16xi32>
      tpu.vector_store %arg6[%swap3A_912, %swap3A_913], %swap3A_916 {strides = array<i32>} : memref<51x128xi32, #tpu.memory_space<vmem>>, vector<1x16xi32>,
      %get3A_917 = arith.index_cast %mul3A_720 : i32 to index
      %get3A_918 = arith.constant 96 : index
      %get3A_919 = tpu.vector_load %arg5[%get3A_917, %get3A_918] {strides = array<i32>} : memref<51x128xi32, #tpu.memory_space<vmem>>, vector<1x16xi32>,
      %get3A_920 = vector.shape_cast %get3A_919 : vector<1x16xi32> to vector<16xi32>
      %convert_element_type3A_921 = arith.sitofp %get3A_920 : vector<16xi32> to vector<16xf32>
      %mul3A_922 = arith.constant 1.000000e-03 : f32
      %mul3A_923 = vector.broadcast %mul3A_922 : f32 to vector<16xf32>
      %mul3A_924 = arith.mulf %convert_element_type3A_921, %mul3A_923 : vector<16xf32>
      %add3A_925 = arith.constant 5.000000e-01 : f32
      %add3A_926 = vector.broadcast %add3A_925 : f32 to vector<16xf32>
      %add3A_927 = arith.addf %mul3A_924, %add3A_926 : vector<16xf32>
      %convert_element_type3A_928 = arith.fptosi %add3A_927 : vector<16xf32> to vector<16xi32>
      %mul3A_929 = arith.constant 1000 : i32
      %mul3A_930 = vector.broadcast %mul3A_929 : i32 to vector<16xi32>
      %mul3A_931 = arith.muli %convert_element_type3A_928, %mul3A_930 : vector<16xi32>
      %sub3A_932 = arith.subi %get3A_920, %mul3A_931 : vector<16xi32>
      %lt3A_933 = arith.constant 0 : i32
      %lt3A_934 = vector.broadcast %lt3A_933 : i32 to vector<16xi32>
      %lt3A_935 = arith.cmpi slt, %sub3A_932, %lt3A_934 : vector<16xi32>
      %add3A_936 = arith.constant 1000 : i32
      %add3A_937 = vector.broadcast %add3A_936 : i32 to vector<16xi32>
      %add3A_938 = arith.addi %sub3A_932, %add3A_937 : vector<16xi32>
      %select_n3A_939 = arith.select %lt3A_935, %add3A_938, %sub3A_932 : vector<16xi1>, vector<16xi32>
      %add3A_940 = arith.constant 101 : i32
      %add3A_941 = arith.addi %mul3A_724, %add3A_940 : i32
      %add3A_942 = vector.broadcast %add3A_941 : i32 to vector<16xi32>
      %add3A_943 = arith.addi %select_n3A_939, %add3A_942 : vector<16xi32>
      %swap3A_944 = arith.index_cast %mul3A_722 : i32 to index
      %swap3A_945 = arith.constant 96 : index
      %swap3A_946 = tpu.vector_load %arg6[%swap3A_944, %swap3A_945] {strides = array<i32>} : memref<51x128xi32, #tpu.memory_space<vmem>>, vector<1x16xi32>,
      %swap3A_947 = vector.shape_cast %swap3A_946 : vector<1x16xi32> to vector<16xi32>
      %swap3A_948 = vector.shape_cast %add3A_943 : vector<16xi32> to vector<1x16xi32>
      tpu.vector_store %arg6[%swap3A_944, %swap3A_945], %swap3A_948 {strides = array<i32>} : memref<51x128xi32, #tpu.memory_space<vmem>>, vector<1x16xi32>,
      %get3A_949 = arith.index_cast %mul3A_720 : i32 to index
      %get3A_950 = arith.constant 112 : index
      %get3A_951 = tpu.vector_load %arg5[%get3A_949, %get3A_950] {strides = array<i32>} : memref<51x128xi32, #tpu.memory_space<vmem>>, vector<1x16xi32>,
      %get3A_952 = vector.shape_cast %get3A_951 : vector<1x16xi32> to vector<16xi32>
      %convert_element_type3A_953 = arith.sitofp %get3A_952 : vector<16xi32> to vector<16xf32>
      %mul3A_954 = arith.constant 1.000000e-03 : f32
      %mul3A_955 = vector.broadcast %mul3A_954 : f32 to vector<16xf32>
      %mul3A_956 = arith.mulf %convert_element_type3A_953, %mul3A_955 : vector<16xf32>
      %add3A_957 = arith.constant 5.000000e-01 : f32
      %add3A_958 = vector.broadcast %add3A_957 : f32 to vector<16xf32>
      %add3A_959 = arith.addf %mul3A_956, %add3A_958 : vector<16xf32>
      %convert_element_type3A_960 = arith.fptosi %add3A_959 : vector<16xf32> to vector<16xi32>
      %mul3A_961 = arith.constant 1000 : i32
      %mul3A_962 = vector.broadcast %mul3A_961 : i32 to vector<16xi32>
      %mul3A_963 = arith.muli %convert_element_type3A_960, %mul3A_962 : vector<16xi32>
      %sub3A_964 = arith.subi %get3A_952, %mul3A_963 : vector<16xi32>
      %lt3A_965 = arith.constant 0 : i32
      %lt3A_966 = vector.broadcast %lt3A_965 : i32 to vector<16xi32>
      %lt3A_967 = arith.cmpi slt, %sub3A_964, %lt3A_966 : vector<16xi32>
      %add3A_968 = arith.constant 1000 : i32
      %add3A_969 = vector.broadcast %add3A_968 : i32 to vector<16xi32>
      %add3A_970 = arith.addi %sub3A_964, %add3A_969 : vector<16xi32>
      %select_n3A_971 = arith.select %lt3A_967, %add3A_970, %sub3A_964 : vector<16xi1>, vector<16xi32>
      %add3A_972 = arith.constant 101 : i32
      %add3A_973 = arith.addi %mul3A_724, %add3A_972 : i32
      %add3A_974 = vector.broadcast %add3A_973 : i32 to vector<16xi32>
      %add3A_975 = arith.addi %select_n3A_971, %add3A_974 : vector<16xi32>
      %swap3A_976 = arith.index_cast %mul3A_722 : i32 to index
      %swap3A_977 = arith.constant 112 : index
      %swap3A_978 = tpu.vector_load %arg6[%swap3A_976, %swap3A_977] {strides = array<i32>} : memref<51x128xi32, #tpu.memory_space<vmem>>, vector<1x16xi32>,
      %swap3A_979 = vector.shape_cast %swap3A_978 : vector<1x16xi32> to vector<16xi32>
      %swap3A_980 = vector.shape_cast %add3A_975 : vector<16xi32> to vector<1x16xi32>
      tpu.vector_store %arg6[%swap3A_976, %swap3A_977], %swap3A_980 {strides = array<i32>} : memref<51x128xi32, #tpu.memory_space<vmem>>, vector<1x16xi32>,
      %mul3A_981 = arith.constant 2 : i32
      %mul3A_982 = arith.muli %mul3A_981, %scan3A_718 : i32
      %add3A_983 = arith.constant 1 : i32
      %add3A_984 = arith.addi %mul3A_982, %add3A_983 : i32
      %mul3A_985 = arith.constant 2 : i32
      %mul3A_986 = arith.muli %mul3A_985, %scan3A_718 : i32
      %add3A_987 = arith.constant 1 : i32
      %add3A_988 = arith.addi %mul3A_986, %add3A_987 : i32
      %add3A_989 = arith.constant 26 : i32
      %add3A_990 = arith.addi %add3A_989, %scan3A_718 : i32
      %mul3A_991 = arith.constant 1104 : i32
      %mul3A_992 = arith.muli %add3A_990, %mul3A_991 : i32
      %get3A_993 = arith.index_cast %add3A_984 : i32 to index
      %get3A_994 = arith.constant 0 : index
      %get3A_995 = tpu.vector_load %arg5[%get3A_993, %get3A_994] {strides = array<i32>} : memref<51x128xi32, #tpu.memory_space<vmem>>, vector<1x16xi32>,
      %get3A_996 = vector.shape_cast %get3A_995 : vector<1x16xi32> to vector<16xi32>
      %convert_element_type3A_997 = arith.sitofp %get3A_996 : vector<16xi32> to vector<16xf32>
      %mul3A_998 = arith.constant 1.000000e-03 : f32
      %mul3A_999 = vector.broadcast %mul3A_998 : f32 to vector<16xf32>
      %mul3A_1000 = arith.mulf %convert_element_type3A_997, %mul3A_999 : vector<16xf32>
      %add3A_1001 = arith.constant 5.000000e-01 : f32
      %add3A_1002 = vector.broadcast %add3A_1001 : f32 to vector<16xf32>
      %add3A_1003 = arith.addf %mul3A_1000, %add3A_1002 : vector<16xf32>
      %convert_element_type3A_1004 = arith.fptosi %add3A_1003 : vector<16xf32> to vector<16xi32>
      %mul3A_1005 = arith.constant 1000 : i32
      %mul3A_1006 = vector.broadcast %mul3A_1005 : i32 to vector<16xi32>
      %mul3A_1007 = arith.muli %convert_element_type3A_1004, %mul3A_1006 : vector<16xi32>
      %sub3A_1008 = arith.subi %get3A_996, %mul3A_1007 : vector<16xi32>
      %lt3A_1009 = arith.constant 0 : i32
      %lt3A_1010 = vector.broadcast %lt3A_1009 : i32 to vector<16xi32>
      %lt3A_1011 = arith.cmpi slt, %sub3A_1008, %lt3A_1010 : vector<16xi32>
      %add3A_1012 = arith.constant 1000 : i32
      %add3A_1013 = vector.broadcast %add3A_1012 : i32 to vector<16xi32>
      %add3A_1014 = arith.addi %sub3A_1008, %add3A_1013 : vector<16xi32>
      %select_n3A_1015 = arith.select %lt3A_1011, %add3A_1014, %sub3A_1008 : vector<16xi1>, vector<16xi32>
      %add3A_1016 = arith.constant 101 : i32
      %add3A_1017 = arith.addi %mul3A_992, %add3A_1016 : i32
      %add3A_1018 = vector.broadcast %add3A_1017 : i32 to vector<16xi32>
      %add3A_1019 = arith.addi %select_n3A_1015, %add3A_1018 : vector<16xi32>
      %swap3A_1020 = arith.index_cast %add3A_988 : i32 to index
      %swap3A_1021 = arith.constant 0 : index
      %swap3A_1022 = tpu.vector_load %arg6[%swap3A_1020, %swap3A_1021] {strides = array<i32>} : memref<51x128xi32, #tpu.memory_space<vmem>>, vector<1x16xi32>,
      %swap3A_1023 = vector.shape_cast %swap3A_1022 : vector<1x16xi32> to vector<16xi32>
      %swap3A_1024 = vector.shape_cast %add3A_1019 : vector<16xi32> to vector<1x16xi32>
      tpu.vector_store %arg6[%swap3A_1020, %swap3A_1021], %swap3A_1024 {strides = array<i32>} : memref<51x128xi32, #tpu.memory_space<vmem>>, vector<1x16xi32>,
      %get3A_1025 = arith.index_cast %add3A_984 : i32 to index
      %get3A_1026 = arith.constant 16 : index
      %get3A_1027 = tpu.vector_load %arg5[%get3A_1025, %get3A_1026] {strides = array<i32>} : memref<51x128xi32, #tpu.memory_space<vmem>>, vector<1x16xi32>,
      %get3A_1028 = vector.shape_cast %get3A_1027 : vector<1x16xi32> to vector<16xi32>
      %convert_element_type3A_1029 = arith.sitofp %get3A_1028 : vector<16xi32> to vector<16xf32>
      %mul3A_1030 = arith.constant 1.000000e-03 : f32
      %mul3A_1031 = vector.broadcast %mul3A_1030 : f32 to vector<16xf32>
      %mul3A_1032 = arith.mulf %convert_element_type3A_1029, %mul3A_1031 : vector<16xf32>
      %add3A_1033 = arith.constant 5.000000e-01 : f32
      %add3A_1034 = vector.broadcast %add3A_1033 : f32 to vector<16xf32>
      %add3A_1035 = arith.addf %mul3A_1032, %add3A_1034 : vector<16xf32>
      %convert_element_type3A_1036 = arith.fptosi %add3A_1035 : vector<16xf32> to vector<16xi32>
      %mul3A_1037 = arith.constant 1000 : i32
      %mul3A_1038 = vector.broadcast %mul3A_1037 : i32 to vector<16xi32>
      %mul3A_1039 = arith.muli %convert_element_type3A_1036, %mul3A_1038 : vector<16xi32>
      %sub3A_1040 = arith.subi %get3A_1028, %mul3A_1039 : vector<16xi32>
      %lt3A_1041 = arith.constant 0 : i32
      %lt3A_1042 = vector.broadcast %lt3A_1041 : i32 to vector<16xi32>
      %lt3A_1043 = arith.cmpi slt, %sub3A_1040, %lt3A_1042 : vector<16xi32>
      %add3A_1044 = arith.constant 1000 : i32
      %add3A_1045 = vector.broadcast %add3A_1044 : i32 to vector<16xi32>
      %add3A_1046 = arith.addi %sub3A_1040, %add3A_1045 : vector<16xi32>
      %select_n3A_1047 = arith.select %lt3A_1043, %add3A_1046, %sub3A_1040 : vector<16xi1>, vector<16xi32>
      %add3A_1048 = arith.constant 101 : i32
      %add3A_1049 = arith.addi %mul3A_992, %add3A_1048 : i32
      %add3A_1050 = vector.broadcast %add3A_1049 : i32 to vector<16xi32>
      %add3A_1051 = arith.addi %select_n3A_1047, %add3A_1050 : vector<16xi32>
      %swap3A_1052 = arith.index_cast %add3A_988 : i32 to index
      %swap3A_1053 = arith.constant 16 : index
      %swap3A_1054 = tpu.vector_load %arg6[%swap3A_1052, %swap3A_1053] {strides = array<i32>} : memref<51x128xi32, #tpu.memory_space<vmem>>, vector<1x16xi32>,
      %swap3A_1055 = vector.shape_cast %swap3A_1054 : vector<1x16xi32> to vector<16xi32>
      %swap3A_1056 = vector.shape_cast %add3A_1051 : vector<16xi32> to vector<1x16xi32>
      tpu.vector_store %arg6[%swap3A_1052, %swap3A_1053], %swap3A_1056 {strides = array<i32>} : memref<51x128xi32, #tpu.memory_space<vmem>>, vector<1x16xi32>,
      %get3A_1057 = arith.index_cast %add3A_984 : i32 to index
      %get3A_1058 = arith.constant 32 : index
      %get3A_1059 = tpu.vector_load %arg5[%get3A_1057, %get3A_1058] {strides = array<i32>} : memref<51x128xi32, #tpu.memory_space<vmem>>, vector<1x16xi32>,
      %get3A_1060 = vector.shape_cast %get3A_1059 : vector<1x16xi32> to vector<16xi32>
      %convert_element_type3A_1061 = arith.sitofp %get3A_1060 : vector<16xi32> to vector<16xf32>
      %mul3A_1062 = arith.constant 1.000000e-03 : f32
      %mul3A_1063 = vector.broadcast %mul3A_1062 : f32 to vector<16xf32>
      %mul3A_1064 = arith.mulf %convert_element_type3A_1061, %mul3A_1063 : vector<16xf32>
      %add3A_1065 = arith.constant 5.000000e-01 : f32
      %add3A_1066 = vector.broadcast %add3A_1065 : f32 to vector<16xf32>
      %add3A_1067 = arith.addf %mul3A_1064, %add3A_1066 : vector<16xf32>
      %convert_element_type3A_1068 = arith.fptosi %add3A_1067 : vector<16xf32> to vector<16xi32>
      %mul3A_1069 = arith.constant 1000 : i32
      %mul3A_1070 = vector.broadcast %mul3A_1069 : i32 to vector<16xi32>
      %mul3A_1071 = arith.muli %convert_element_type3A_1068, %mul3A_1070 : vector<16xi32>
      %sub3A_1072 = arith.subi %get3A_1060, %mul3A_1071 : vector<16xi32>
      %lt3A_1073 = arith.constant 0 : i32
      %lt3A_1074 = vector.broadcast %lt3A_1073 : i32 to vector<16xi32>
      %lt3A_1075 = arith.cmpi slt, %sub3A_1072, %lt3A_1074 : vector<16xi32>
      %add3A_1076 = arith.constant 1000 : i32
      %add3A_1077 = vector.broadcast %add3A_1076 : i32 to vector<16xi32>
      %add3A_1078 = arith.addi %sub3A_1072, %add3A_1077 : vector<16xi32>
      %select_n3A_1079 = arith.select %lt3A_1075, %add3A_1078, %sub3A_1072 : vector<16xi1>, vector<16xi32>
      %add3A_1080 = arith.constant 101 : i32
      %add3A_1081 = arith.addi %mul3A_992, %add3A_1080 : i32
      %add3A_1082 = vector.broadcast %add3A_1081 : i32 to vector<16xi32>
      %add3A_1083 = arith.addi %select_n3A_1079, %add3A_1082 : vector<16xi32>
      %swap3A_1084 = arith.index_cast %add3A_988 : i32 to index
      %swap3A_1085 = arith.constant 32 : index
      %swap3A_1086 = tpu.vector_load %arg6[%swap3A_1084, %swap3A_1085] {strides = array<i32>} : memref<51x128xi32, #tpu.memory_space<vmem>>, vector<1x16xi32>,
      %swap3A_1087 = vector.shape_cast %swap3A_1086 : vector<1x16xi32> to vector<16xi32>
      %swap3A_1088 = vector.shape_cast %add3A_1083 : vector<16xi32> to vector<1x16xi32>
      tpu.vector_store %arg6[%swap3A_1084, %swap3A_1085], %swap3A_1088 {strides = array<i32>} : memref<51x128xi32, #tpu.memory_space<vmem>>, vector<1x16xi32>,
      %get3A_1089 = arith.index_cast %add3A_984 : i32 to index
      %get3A_1090 = arith.constant 48 : index
      %get3A_1091 = tpu.vector_load %arg5[%get3A_1089, %get3A_1090] {strides = array<i32>} : memref<51x128xi32, #tpu.memory_space<vmem>>, vector<1x16xi32>,
      %get3A_1092 = vector.shape_cast %get3A_1091 : vector<1x16xi32> to vector<16xi32>
      %convert_element_type3A_1093 = arith.sitofp %get3A_1092 : vector<16xi32> to vector<16xf32>
      %mul3A_1094 = arith.constant 1.000000e-03 : f32
      %mul3A_1095 = vector.broadcast %mul3A_1094 : f32 to vector<16xf32>
      %mul3A_1096 = arith.mulf %convert_element_type3A_1093, %mul3A_1095 : vector<16xf32>
      %add3A_1097 = arith.constant 5.000000e-01 : f32
      %add3A_1098 = vector.broadcast %add3A_1097 : f32 to vector<16xf32>
      %add3A_1099 = arith.addf %mul3A_1096, %add3A_1098 : vector<16xf32>
      %convert_element_type3A_1100 = arith.fptosi %add3A_1099 : vector<16xf32> to vector<16xi32>
      %mul3A_1101 = arith.constant 1000 : i32
      %mul3A_1102 = vector.broadcast %mul3A_1101 : i32 to vector<16xi32>
      %mul3A_1103 = arith.muli %convert_element_type3A_1100, %mul3A_1102 : vector<16xi32>
      %sub3A_1104 = arith.subi %get3A_1092, %mul3A_1103 : vector<16xi32>
      %lt3A_1105 = arith.constant 0 : i32
      %lt3A_1106 = vector.broadcast %lt3A_1105 : i32 to vector<16xi32>
      %lt3A_1107 = arith.cmpi slt, %sub3A_1104, %lt3A_1106 : vector<16xi32>
      %add3A_1108 = arith.constant 1000 : i32
      %add3A_1109 = vector.broadcast %add3A_1108 : i32 to vector<16xi32>
      %add3A_1110 = arith.addi %sub3A_1104, %add3A_1109 : vector<16xi32>
      %select_n3A_1111 = arith.select %lt3A_1107, %add3A_1110, %sub3A_1104 : vector<16xi1>, vector<16xi32>
      %add3A_1112 = arith.constant 101 : i32
      %add3A_1113 = arith.addi %mul3A_992, %add3A_1112 : i32
      %add3A_1114 = vector.broadcast %add3A_1113 : i32 to vector<16xi32>
      %add3A_1115 = arith.addi %select_n3A_1111, %add3A_1114 : vector<16xi32>
      %swap3A_1116 = arith.index_cast %add3A_988 : i32 to index
      %swap3A_1117 = arith.constant 48 : index
      %swap3A_1118 = tpu.vector_load %arg6[%swap3A_1116, %swap3A_1117] {strides = array<i32>} : memref<51x128xi32, #tpu.memory_space<vmem>>, vector<1x16xi32>,
      %swap3A_1119 = vector.shape_cast %swap3A_1118 : vector<1x16xi32> to vector<16xi32>
      %swap3A_1120 = vector.shape_cast %add3A_1115 : vector<16xi32> to vector<1x16xi32>
      tpu.vector_store %arg6[%swap3A_1116, %swap3A_1117], %swap3A_1120 {strides = array<i32>} : memref<51x128xi32, #tpu.memory_space<vmem>>, vector<1x16xi32>,
      %get3A_1121 = arith.index_cast %add3A_984 : i32 to index
      %get3A_1122 = arith.constant 64 : index
      %get3A_1123 = tpu.vector_load %arg5[%get3A_1121, %get3A_1122] {strides = array<i32>} : memref<51x128xi32, #tpu.memory_space<vmem>>, vector<1x16xi32>,
      %get3A_1124 = vector.shape_cast %get3A_1123 : vector<1x16xi32> to vector<16xi32>
      %convert_element_type3A_1125 = arith.sitofp %get3A_1124 : vector<16xi32> to vector<16xf32>
      %mul3A_1126 = arith.constant 1.000000e-03 : f32
      %mul3A_1127 = vector.broadcast %mul3A_1126 : f32 to vector<16xf32>
      %mul3A_1128 = arith.mulf %convert_element_type3A_1125, %mul3A_1127 : vector<16xf32>
      %add3A_1129 = arith.constant 5.000000e-01 : f32
      %add3A_1130 = vector.broadcast %add3A_1129 : f32 to vector<16xf32>
      %add3A_1131 = arith.addf %mul3A_1128, %add3A_1130 : vector<16xf32>
      %convert_element_type3A_1132 = arith.fptosi %add3A_1131 : vector<16xf32> to vector<16xi32>
      %mul3A_1133 = arith.constant 1000 : i32
      %mul3A_1134 = vector.broadcast %mul3A_1133 : i32 to vector<16xi32>
      %mul3A_1135 = arith.muli %convert_element_type3A_1132, %mul3A_1134 : vector<16xi32>
      %sub3A_1136 = arith.subi %get3A_1124, %mul3A_1135 : vector<16xi32>
      %lt3A_1137 = arith.constant 0 : i32
      %lt3A_1138 = vector.broadcast %lt3A_1137 : i32 to vector<16xi32>
      %lt3A_1139 = arith.cmpi slt, %sub3A_1136, %lt3A_1138 : vector<16xi32>
      %add3A_1140 = arith.constant 1000 : i32
      %add3A_1141 = vector.broadcast %add3A_1140 : i32 to vector<16xi32>
      %add3A_1142 = arith.addi %sub3A_1136, %add3A_1141 : vector<16xi32>
      %select_n3A_1143 = arith.select %lt3A_1139, %add3A_1142, %sub3A_1136 : vector<16xi1>, vector<16xi32>
      %add3A_1144 = arith.constant 101 : i32
      %add3A_1145 = arith.addi %mul3A_992, %add3A_1144 : i32
      %add3A_1146 = vector.broadcast %add3A_1145 : i32 to vector<16xi32>
      %add3A_1147 = arith.addi %select_n3A_1143, %add3A_1146 : vector<16xi32>
      %swap3A_1148 = arith.index_cast %add3A_988 : i32 to index
      %swap3A_1149 = arith.constant 64 : index
      %swap3A_1150 = tpu.vector_load %arg6[%swap3A_1148, %swap3A_1149] {strides = array<i32>} : memref<51x128xi32, #tpu.memory_space<vmem>>, vector<1x16xi32>,
      %swap3A_1151 = vector.shape_cast %swap3A_1150 : vector<1x16xi32> to vector<16xi32>
      %swap3A_1152 = vector.shape_cast %add3A_1147 : vector<16xi32> to vector<1x16xi32>
      tpu.vector_store %arg6[%swap3A_1148, %swap3A_1149], %swap3A_1152 {strides = array<i32>} : memref<51x128xi32, #tpu.memory_space<vmem>>, vector<1x16xi32>,
      %get3A_1153 = arith.index_cast %add3A_984 : i32 to index
      %get3A_1154 = arith.constant 80 : index
      %get3A_1155 = tpu.vector_load %arg5[%get3A_1153, %get3A_1154] {strides = array<i32>} : memref<51x128xi32, #tpu.memory_space<vmem>>, vector<1x16xi32>,
      %get3A_1156 = vector.shape_cast %get3A_1155 : vector<1x16xi32> to vector<16xi32>
      %convert_element_type3A_1157 = arith.sitofp %get3A_1156 : vector<16xi32> to vector<16xf32>
      %mul3A_1158 = arith.constant 1.000000e-03 : f32
      %mul3A_1159 = vector.broadcast %mul3A_1158 : f32 to vector<16xf32>
      %mul3A_1160 = arith.mulf %convert_element_type3A_1157, %mul3A_1159 : vector<16xf32>
      %add3A_1161 = arith.constant 5.000000e-01 : f32
      %add3A_1162 = vector.broadcast %add3A_1161 : f32 to vector<16xf32>
      %add3A_1163 = arith.addf %mul3A_1160, %add3A_1162 : vector<16xf32>
      %convert_element_type3A_1164 = arith.fptosi %add3A_1163 : vector<16xf32> to vector<16xi32>
      %mul3A_1165 = arith.constant 1000 : i32
      %mul3A_1166 = vector.broadcast %mul3A_1165 : i32 to vector<16xi32>
      %mul3A_1167 = arith.muli %convert_element_type3A_1164, %mul3A_1166 : vector<16xi32>
      %sub3A_1168 = arith.subi %get3A_1156, %mul3A_1167 : vector<16xi32>
      %lt3A_1169 = arith.constant 0 : i32
      %lt3A_1170 = vector.broadcast %lt3A_1169 : i32 to vector<16xi32>
      %lt3A_1171 = arith.cmpi slt, %sub3A_1168, %lt3A_1170 : vector<16xi32>
      %add3A_1172 = arith.constant 1000 : i32
      %add3A_1173 = vector.broadcast %add3A_1172 : i32 to vector<16xi32>
      %add3A_1174 = arith.addi %sub3A_1168, %add3A_1173 : vector<16xi32>
      %select_n3A_1175 = arith.select %lt3A_1171, %add3A_1174, %sub3A_1168 : vector<16xi1>, vector<16xi32>
      %add3A_1176 = arith.constant 101 : i32
      %add3A_1177 = arith.addi %mul3A_992, %add3A_1176 : i32
      %add3A_1178 = vector.broadcast %add3A_1177 : i32 to vector<16xi32>
      %add3A_1179 = arith.addi %select_n3A_1175, %add3A_1178 : vector<16xi32>
      %swap3A_1180 = arith.index_cast %add3A_988 : i32 to index
      %swap3A_1181 = arith.constant 80 : index
      %swap3A_1182 = tpu.vector_load %arg6[%swap3A_1180, %swap3A_1181] {strides = array<i32>} : memref<51x128xi32, #tpu.memory_space<vmem>>, vector<1x16xi32>,
      %swap3A_1183 = vector.shape_cast %swap3A_1182 : vector<1x16xi32> to vector<16xi32>
      %swap3A_1184 = vector.shape_cast %add3A_1179 : vector<16xi32> to vector<1x16xi32>
      tpu.vector_store %arg6[%swap3A_1180, %swap3A_1181], %swap3A_1184 {strides = array<i32>} : memref<51x128xi32, #tpu.memory_space<vmem>>, vector<1x16xi32>,
      %get3A_1185 = arith.index_cast %add3A_984 : i32 to index
      %get3A_1186 = arith.constant 96 : index
      %get3A_1187 = tpu.vector_load %arg5[%get3A_1185, %get3A_1186] {strides = array<i32>} : memref<51x128xi32, #tpu.memory_space<vmem>>, vector<1x16xi32>,
      %get3A_1188 = vector.shape_cast %get3A_1187 : vector<1x16xi32> to vector<16xi32>
      %convert_element_type3A_1189 = arith.sitofp %get3A_1188 : vector<16xi32> to vector<16xf32>
      %mul3A_1190 = arith.constant 1.000000e-03 : f32
      %mul3A_1191 = vector.broadcast %mul3A_1190 : f32 to vector<16xf32>
      %mul3A_1192 = arith.mulf %convert_element_type3A_1189, %mul3A_1191 : vector<16xf32>
      %add3A_1193 = arith.constant 5.000000e-01 : f32
      %add3A_1194 = vector.broadcast %add3A_1193 : f32 to vector<16xf32>
      %add3A_1195 = arith.addf %mul3A_1192, %add3A_1194 : vector<16xf32>
      %convert_element_type3A_1196 = arith.fptosi %add3A_1195 : vector<16xf32> to vector<16xi32>
      %mul3A_1197 = arith.constant 1000 : i32
      %mul3A_1198 = vector.broadcast %mul3A_1197 : i32 to vector<16xi32>
      %mul3A_1199 = arith.muli %convert_element_type3A_1196, %mul3A_1198 : vector<16xi32>
      %sub3A_1200 = arith.subi %get3A_1188, %mul3A_1199 : vector<16xi32>
      %lt3A_1201 = arith.constant 0 : i32
      %lt3A_1202 = vector.broadcast %lt3A_1201 : i32 to vector<16xi32>
      %lt3A_1203 = arith.cmpi slt, %sub3A_1200, %lt3A_1202 : vector<16xi32>
      %add3A_1204 = arith.constant 1000 : i32
      %add3A_1205 = vector.broadcast %add3A_1204 : i32 to vector<16xi32>
      %add3A_1206 = arith.addi %sub3A_1200, %add3A_1205 : vector<16xi32>
      %select_n3A_1207 = arith.select %lt3A_1203, %add3A_1206, %sub3A_1200 : vector<16xi1>, vector<16xi32>
      %add3A_1208 = arith.constant 101 : i32
      %add3A_1209 = arith.addi %mul3A_992, %add3A_1208 : i32
      %add3A_1210 = vector.broadcast %add3A_1209 : i32 to vector<16xi32>
      %add3A_1211 = arith.addi %select_n3A_1207, %add3A_1210 : vector<16xi32>
      %swap3A_1212 = arith.index_cast %add3A_988 : i32 to index
      %swap3A_1213 = arith.constant 96 : index
      %swap3A_1214 = tpu.vector_load %arg6[%swap3A_1212, %swap3A_1213] {strides = array<i32>} : memref<51x128xi32, #tpu.memory_space<vmem>>, vector<1x16xi32>,
      %swap3A_1215 = vector.shape_cast %swap3A_1214 : vector<1x16xi32> to vector<16xi32>
      %swap3A_1216 = vector.shape_cast %add3A_1211 : vector<16xi32> to vector<1x16xi32>
      tpu.vector_store %arg6[%swap3A_1212, %swap3A_1213], %swap3A_1216 {strides = array<i32>} : memref<51x128xi32, #tpu.memory_space<vmem>>, vector<1x16xi32>,
      %get3A_1217 = arith.index_cast %add3A_984 : i32 to index
      %get3A_1218 = arith.constant 112 : index
      %get3A_1219 = tpu.vector_load %arg5[%get3A_1217, %get3A_1218] {strides = array<i32>} : memref<51x128xi32, #tpu.memory_space<vmem>>, vector<1x16xi32>,
      %get3A_1220 = vector.shape_cast %get3A_1219 : vector<1x16xi32> to vector<16xi32>
      %convert_element_type3A_1221 = arith.sitofp %get3A_1220 : vector<16xi32> to vector<16xf32>
      %mul3A_1222 = arith.constant 1.000000e-03 : f32
      %mul3A_1223 = vector.broadcast %mul3A_1222 : f32 to vector<16xf32>
      %mul3A_1224 = arith.mulf %convert_element_type3A_1221, %mul3A_1223 : vector<16xf32>
      %add3A_1225 = arith.constant 5.000000e-01 : f32
      %add3A_1226 = vector.broadcast %add3A_1225 : f32 to vector<16xf32>
      %add3A_1227 = arith.addf %mul3A_1224, %add3A_1226 : vector<16xf32>
      %convert_element_type3A_1228 = arith.fptosi %add3A_1227 : vector<16xf32> to vector<16xi32>
      %mul3A_1229 = arith.constant 1000 : i32
      %mul3A_1230 = vector.broadcast %mul3A_1229 : i32 to vector<16xi32>
      %mul3A_1231 = arith.muli %convert_element_type3A_1228, %mul3A_1230 : vector<16xi32>
      %sub3A_1232 = arith.subi %get3A_1220, %mul3A_1231 : vector<16xi32>
      %lt3A_1233 = arith.constant 0 : i32
      %lt3A_1234 = vector.broadcast %lt3A_1233 : i32 to vector<16xi32>
      %lt3A_1235 = arith.cmpi slt, %sub3A_1232, %lt3A_1234 : vector<16xi32>
      %add3A_1236 = arith.constant 1000 : i32
      %add3A_1237 = vector.broadcast %add3A_1236 : i32 to vector<16xi32>
      %add3A_1238 = arith.addi %sub3A_1232, %add3A_1237 : vector<16xi32>
      %select_n3A_1239 = arith.select %lt3A_1235, %add3A_1238, %sub3A_1232 : vector<16xi1>, vector<16xi32>
      %add3A_1240 = arith.constant 101 : i32
      %add3A_1241 = arith.addi %mul3A_992, %add3A_1240 : i32
      %add3A_1242 = vector.broadcast %add3A_1241 : i32 to vector<16xi32>
      %add3A_1243 = arith.addi %select_n3A_1239, %add3A_1242 : vector<16xi32>
      %swap3A_1244 = arith.index_cast %add3A_988 : i32 to index
      %swap3A_1245 = arith.constant 112 : index
      %swap3A_1246 = tpu.vector_load %arg6[%swap3A_1244, %swap3A_1245] {strides = array<i32>} : memref<51x128xi32, #tpu.memory_space<vmem>>, vector<1x16xi32>,
      %swap3A_1247 = vector.shape_cast %swap3A_1246 : vector<1x16xi32> to vector<16xi32>
      %swap3A_1248 = vector.shape_cast %add3A_1243 : vector<16xi32> to vector<1x16xi32>
      tpu.vector_store %arg6[%swap3A_1244, %swap3A_1245], %swap3A_1248 {strides = array<i32>} : memref<51x128xi32, #tpu.memory_space<vmem>>, vector<1x16xi32>,
    }
    %scan3A_7 = arith.constant 25 : i32
    %get3A = arith.constant 50 : i32
    %get3A_8 = arith.index_cast %get3A : i32 to index
    %get3A_9 = arith.constant 0 : index
    %get3A_10 = tpu.vector_load %arg5[%get3A_8, %get3A_9] {strides = array<i32>} : memref<51x128xi32, #tpu.memory_space<vmem>>, vector<1x16xi32>,
    %get3A_11 = vector.shape_cast %get3A_10 : vector<1x16xi32> to vector<16xi32>
    %convert_element_type3A = arith.sitofp %get3A_11 : vector<16xi32> to vector<16xf32>
    %mul3A_12 = arith.constant 1.000000e-03 : f32
    %mul3A_13 = vector.broadcast %mul3A_12 : f32 to vector<16xf32>
    %mul3A_14 = arith.mulf %convert_element_type3A, %mul3A_13 : vector<16xf32>
    %add3A_15 = arith.constant 5.000000e-01 : f32
    %add3A_16 = vector.broadcast %add3A_15 : f32 to vector<16xf32>
    %add3A_17 = arith.addf %mul3A_14, %add3A_16 : vector<16xf32>
    %convert_element_type3A_18 = arith.fptosi %add3A_17 : vector<16xf32> to vector<16xi32>
    %mul3A_19 = arith.constant 1000 : i32
    %mul3A_20 = vector.broadcast %mul3A_19 : i32 to vector<16xi32>
    %mul3A_21 = arith.muli %convert_element_type3A_18, %mul3A_20 : vector<16xi32>
    %sub3A = arith.subi %get3A_11, %mul3A_21 : vector<16xi32>
    %lt3A = arith.constant 0 : i32
    %lt3A_22 = vector.broadcast %lt3A : i32 to vector<16xi32>
    %lt3A_23 = arith.cmpi slt, %sub3A, %lt3A_22 : vector<16xi32>
    %add3A_24 = arith.constant 1000 : i32
    %add3A_25 = vector.broadcast %add3A_24 : i32 to vector<16xi32>
    %add3A_26 = arith.addi %sub3A, %add3A_25 : vector<16xi32>
    %select_n3A = arith.select %lt3A_23, %add3A_26, %sub3A : vector<16xi1>, vector<16xi32>
    %add3A_27 = arith.constant 27701 : i32
    %add3A_28 = vector.broadcast %add3A_27 : i32 to vector<16xi32>
    %add3A_29 = arith.addi %select_n3A, %add3A_28 : vector<16xi32>
    %swap3A = arith.constant 50 : i32
    %swap3A_30 = arith.index_cast %swap3A : i32 to index
    %swap3A_31 = arith.constant 0 : index
    %swap3A_32 = tpu.vector_load %arg6[%swap3A_30, %swap3A_31] {strides = array<i32>} : memref<51x128xi32, #tpu.memory_space<vmem>>, vector<1x16xi32>,
    %swap3A_33 = vector.shape_cast %swap3A_32 : vector<1x16xi32> to vector<16xi32>
    %swap3A_34 = vector.shape_cast %add3A_29 : vector<16xi32> to vector<1x16xi32>
    tpu.vector_store %arg6[%swap3A_30, %swap3A_31], %swap3A_34 {strides = array<i32>} : memref<51x128xi32, #tpu.memory_space<vmem>>, vector<1x16xi32>,
    %get3A_35 = arith.constant 50 : i32
    %get3A_36 = arith.index_cast %get3A_35 : i32 to index
    %get3A_37 = arith.constant 16 : index
    %get3A_38 = tpu.vector_load %arg5[%get3A_36, %get3A_37] {strides = array<i32>} : memref<51x128xi32, #tpu.memory_space<vmem>>, vector<1x16xi32>,
    %get3A_39 = vector.shape_cast %get3A_38 : vector<1x16xi32> to vector<16xi32>
    %convert_element_type3A_40 = arith.sitofp %get3A_39 : vector<16xi32> to vector<16xf32>
    %mul3A_41 = arith.constant 1.000000e-03 : f32
    %mul3A_42 = vector.broadcast %mul3A_41 : f32 to vector<16xf32>
    %mul3A_43 = arith.mulf %convert_element_type3A_40, %mul3A_42 : vector<16xf32>
    %add3A_44 = arith.constant 5.000000e-01 : f32
    %add3A_45 = vector.broadcast %add3A_44 : f32 to vector<16xf32>
    %add3A_46 = arith.addf %mul3A_43, %add3A_45 : vector<16xf32>
    %convert_element_type3A_47 = arith.fptosi %add3A_46 : vector<16xf32> to vector<16xi32>
    %mul3A_48 = arith.constant 1000 : i32
    %mul3A_49 = vector.broadcast %mul3A_48 : i32 to vector<16xi32>
    %mul3A_50 = arith.muli %convert_element_type3A_47, %mul3A_49 : vector<16xi32>
    %sub3A_51 = arith.subi %get3A_39, %mul3A_50 : vector<16xi32>
    %lt3A_52 = arith.constant 0 : i32
    %lt3A_53 = vector.broadcast %lt3A_52 : i32 to vector<16xi32>
    %lt3A_54 = arith.cmpi slt, %sub3A_51, %lt3A_53 : vector<16xi32>
    %add3A_55 = arith.constant 1000 : i32
    %add3A_56 = vector.broadcast %add3A_55 : i32 to vector<16xi32>
    %add3A_57 = arith.addi %sub3A_51, %add3A_56 : vector<16xi32>
    %select_n3A_58 = arith.select %lt3A_54, %add3A_57, %sub3A_51 : vector<16xi1>, vector<16xi32>
    %add3A_59 = arith.constant 27701 : i32
    %add3A_60 = vector.broadcast %add3A_59 : i32 to vector<16xi32>
    %add3A_61 = arith.addi %select_n3A_58, %add3A_60 : vector<16xi32>
    %swap3A_62 = arith.constant 50 : i32
    %swap3A_63 = arith.index_cast %swap3A_62 : i32 to index
    %swap3A_64 = arith.constant 16 : index
    %swap3A_65 = tpu.vector_load %arg6[%swap3A_63, %swap3A_64] {strides = array<i32>} : memref<51x128xi32, #tpu.memory_space<vmem>>, vector<1x16xi32>,
    %swap3A_66 = vector.shape_cast %swap3A_65 : vector<1x16xi32> to vector<16xi32>
    %swap3A_67 = vector.shape_cast %add3A_61 : vector<16xi32> to vector<1x16xi32>
    tpu.vector_store %arg6[%swap3A_63, %swap3A_64], %swap3A_67 {strides = array<i32>} : memref<51x128xi32, #tpu.memory_space<vmem>>, vector<1x16xi32>,
    %get3A_68 = arith.constant 50 : i32
    %get3A_69 = arith.index_cast %get3A_68 : i32 to index
    %get3A_70 = arith.constant 32 : index
    %get3A_71 = tpu.vector_load %arg5[%get3A_69, %get3A_70] {strides = array<i32>} : memref<51x128xi32, #tpu.memory_space<vmem>>, vector<1x16xi32>,
    %get3A_72 = vector.shape_cast %get3A_71 : vector<1x16xi32> to vector<16xi32>
    %convert_element_type3A_73 = arith.sitofp %get3A_72 : vector<16xi32> to vector<16xf32>
    %mul3A_74 = arith.constant 1.000000e-03 : f32
    %mul3A_75 = vector.broadcast %mul3A_74 : f32 to vector<16xf32>
    %mul3A_76 = arith.mulf %convert_element_type3A_73, %mul3A_75 : vector<16xf32>
    %add3A_77 = arith.constant 5.000000e-01 : f32
    %add3A_78 = vector.broadcast %add3A_77 : f32 to vector<16xf32>
    %add3A_79 = arith.addf %mul3A_76, %add3A_78 : vector<16xf32>
    %convert_element_type3A_80 = arith.fptosi %add3A_79 : vector<16xf32> to vector<16xi32>
    %mul3A_81 = arith.constant 1000 : i32
    %mul3A_82 = vector.broadcast %mul3A_81 : i32 to vector<16xi32>
    %mul3A_83 = arith.muli %convert_element_type3A_80, %mul3A_82 : vector<16xi32>
    %sub3A_84 = arith.subi %get3A_72, %mul3A_83 : vector<16xi32>
    %lt3A_85 = arith.constant 0 : i32
    %lt3A_86 = vector.broadcast %lt3A_85 : i32 to vector<16xi32>
    %lt3A_87 = arith.cmpi slt, %sub3A_84, %lt3A_86 : vector<16xi32>
    %add3A_88 = arith.constant 1000 : i32
    %add3A_89 = vector.broadcast %add3A_88 : i32 to vector<16xi32>
    %add3A_90 = arith.addi %sub3A_84, %add3A_89 : vector<16xi32>
    %select_n3A_91 = arith.select %lt3A_87, %add3A_90, %sub3A_84 : vector<16xi1>, vector<16xi32>
    %add3A_92 = arith.constant 27701 : i32
    %add3A_93 = vector.broadcast %add3A_92 : i32 to vector<16xi32>
    %add3A_94 = arith.addi %select_n3A_91, %add3A_93 : vector<16xi32>
    %swap3A_95 = arith.constant 50 : i32
    %swap3A_96 = arith.index_cast %swap3A_95 : i32 to index
    %swap3A_97 = arith.constant 32 : index
    %swap3A_98 = tpu.vector_load %arg6[%swap3A_96, %swap3A_97] {strides = array<i32>} : memref<51x128xi32, #tpu.memory_space<vmem>>, vector<1x16xi32>,
    %swap3A_99 = vector.shape_cast %swap3A_98 : vector<1x16xi32> to vector<16xi32>
    %swap3A_100 = vector.shape_cast %add3A_94 : vector<16xi32> to vector<1x16xi32>
    tpu.vector_store %arg6[%swap3A_96, %swap3A_97], %swap3A_100 {strides = array<i32>} : memref<51x128xi32, #tpu.memory_space<vmem>>, vector<1x16xi32>,
    %get3A_101 = arith.constant 50 : i32
    %get3A_102 = arith.index_cast %get3A_101 : i32 to index
    %get3A_103 = arith.constant 48 : index
    %get3A_104 = tpu.vector_load %arg5[%get3A_102, %get3A_103] {strides = array<i32>} : memref<51x128xi32, #tpu.memory_space<vmem>>, vector<1x16xi32>,
    %get3A_105 = vector.shape_cast %get3A_104 : vector<1x16xi32> to vector<16xi32>
    %convert_element_type3A_106 = arith.sitofp %get3A_105 : vector<16xi32> to vector<16xf32>
    %mul3A_107 = arith.constant 1.000000e-03 : f32
    %mul3A_108 = vector.broadcast %mul3A_107 : f32 to vector<16xf32>
    %mul3A_109 = arith.mulf %convert_element_type3A_106, %mul3A_108 : vector<16xf32>
    %add3A_110 = arith.constant 5.000000e-01 : f32
    %add3A_111 = vector.broadcast %add3A_110 : f32 to vector<16xf32>
    %add3A_112 = arith.addf %mul3A_109, %add3A_111 : vector<16xf32>
    %convert_element_type3A_113 = arith.fptosi %add3A_112 : vector<16xf32> to vector<16xi32>
    %mul3A_114 = arith.constant 1000 : i32
    %mul3A_115 = vector.broadcast %mul3A_114 : i32 to vector<16xi32>
    %mul3A_116 = arith.muli %convert_element_type3A_113, %mul3A_115 : vector<16xi32>
    %sub3A_117 = arith.subi %get3A_105, %mul3A_116 : vector<16xi32>
    %lt3A_118 = arith.constant 0 : i32
    %lt3A_119 = vector.broadcast %lt3A_118 : i32 to vector<16xi32>
    %lt3A_120 = arith.cmpi slt, %sub3A_117, %lt3A_119 : vector<16xi32>
    %add3A_121 = arith.constant 1000 : i32
    %add3A_122 = vector.broadcast %add3A_121 : i32 to vector<16xi32>
    %add3A_123 = arith.addi %sub3A_117, %add3A_122 : vector<16xi32>
    %select_n3A_124 = arith.select %lt3A_120, %add3A_123, %sub3A_117 : vector<16xi1>, vector<16xi32>
    %add3A_125 = arith.constant 27701 : i32
    %add3A_126 = vector.broadcast %add3A_125 : i32 to vector<16xi32>
    %add3A_127 = arith.addi %select_n3A_124, %add3A_126 : vector<16xi32>
    %swap3A_128 = arith.constant 50 : i32
    %swap3A_129 = arith.index_cast %swap3A_128 : i32 to index
    %swap3A_130 = arith.constant 48 : index
    %swap3A_131 = tpu.vector_load %arg6[%swap3A_129, %swap3A_130] {strides = array<i32>} : memref<51x128xi32, #tpu.memory_space<vmem>>, vector<1x16xi32>,
    %swap3A_132 = vector.shape_cast %swap3A_131 : vector<1x16xi32> to vector<16xi32>
    %swap3A_133 = vector.shape_cast %add3A_127 : vector<16xi32> to vector<1x16xi32>
    tpu.vector_store %arg6[%swap3A_129, %swap3A_130], %swap3A_133 {strides = array<i32>} : memref<51x128xi32, #tpu.memory_space<vmem>>, vector<1x16xi32>,
    %get3A_134 = arith.constant 50 : i32
    %get3A_135 = arith.index_cast %get3A_134 : i32 to index
    %get3A_136 = arith.constant 64 : index
    %get3A_137 = tpu.vector_load %arg5[%get3A_135, %get3A_136] {strides = array<i32>} : memref<51x128xi32, #tpu.memory_space<vmem>>, vector<1x16xi32>,
    %get3A_138 = vector.shape_cast %get3A_137 : vector<1x16xi32> to vector<16xi32>
    %convert_element_type3A_139 = arith.sitofp %get3A_138 : vector<16xi32> to vector<16xf32>
    %mul3A_140 = arith.constant 1.000000e-03 : f32
    %mul3A_141 = vector.broadcast %mul3A_140 : f32 to vector<16xf32>
    %mul3A_142 = arith.mulf %convert_element_type3A_139, %mul3A_141 : vector<16xf32>
    %add3A_143 = arith.constant 5.000000e-01 : f32
    %add3A_144 = vector.broadcast %add3A_143 : f32 to vector<16xf32>
    %add3A_145 = arith.addf %mul3A_142, %add3A_144 : vector<16xf32>
    %convert_element_type3A_146 = arith.fptosi %add3A_145 : vector<16xf32> to vector<16xi32>
    %mul3A_147 = arith.constant 1000 : i32
    %mul3A_148 = vector.broadcast %mul3A_147 : i32 to vector<16xi32>
    %mul3A_149 = arith.muli %convert_element_type3A_146, %mul3A_148 : vector<16xi32>
    %sub3A_150 = arith.subi %get3A_138, %mul3A_149 : vector<16xi32>
    %lt3A_151 = arith.constant 0 : i32
    %lt3A_152 = vector.broadcast %lt3A_151 : i32 to vector<16xi32>
    %lt3A_153 = arith.cmpi slt, %sub3A_150, %lt3A_152 : vector<16xi32>
    %add3A_154 = arith.constant 1000 : i32
    %add3A_155 = vector.broadcast %add3A_154 : i32 to vector<16xi32>
    %add3A_156 = arith.addi %sub3A_150, %add3A_155 : vector<16xi32>
    %select_n3A_157 = arith.select %lt3A_153, %add3A_156, %sub3A_150 : vector<16xi1>, vector<16xi32>
    %add3A_158 = arith.constant 27701 : i32
    %add3A_159 = vector.broadcast %add3A_158 : i32 to vector<16xi32>
    %add3A_160 = arith.addi %select_n3A_157, %add3A_159 : vector<16xi32>
    %swap3A_161 = arith.constant 50 : i32
    %swap3A_162 = arith.index_cast %swap3A_161 : i32 to index
    %swap3A_163 = arith.constant 64 : index
    %swap3A_164 = tpu.vector_load %arg6[%swap3A_162, %swap3A_163] {strides = array<i32>} : memref<51x128xi32, #tpu.memory_space<vmem>>, vector<1x16xi32>,
    %swap3A_165 = vector.shape_cast %swap3A_164 : vector<1x16xi32> to vector<16xi32>
    %swap3A_166 = vector.shape_cast %add3A_160 : vector<16xi32> to vector<1x16xi32>
    tpu.vector_store %arg6[%swap3A_162, %swap3A_163], %swap3A_166 {strides = array<i32>} : memref<51x128xi32, #tpu.memory_space<vmem>>, vector<1x16xi32>,
    %get3A_167 = arith.constant 50 : i32
    %get3A_168 = arith.index_cast %get3A_167 : i32 to index
    %get3A_169 = arith.constant 80 : index
    %get3A_170 = tpu.vector_load %arg5[%get3A_168, %get3A_169] {strides = array<i32>} : memref<51x128xi32, #tpu.memory_space<vmem>>, vector<1x16xi32>,
    %get3A_171 = vector.shape_cast %get3A_170 : vector<1x16xi32> to vector<16xi32>
    %convert_element_type3A_172 = arith.sitofp %get3A_171 : vector<16xi32> to vector<16xf32>
    %mul3A_173 = arith.constant 1.000000e-03 : f32
    %mul3A_174 = vector.broadcast %mul3A_173 : f32 to vector<16xf32>
    %mul3A_175 = arith.mulf %convert_element_type3A_172, %mul3A_174 : vector<16xf32>
    %add3A_176 = arith.constant 5.000000e-01 : f32
    %add3A_177 = vector.broadcast %add3A_176 : f32 to vector<16xf32>
    %add3A_178 = arith.addf %mul3A_175, %add3A_177 : vector<16xf32>
    %convert_element_type3A_179 = arith.fptosi %add3A_178 : vector<16xf32> to vector<16xi32>
    %mul3A_180 = arith.constant 1000 : i32
    %mul3A_181 = vector.broadcast %mul3A_180 : i32 to vector<16xi32>
    %mul3A_182 = arith.muli %convert_element_type3A_179, %mul3A_181 : vector<16xi32>
    %sub3A_183 = arith.subi %get3A_171, %mul3A_182 : vector<16xi32>
    %lt3A_184 = arith.constant 0 : i32
    %lt3A_185 = vector.broadcast %lt3A_184 : i32 to vector<16xi32>
    %lt3A_186 = arith.cmpi slt, %sub3A_183, %lt3A_185 : vector<16xi32>
    %add3A_187 = arith.constant 1000 : i32
    %add3A_188 = vector.broadcast %add3A_187 : i32 to vector<16xi32>
    %add3A_189 = arith.addi %sub3A_183, %add3A_188 : vector<16xi32>
    %select_n3A_190 = arith.select %lt3A_186, %add3A_189, %sub3A_183 : vector<16xi1>, vector<16xi32>
    %add3A_191 = arith.constant 27701 : i32
    %add3A_192 = vector.broadcast %add3A_191 : i32 to vector<16xi32>
    %add3A_193 = arith.addi %select_n3A_190, %add3A_192 : vector<16xi32>
    %swap3A_194 = arith.constant 50 : i32
    %swap3A_195 = arith.index_cast %swap3A_194 : i32 to index
    %swap3A_196 = arith.constant 80 : index
    %swap3A_197 = tpu.vector_load %arg6[%swap3A_195, %swap3A_196] {strides = array<i32>} : memref<51x128xi32, #tpu.memory_space<vmem>>, vector<1x16xi32>,
    %swap3A_198 = vector.shape_cast %swap3A_197 : vector<1x16xi32> to vector<16xi32>
    %swap3A_199 = vector.shape_cast %add3A_193 : vector<16xi32> to vector<1x16xi32>
    tpu.vector_store %arg6[%swap3A_195, %swap3A_196], %swap3A_199 {strides = array<i32>} : memref<51x128xi32, #tpu.memory_space<vmem>>, vector<1x16xi32>,
    %get3A_200 = arith.constant 50 : i32
    %get3A_201 = arith.index_cast %get3A_200 : i32 to index
    %get3A_202 = arith.constant 96 : index
    %get3A_203 = tpu.vector_load %arg5[%get3A_201, %get3A_202] {strides = array<i32>} : memref<51x128xi32, #tpu.memory_space<vmem>>, vector<1x16xi32>,
    %get3A_204 = vector.shape_cast %get3A_203 : vector<1x16xi32> to vector<16xi32>
    %convert_element_type3A_205 = arith.sitofp %get3A_204 : vector<16xi32> to vector<16xf32>
    %mul3A_206 = arith.constant 1.000000e-03 : f32
    %mul3A_207 = vector.broadcast %mul3A_206 : f32 to vector<16xf32>
    %mul3A_208 = arith.mulf %convert_element_type3A_205, %mul3A_207 : vector<16xf32>
    %add3A_209 = arith.constant 5.000000e-01 : f32
    %add3A_210 = vector.broadcast %add3A_209 : f32 to vector<16xf32>
    %add3A_211 = arith.addf %mul3A_208, %add3A_210 : vector<16xf32>
    %convert_element_type3A_212 = arith.fptosi %add3A_211 : vector<16xf32> to vector<16xi32>
    %mul3A_213 = arith.constant 1000 : i32
    %mul3A_214 = vector.broadcast %mul3A_213 : i32 to vector<16xi32>
    %mul3A_215 = arith.muli %convert_element_type3A_212, %mul3A_214 : vector<16xi32>
    %sub3A_216 = arith.subi %get3A_204, %mul3A_215 : vector<16xi32>
    %lt3A_217 = arith.constant 0 : i32
    %lt3A_218 = vector.broadcast %lt3A_217 : i32 to vector<16xi32>
    %lt3A_219 = arith.cmpi slt, %sub3A_216, %lt3A_218 : vector<16xi32>
    %add3A_220 = arith.constant 1000 : i32
    %add3A_221 = vector.broadcast %add3A_220 : i32 to vector<16xi32>
    %add3A_222 = arith.addi %sub3A_216, %add3A_221 : vector<16xi32>
    %select_n3A_223 = arith.select %lt3A_219, %add3A_222, %sub3A_216 : vector<16xi1>, vector<16xi32>
    %add3A_224 = arith.constant 27701 : i32
    %add3A_225 = vector.broadcast %add3A_224 : i32 to vector<16xi32>
    %add3A_226 = arith.addi %select_n3A_223, %add3A_225 : vector<16xi32>
    %swap3A_227 = arith.constant 50 : i32
    %swap3A_228 = arith.index_cast %swap3A_227 : i32 to index
    %swap3A_229 = arith.constant 96 : index
    %swap3A_230 = tpu.vector_load %arg6[%swap3A_228, %swap3A_229] {strides = array<i32>} : memref<51x128xi32, #tpu.memory_space<vmem>>, vector<1x16xi32>,
    %swap3A_231 = vector.shape_cast %swap3A_230 : vector<1x16xi32> to vector<16xi32>
    %swap3A_232 = vector.shape_cast %add3A_226 : vector<16xi32> to vector<1x16xi32>
    tpu.vector_store %arg6[%swap3A_228, %swap3A_229], %swap3A_232 {strides = array<i32>} : memref<51x128xi32, #tpu.memory_space<vmem>>, vector<1x16xi32>,
    %get3A_233 = arith.constant 50 : i32
    %get3A_234 = arith.index_cast %get3A_233 : i32 to index
    %get3A_235 = arith.constant 112 : index
    %get3A_236 = tpu.vector_load %arg5[%get3A_234, %get3A_235] {strides = array<i32>} : memref<51x128xi32, #tpu.memory_space<vmem>>, vector<1x16xi32>,
    %get3A_237 = vector.shape_cast %get3A_236 : vector<1x16xi32> to vector<16xi32>
    %convert_element_type3A_238 = arith.sitofp %get3A_237 : vector<16xi32> to vector<16xf32>
    %mul3A_239 = arith.constant 1.000000e-03 : f32
    %mul3A_240 = vector.broadcast %mul3A_239 : f32 to vector<16xf32>
    %mul3A_241 = arith.mulf %convert_element_type3A_238, %mul3A_240 : vector<16xf32>
    %add3A_242 = arith.constant 5.000000e-01 : f32
    %add3A_243 = vector.broadcast %add3A_242 : f32 to vector<16xf32>
    %add3A_244 = arith.addf %mul3A_241, %add3A_243 : vector<16xf32>
    %convert_element_type3A_245 = arith.fptosi %add3A_244 : vector<16xf32> to vector<16xi32>
    %mul3A_246 = arith.constant 1000 : i32
    %mul3A_247 = vector.broadcast %mul3A_246 : i32 to vector<16xi32>
    %mul3A_248 = arith.muli %convert_element_type3A_245, %mul3A_247 : vector<16xi32>
    %sub3A_249 = arith.subi %get3A_237, %mul3A_248 : vector<16xi32>
    %lt3A_250 = arith.constant 0 : i32
    %lt3A_251 = vector.broadcast %lt3A_250 : i32 to vector<16xi32>
    %lt3A_252 = arith.cmpi slt, %sub3A_249, %lt3A_251 : vector<16xi32>
    %add3A_253 = arith.constant 1000 : i32
    %add3A_254 = vector.broadcast %add3A_253 : i32 to vector<16xi32>
    %add3A_255 = arith.addi %sub3A_249, %add3A_254 : vector<16xi32>
    %select_n3A_256 = arith.select %lt3A_252, %add3A_255, %sub3A_249 : vector<16xi1>, vector<16xi32>
    %add3A_257 = arith.constant 27701 : i32
    %add3A_258 = vector.broadcast %add3A_257 : i32 to vector<16xi32>
    %add3A_259 = arith.addi %select_n3A_256, %add3A_258 : vector<16xi32>
    %swap3A_260 = arith.constant 50 : i32
    %swap3A_261 = arith.index_cast %swap3A_260 : i32 to index
    %swap3A_262 = arith.constant 112 : index
    %swap3A_263 = tpu.vector_load %arg6[%swap3A_261, %swap3A_262] {strides = array<i32>} : memref<51x128xi32, #tpu.memory_space<vmem>>, vector<1x16xi32>,
    %swap3A_264 = vector.shape_cast %swap3A_263 : vector<1x16xi32> to vector<16xi32>
    %swap3A_265 = vector.shape_cast %add3A_259 : vector<16xi32> to vector<1x16xi32>
    tpu.vector_store %arg6[%swap3A_261, %swap3A_262], %swap3A_265 {strides = array<i32>} : memref<51x128xi32, #tpu.memory_space<vmem>>, vector<1x16xi32>,
    %dma_start3A = arith.constant 0 : i32
    %dma_start3A_266 = arith.constant 0 : i32
    %dma_start3A_267 = tpu.memref_slice %arg6[%dma_start3A, %dma_start3A_266] : memref<51x128xi32, #tpu.memory_space<vmem>> -> memref<1x128xi32, #tpu.memory_space<vmem>>
    %dma_start3A_268 = tpu.memref_squeeze %dma_start3A_267 : memref<1x128xi32, #tpu.memory_space<vmem>> -> memref<128xi32, #tpu.memory_space<vmem>>
    %dma_start3A_269 = arith.constant 0 : i32
    %dma_start3A_270 = arith.constant 0 : i32
    %dma_start3A_271 = tpu.memref_slice %arg3[%dma_start3A_269, %dma_start3A_270] : memref<56304x128xf32, #tpu.memory_space<hbm>> -> memref<56304x128xf32, #tpu.memory_space<hbm>>
    tpu.enqueue_indirect_dma source(%dma_start3A_271 : memref<56304x128xf32, #tpu.memory_space<hbm>>) target(%arg7 : memref<128x128xf32, #tpu.memory_space<vmem>>) offsets(%dma_start3A_268 : memref<128xi32, #tpu.memory_space<vmem>>) semaphore(%arg14 : memref<!tpu.dma_semaphore, #tpu.memory_space<semaphore_mem>>)
    %dma_start3A_272 = arith.constant 1 : i32
    %dma_start3A_273 = arith.constant 0 : i32
    %dma_start3A_274 = tpu.memref_slice %arg6[%dma_start3A_272, %dma_start3A_273] : memref<51x128xi32, #tpu.memory_space<vmem>> -> memref<1x128xi32, #tpu.memory_space<vmem>>
    %dma_start3A_275 = tpu.memref_squeeze %dma_start3A_274 : memref<1x128xi32, #tpu.memory_space<vmem>> -> memref<128xi32, #tpu.memory_space<vmem>>
    %dma_start3A_276 = arith.constant 0 : i32
    %dma_start3A_277 = arith.constant 0 : i32
    %dma_start3A_278 = tpu.memref_slice %arg3[%dma_start3A_276, %dma_start3A_277] : memref<56304x128xf32, #tpu.memory_space<hbm>> -> memref<56304x128xf32, #tpu.memory_space<hbm>>
    tpu.enqueue_indirect_dma source(%dma_start3A_278 : memref<56304x128xf32, #tpu.memory_space<hbm>>) target(%arg8 : memref<128x128xf32, #tpu.memory_space<vmem>>) offsets(%dma_start3A_275 : memref<128xi32, #tpu.memory_space<vmem>>) semaphore(%arg15 : memref<!tpu.dma_semaphore, #tpu.memory_space<semaphore_mem>>)
    %dma_start3A_279 = arith.constant 2 : i32
    %dma_start3A_280 = arith.constant 0 : i32
    %dma_start3A_281 = tpu.memref_slice %arg6[%dma_start3A_279, %dma_start3A_280] : memref<51x128xi32, #tpu.memory_space<vmem>> -> memref<1x128xi32, #tpu.memory_space<vmem>>
    %dma_start3A_282 = tpu.memref_squeeze %dma_start3A_281 : memref<1x128xi32, #tpu.memory_space<vmem>> -> memref<128xi32, #tpu.memory_space<vmem>>
    %dma_start3A_283 = arith.constant 0 : i32
    %dma_start3A_284 = arith.constant 0 : i32
    %dma_start3A_285 = tpu.memref_slice %arg3[%dma_start3A_283, %dma_start3A_284] : memref<56304x128xf32, #tpu.memory_space<hbm>> -> memref<56304x128xf32, #tpu.memory_space<hbm>>
    tpu.enqueue_indirect_dma source(%dma_start3A_285 : memref<56304x128xf32, #tpu.memory_space<hbm>>) target(%arg9 : memref<128x128xf32, #tpu.memory_space<vmem>>) offsets(%dma_start3A_282 : memref<128xi32, #tpu.memory_space<vmem>>) semaphore(%arg16 : memref<!tpu.dma_semaphore, #tpu.memory_space<semaphore_mem>>)
    %dma_start3A_286 = arith.constant 3 : i32
    %dma_start3A_287 = arith.constant 0 : i32
    %dma_start3A_288 = tpu.memref_slice %arg6[%dma_start3A_286, %dma_start3A_287] : memref<51x128xi32, #tpu.memory_space<vmem>> -> memref<1x128xi32, #tpu.memory_space<vmem>>
    %dma_start3A_289 = tpu.memref_squeeze %dma_start3A_288 : memref<1x128xi32, #tpu.memory_space<vmem>> -> memref<128xi32, #tpu.memory_space<vmem>>
    %dma_start3A_290 = arith.constant 0 : i32
    %dma_start3A_291 = arith.constant 0 : i32
    %dma_start3A_292 = tpu.memref_slice %arg3[%dma_start3A_290, %dma_start3A_291] : memref<56304x128xf32, #tpu.memory_space<hbm>> -> memref<56304x128xf32, #tpu.memory_space<hbm>>
    tpu.enqueue_indirect_dma source(%dma_start3A_292 : memref<56304x128xf32, #tpu.memory_space<hbm>>) target(%arg10 : memref<128x128xf32, #tpu.memory_space<vmem>>) offsets(%dma_start3A_289 : memref<128xi32, #tpu.memory_space<vmem>>) semaphore(%arg17 : memref<!tpu.dma_semaphore, #tpu.memory_space<semaphore_mem>>)
    %dma_start3A_293 = arith.constant 4 : i32
    %dma_start3A_294 = arith.constant 0 : i32
    %dma_start3A_295 = tpu.memref_slice %arg6[%dma_start3A_293, %dma_start3A_294] : memref<51x128xi32, #tpu.memory_space<vmem>> -> memref<1x128xi32, #tpu.memory_space<vmem>>
    %dma_start3A_296 = tpu.memref_squeeze %dma_start3A_295 : memref<1x128xi32, #tpu.memory_space<vmem>> -> memref<128xi32, #tpu.memory_space<vmem>>
    %dma_start3A_297 = arith.constant 0 : i32
    %dma_start3A_298 = arith.constant 0 : i32
    %dma_start3A_299 = tpu.memref_slice %arg3[%dma_start3A_297, %dma_start3A_298] : memref<56304x128xf32, #tpu.memory_space<hbm>> -> memref<56304x128xf32, #tpu.memory_space<hbm>>
    tpu.enqueue_indirect_dma source(%dma_start3A_299 : memref<56304x128xf32, #tpu.memory_space<hbm>>) target(%arg11 : memref<128x128xf32, #tpu.memory_space<vmem>>) offsets(%dma_start3A_296 : memref<128xi32, #tpu.memory_space<vmem>>) semaphore(%arg18 : memref<!tpu.dma_semaphore, #tpu.memory_space<semaphore_mem>>)
    %dma_start3A_300 = arith.constant 5 : i32
    %dma_start3A_301 = arith.constant 0 : i32
    %dma_start3A_302 = tpu.memref_slice %arg6[%dma_start3A_300, %dma_start3A_301] : memref<51x128xi32, #tpu.memory_space<vmem>> -> memref<1x128xi32, #tpu.memory_space<vmem>>
    %dma_start3A_303 = tpu.memref_squeeze %dma_start3A_302 : memref<1x128xi32, #tpu.memory_space<vmem>> -> memref<128xi32, #tpu.memory_space<vmem>>
    %dma_start3A_304 = arith.constant 0 : i32
    %dma_start3A_305 = arith.constant 0 : i32
    %dma_start3A_306 = tpu.memref_slice %arg3[%dma_start3A_304, %dma_start3A_305] : memref<56304x128xf32, #tpu.memory_space<hbm>> -> memref<56304x128xf32, #tpu.memory_space<hbm>>
    tpu.enqueue_indirect_dma source(%dma_start3A_306 : memref<56304x128xf32, #tpu.memory_space<hbm>>) target(%arg12 : memref<128x128xf32, #tpu.memory_space<vmem>>) offsets(%dma_start3A_303 : memref<128xi32, #tpu.memory_space<vmem>>) semaphore(%arg19 : memref<!tpu.dma_semaphore, #tpu.memory_space<semaphore_mem>>)
    %dma_wait3A = arith.constant 0 : i32
    %dma_wait3A_307 = arith.constant 0 : i32
    %dma_wait3A_308 = tpu.memref_slice %arg6[%dma_wait3A, %dma_wait3A_307] : memref<51x128xi32, #tpu.memory_space<vmem>> -> memref<1x128xi32, #tpu.memory_space<vmem>>
    %dma_wait3A_309 = tpu.memref_squeeze %dma_wait3A_308 : memref<1x128xi32, #tpu.memory_space<vmem>> -> memref<128xi32, #tpu.memory_space<vmem>>
    %dma_wait3A_310 = arith.constant 0 : i32
    %dma_wait3A_311 = arith.constant 0 : i32
    %dma_wait3A_312 = tpu.memref_slice %arg3[%dma_wait3A_310, %dma_wait3A_311] : memref<56304x128xf32, #tpu.memory_space<hbm>> -> memref<56304x128xf32, #tpu.memory_space<hbm>>
    tpu.wait_indirect_dma semaphore(%arg14 : memref<!tpu.dma_semaphore, #tpu.memory_space<semaphore_mem>>) src(%dma_wait3A_312 : memref<56304x128xf32, #tpu.memory_space<hbm>>) dst(%arg7 : memref<128x128xf32, #tpu.memory_space<vmem>>)
    %dma_start3A_313 = arith.constant 2 : i32
    %dma_start3A_314 = arith.constant 0 : i32
    %dma_start3A_315 = tpu.memref_slice %arg4[%dma_start3A_313, %mul3A_2, %dma_start3A_314] : memref<153x4096x128xf32, #tpu.memory_space<hbm>> -> memref<1x128x128xf32, #tpu.memory_space<hbm>>
    %dma_start3A_316 = tpu.memref_squeeze %dma_start3A_315 : memref<1x128x128xf32, #tpu.memory_space<hbm>> -> memref<128x128xf32, #tpu.memory_space<hbm>>
    %dma_start3A_317 = arith.constant 0 : i32
    %dma_start3A_318 = tpu.memref_slice %arg4[%dma_start3A_313, %mul3A_2, %dma_start3A_317] : memref<153x4096x128xf32, #tpu.memory_space<hbm>> -> memref<1x128x128xf32, #tpu.memory_space<hbm>>
    %dma_start3A_319 = tpu.memref_squeeze %dma_start3A_318 : memref<1x128x128xf32, #tpu.memory_space<hbm>> -> memref<128x128xf32, #tpu.memory_space<hbm>>
    tpu.enqueue_dma source(%arg7 : memref<128x128xf32, #tpu.memory_space<vmem>>) target(%dma_start3A_319 : memref<128x128xf32, #tpu.memory_space<hbm>>) target_semaphore(%arg21 : memref<!tpu.dma_semaphore, #tpu.memory_space<semaphore_mem>>)
    %dma_start3A_320 = arith.constant 6 : i32
    %dma_start3A_321 = arith.constant 0 : i32
    %dma_start3A_322 = tpu.memref_slice %arg6[%dma_start3A_320, %dma_start3A_321] : memref<51x128xi32, #tpu.memory_space<vmem>> -> memref<1x128xi32, #tpu.memory_space<vmem>>
    %dma_start3A_323 = tpu.memref_squeeze %dma_start3A_322 : memref<1x128xi32, #tpu.memory_space<vmem>> -> memref<128xi32, #tpu.memory_space<vmem>>
    %dma_start3A_324 = arith.constant 0 : i32
    %dma_start3A_325 = arith.constant 0 : i32
    %dma_start3A_326 = tpu.memref_slice %arg3[%dma_start3A_324, %dma_start3A_325] : memref<56304x128xf32, #tpu.memory_space<hbm>> -> memref<56304x128xf32, #tpu.memory_space<hbm>>
    tpu.enqueue_indirect_dma source(%dma_start3A_326 : memref<56304x128xf32, #tpu.memory_space<hbm>>) target(%arg13 : memref<128x128xf32, #tpu.memory_space<vmem>>) offsets(%dma_start3A_323 : memref<128xi32, #tpu.memory_space<vmem>>) semaphore(%arg20 : memref<!tpu.dma_semaphore, #tpu.memory_space<semaphore_mem>>)
    %dma_wait3A_327 = arith.constant 1 : i32
    %dma_wait3A_328 = arith.constant 0 : i32
    %dma_wait3A_329 = tpu.memref_slice %arg6[%dma_wait3A_327, %dma_wait3A_328] : memref<51x128xi32, #tpu.memory_space<vmem>> -> memref<1x128xi32, #tpu.memory_space<vmem>>
    %dma_wait3A_330 = tpu.memref_squeeze %dma_wait3A_329 : memref<1x128xi32, #tpu.memory_space<vmem>> -> memref<128xi32, #tpu.memory_space<vmem>>
    %dma_wait3A_331 = arith.constant 0 : i32
    %dma_wait3A_332 = arith.constant 0 : i32
    %dma_wait3A_333 = tpu.memref_slice %arg3[%dma_wait3A_331, %dma_wait3A_332] : memref<56304x128xf32, #tpu.memory_space<hbm>> -> memref<56304x128xf32, #tpu.memory_space<hbm>>
    tpu.wait_indirect_dma semaphore(%arg15 : memref<!tpu.dma_semaphore, #tpu.memory_space<semaphore_mem>>) src(%dma_wait3A_333 : memref<56304x128xf32, #tpu.memory_space<hbm>>) dst(%arg8 : memref<128x128xf32, #tpu.memory_space<vmem>>)
    %dma_start3A_334 = arith.constant 5 : i32
    %dma_start3A_335 = arith.constant 0 : i32
    %dma_start3A_336 = tpu.memref_slice %arg4[%dma_start3A_334, %mul3A_2, %dma_start3A_335] : memref<153x4096x128xf32, #tpu.memory_space<hbm>> -> memref<1x128x128xf32, #tpu.memory_space<hbm>>
    %dma_start3A_337 = tpu.memref_squeeze %dma_start3A_336 : memref<1x128x128xf32, #tpu.memory_space<hbm>> -> memref<128x128xf32, #tpu.memory_space<hbm>>
    %dma_start3A_338 = arith.constant 0 : i32
    %dma_start3A_339 = tpu.memref_slice %arg4[%dma_start3A_334, %mul3A_2, %dma_start3A_338] : memref<153x4096x128xf32, #tpu.memory_space<hbm>> -> memref<1x128x128xf32, #tpu.memory_space<hbm>>
    %dma_start3A_340 = tpu.memref_squeeze %dma_start3A_339 : memref<1x128x128xf32, #tpu.memory_space<hbm>> -> memref<128x128xf32, #tpu.memory_space<hbm>>
    tpu.enqueue_dma source(%arg8 : memref<128x128xf32, #tpu.memory_space<vmem>>) target(%dma_start3A_340 : memref<128x128xf32, #tpu.memory_space<hbm>>) target_semaphore(%arg22 : memref<!tpu.dma_semaphore, #tpu.memory_space<semaphore_mem>>)
    %dma_wait3A_341 = arith.constant 2 : i32
    %dma_wait3A_342 = arith.constant 0 : i32
    %dma_wait3A_343 = tpu.memref_slice %arg4[%dma_wait3A_341, %mul3A_2, %dma_wait3A_342] : memref<153x4096x128xf32, #tpu.memory_space<hbm>> -> memref<1x128x128xf32, #tpu.memory_space<hbm>>
    %dma_wait3A_344 = tpu.memref_squeeze %dma_wait3A_343 : memref<1x128x128xf32, #tpu.memory_space<hbm>> -> memref<128x128xf32, #tpu.memory_space<hbm>>
    %dma_wait3A_345 = arith.constant 0 : i32
    %dma_wait3A_346 = tpu.memref_slice %arg4[%dma_wait3A_341, %mul3A_2, %dma_wait3A_345] : memref<153x4096x128xf32, #tpu.memory_space<hbm>> -> memref<1x128x128xf32, #tpu.memory_space<hbm>>
    %dma_wait3A_347 = tpu.memref_squeeze %dma_wait3A_346 : memref<1x128x128xf32, #tpu.memory_space<hbm>> -> memref<128x128xf32, #tpu.memory_space<hbm>>
    tpu.wait_dma2 semaphore(%arg21 : memref<!tpu.dma_semaphore, #tpu.memory_space<semaphore_mem>>) src(%arg7 : memref<128x128xf32, #tpu.memory_space<vmem>>) dst(%dma_wait3A_347 : memref<128x128xf32, #tpu.memory_space<hbm>>)
    %dma_start3A_348 = arith.constant 7 : i32
    %dma_start3A_349 = arith.constant 0 : i32
    %dma_start3A_350 = tpu.memref_slice %arg6[%dma_start3A_348, %dma_start3A_349] : memref<51x128xi32, #tpu.memory_space<vmem>> -> memref<1x128xi32, #tpu.memory_space<vmem>>
    %dma_start3A_351 = tpu.memref_squeeze %dma_start3A_350 : memref<1x128xi32, #tpu.memory_space<vmem>> -> memref<128xi32, #tpu.memory_space<vmem>>
    %dma_start3A_352 = arith.constant 0 : i32
    %dma_start3A_353 = arith.constant 0 : i32
    %dma_start3A_354 = tpu.memref_slice %arg3[%dma_start3A_352, %dma_start3A_353] : memref<56304x128xf32, #tpu.memory_space<hbm>> -> memref<56304x128xf32, #tpu.memory_space<hbm>>
    tpu.enqueue_indirect_dma source(%dma_start3A_354 : memref<56304x128xf32, #tpu.memory_space<hbm>>) target(%arg7 : memref<128x128xf32, #tpu.memory_space<vmem>>) offsets(%dma_start3A_351 : memref<128xi32, #tpu.memory_space<vmem>>) semaphore(%arg14 : memref<!tpu.dma_semaphore, #tpu.memory_space<semaphore_mem>>)
    %dma_wait3A_355 = arith.constant 2 : i32
    %dma_wait3A_356 = arith.constant 0 : i32
    %dma_wait3A_357 = tpu.memref_slice %arg6[%dma_wait3A_355, %dma_wait3A_356] : memref<51x128xi32, #tpu.memory_space<vmem>> -> memref<1x128xi32, #tpu.memory_space<vmem>>
    %dma_wait3A_358 = tpu.memref_squeeze %dma_wait3A_357 : memref<1x128xi32, #tpu.memory_space<vmem>> -> memref<128xi32, #tpu.memory_space<vmem>>
    %dma_wait3A_359 = arith.constant 0 : i32
    %dma_wait3A_360 = arith.constant 0 : i32
    %dma_wait3A_361 = tpu.memref_slice %arg3[%dma_wait3A_359, %dma_wait3A_360] : memref<56304x128xf32, #tpu.memory_space<hbm>> -> memref<56304x128xf32, #tpu.memory_space<hbm>>
    tpu.wait_indirect_dma semaphore(%arg16 : memref<!tpu.dma_semaphore, #tpu.memory_space<semaphore_mem>>) src(%dma_wait3A_361 : memref<56304x128xf32, #tpu.memory_space<hbm>>) dst(%arg9 : memref<128x128xf32, #tpu.memory_space<vmem>>)
    %dma_start3A_362 = arith.constant 8 : i32
    %dma_start3A_363 = arith.constant 0 : i32
    %dma_start3A_364 = tpu.memref_slice %arg4[%dma_start3A_362, %mul3A_2, %dma_start3A_363] : memref<153x4096x128xf32, #tpu.memory_space<hbm>> -> memref<1x128x128xf32, #tpu.memory_space<hbm>>
    %dma_start3A_365 = tpu.memref_squeeze %dma_start3A_364 : memref<1x128x128xf32, #tpu.memory_space<hbm>> -> memref<128x128xf32, #tpu.memory_space<hbm>>
    %dma_start3A_366 = arith.constant 0 : i32
    %dma_start3A_367 = tpu.memref_slice %arg4[%dma_start3A_362, %mul3A_2, %dma_start3A_366] : memref<153x4096x128xf32, #tpu.memory_space<hbm>> -> memref<1x128x128xf32, #tpu.memory_space<hbm>>
    %dma_start3A_368 = tpu.memref_squeeze %dma_start3A_367 : memref<1x128x128xf32, #tpu.memory_space<hbm>> -> memref<128x128xf32, #tpu.memory_space<hbm>>
    tpu.enqueue_dma source(%arg9 : memref<128x128xf32, #tpu.memory_space<vmem>>) target(%dma_start3A_368 : memref<128x128xf32, #tpu.memory_space<hbm>>) target_semaphore(%arg23 : memref<!tpu.dma_semaphore, #tpu.memory_space<semaphore_mem>>)
    %dma_wait3A_369 = arith.constant 5 : i32
    %dma_wait3A_370 = arith.constant 0 : i32
    %dma_wait3A_371 = tpu.memref_slice %arg4[%dma_wait3A_369, %mul3A_2, %dma_wait3A_370] : memref<153x4096x128xf32, #tpu.memory_space<hbm>> -> memref<1x128x128xf32, #tpu.memory_space<hbm>>
    %dma_wait3A_372 = tpu.memref_squeeze %dma_wait3A_371 : memref<1x128x128xf32, #tpu.memory_space<hbm>> -> memref<128x128xf32, #tpu.memory_space<hbm>>
    %dma_wait3A_373 = arith.constant 0 : i32
    %dma_wait3A_374 = tpu.memref_slice %arg4[%dma_wait3A_369, %mul3A_2, %dma_wait3A_373] : memref<153x4096x128xf32, #tpu.memory_space<hbm>> -> memref<1x128x128xf32, #tpu.memory_space<hbm>>
    %dma_wait3A_375 = tpu.memref_squeeze %dma_wait3A_374 : memref<1x128x128xf32, #tpu.memory_space<hbm>> -> memref<128x128xf32, #tpu.memory_space<hbm>>
    tpu.wait_dma2 semaphore(%arg22 : memref<!tpu.dma_semaphore, #tpu.memory_space<semaphore_mem>>) src(%arg8 : memref<128x128xf32, #tpu.memory_space<vmem>>) dst(%dma_wait3A_375 : memref<128x128xf32, #tpu.memory_space<hbm>>)
    %dma_start3A_376 = arith.constant 8 : i32
    %dma_start3A_377 = arith.constant 0 : i32
    %dma_start3A_378 = tpu.memref_slice %arg6[%dma_start3A_376, %dma_start3A_377] : memref<51x128xi32, #tpu.memory_space<vmem>> -> memref<1x128xi32, #tpu.memory_space<vmem>>
    %dma_start3A_379 = tpu.memref_squeeze %dma_start3A_378 : memref<1x128xi32, #tpu.memory_space<vmem>> -> memref<128xi32, #tpu.memory_space<vmem>>
    %dma_start3A_380 = arith.constant 0 : i32
    %dma_start3A_381 = arith.constant 0 : i32
    %dma_start3A_382 = tpu.memref_slice %arg3[%dma_start3A_380, %dma_start3A_381] : memref<56304x128xf32, #tpu.memory_space<hbm>> -> memref<56304x128xf32, #tpu.memory_space<hbm>>
    tpu.enqueue_indirect_dma source(%dma_start3A_382 : memref<56304x128xf32, #tpu.memory_space<hbm>>) target(%arg8 : memref<128x128xf32, #tpu.memory_space<vmem>>) offsets(%dma_start3A_379 : memref<128xi32, #tpu.memory_space<vmem>>) semaphore(%arg15 : memref<!tpu.dma_semaphore, #tpu.memory_space<semaphore_mem>>)
    %dma_wait3A_383 = arith.constant 3 : i32
    %dma_wait3A_384 = arith.constant 0 : i32
    %dma_wait3A_385 = tpu.memref_slice %arg6[%dma_wait3A_383, %dma_wait3A_384] : memref<51x128xi32, #tpu.memory_space<vmem>> -> memref<1x128xi32, #tpu.memory_space<vmem>>
    %dma_wait3A_386 = tpu.memref_squeeze %dma_wait3A_385 : memref<1x128xi32, #tpu.memory_space<vmem>> -> memref<128xi32, #tpu.memory_space<vmem>>
    %dma_wait3A_387 = arith.constant 0 : i32
    %dma_wait3A_388 = arith.constant 0 : i32
    %dma_wait3A_389 = tpu.memref_slice %arg3[%dma_wait3A_387, %dma_wait3A_388] : memref<56304x128xf32, #tpu.memory_space<hbm>> -> memref<56304x128xf32, #tpu.memory_space<hbm>>
    tpu.wait_indirect_dma semaphore(%arg17 : memref<!tpu.dma_semaphore, #tpu.memory_space<semaphore_mem>>) src(%dma_wait3A_389 : memref<56304x128xf32, #tpu.memory_space<hbm>>) dst(%arg10 : memref<128x128xf32, #tpu.memory_space<vmem>>)
    %dma_start3A_390 = arith.constant 11 : i32
    %dma_start3A_391 = arith.constant 0 : i32
    %dma_start3A_392 = tpu.memref_slice %arg4[%dma_start3A_390, %mul3A_2, %dma_start3A_391] : memref<153x4096x128xf32, #tpu.memory_space<hbm>> -> memref<1x128x128xf32, #tpu.memory_space<hbm>>
    %dma_start3A_393 = tpu.memref_squeeze %dma_start3A_392 : memref<1x128x128xf32, #tpu.memory_space<hbm>> -> memref<128x128xf32, #tpu.memory_space<hbm>>
    %dma_start3A_394 = arith.constant 0 : i32
    %dma_start3A_395 = tpu.memref_slice %arg4[%dma_start3A_390, %mul3A_2, %dma_start3A_394] : memref<153x4096x128xf32, #tpu.memory_space<hbm>> -> memref<1x128x128xf32, #tpu.memory_space<hbm>>
    %dma_start3A_396 = tpu.memref_squeeze %dma_start3A_395 : memref<1x128x128xf32, #tpu.memory_space<hbm>> -> memref<128x128xf32, #tpu.memory_space<hbm>>
    tpu.enqueue_dma source(%arg10 : memref<128x128xf32, #tpu.memory_space<vmem>>) target(%dma_start3A_396 : memref<128x128xf32, #tpu.memory_space<hbm>>) target_semaphore(%arg24 : memref<!tpu.dma_semaphore, #tpu.memory_space<semaphore_mem>>)
    %dma_wait3A_397 = arith.constant 8 : i32
    %dma_wait3A_398 = arith.constant 0 : i32
    %dma_wait3A_399 = tpu.memref_slice %arg4[%dma_wait3A_397, %mul3A_2, %dma_wait3A_398] : memref<153x4096x128xf32, #tpu.memory_space<hbm>> -> memref<1x128x128xf32, #tpu.memory_space<hbm>>
    %dma_wait3A_400 = tpu.memref_squeeze %dma_wait3A_399 : memref<1x128x128xf32, #tpu.memory_space<hbm>> -> memref<128x128xf32, #tpu.memory_space<hbm>>
    %dma_wait3A_401 = arith.constant 0 : i32
    %dma_wait3A_402 = tpu.memref_slice %arg4[%dma_wait3A_397, %mul3A_2, %dma_wait3A_401] : memref<153x4096x128xf32, #tpu.memory_space<hbm>> -> memref<1x128x128xf32, #tpu.memory_space<hbm>>
    %dma_wait3A_403 = tpu.memref_squeeze %dma_wait3A_402 : memref<1x128x128xf32, #tpu.memory_space<hbm>> -> memref<128x128xf32, #tpu.memory_space<hbm>>
    tpu.wait_dma2 semaphore(%arg23 : memref<!tpu.dma_semaphore, #tpu.memory_space<semaphore_mem>>) src(%arg9 : memref<128x128xf32, #tpu.memory_space<vmem>>) dst(%dma_wait3A_403 : memref<128x128xf32, #tpu.memory_space<hbm>>)
    %dma_start3A_404 = arith.constant 9 : i32
    %dma_start3A_405 = arith.constant 0 : i32
    %dma_start3A_406 = tpu.memref_slice %arg6[%dma_start3A_404, %dma_start3A_405] : memref<51x128xi32, #tpu.memory_space<vmem>> -> memref<1x128xi32, #tpu.memory_space<vmem>>
    %dma_start3A_407 = tpu.memref_squeeze %dma_start3A_406 : memref<1x128xi32, #tpu.memory_space<vmem>> -> memref<128xi32, #tpu.memory_space<vmem>>
    %dma_start3A_408 = arith.constant 0 : i32
    %dma_start3A_409 = arith.constant 0 : i32
    %dma_start3A_410 = tpu.memref_slice %arg3[%dma_start3A_408, %dma_start3A_409] : memref<56304x128xf32, #tpu.memory_space<hbm>> -> memref<56304x128xf32, #tpu.memory_space<hbm>>
    tpu.enqueue_indirect_dma source(%dma_start3A_410 : memref<56304x128xf32, #tpu.memory_space<hbm>>) target(%arg9 : memref<128x128xf32, #tpu.memory_space<vmem>>) offsets(%dma_start3A_407 : memref<128xi32, #tpu.memory_space<vmem>>) semaphore(%arg16 : memref<!tpu.dma_semaphore, #tpu.memory_space<semaphore_mem>>)
    %dma_wait3A_411 = arith.constant 4 : i32
    %dma_wait3A_412 = arith.constant 0 : i32
    %dma_wait3A_413 = tpu.memref_slice %arg6[%dma_wait3A_411, %dma_wait3A_412] : memref<51x128xi32, #tpu.memory_space<vmem>> -> memref<1x128xi32, #tpu.memory_space<vmem>>
    %dma_wait3A_414 = tpu.memref_squeeze %dma_wait3A_413 : memref<1x128xi32, #tpu.memory_space<vmem>> -> memref<128xi32, #tpu.memory_space<vmem>>
    %dma_wait3A_415 = arith.constant 0 : i32
    %dma_wait3A_416 = arith.constant 0 : i32
    %dma_wait3A_417 = tpu.memref_slice %arg3[%dma_wait3A_415, %dma_wait3A_416] : memref<56304x128xf32, #tpu.memory_space<hbm>> -> memref<56304x128xf32, #tpu.memory_space<hbm>>
    tpu.wait_indirect_dma semaphore(%arg18 : memref<!tpu.dma_semaphore, #tpu.memory_space<semaphore_mem>>) src(%dma_wait3A_417 : memref<56304x128xf32, #tpu.memory_space<hbm>>) dst(%arg11 : memref<128x128xf32, #tpu.memory_space<vmem>>)
    %dma_start3A_418 = arith.constant 14 : i32
    %dma_start3A_419 = arith.constant 0 : i32
    %dma_start3A_420 = tpu.memref_slice %arg4[%dma_start3A_418, %mul3A_2, %dma_start3A_419] : memref<153x4096x128xf32, #tpu.memory_space<hbm>> -> memref<1x128x128xf32, #tpu.memory_space<hbm>>
    %dma_start3A_421 = tpu.memref_squeeze %dma_start3A_420 : memref<1x128x128xf32, #tpu.memory_space<hbm>> -> memref<128x128xf32, #tpu.memory_space<hbm>>
    %dma_start3A_422 = arith.constant 0 : i32
    %dma_start3A_423 = tpu.memref_slice %arg4[%dma_start3A_418, %mul3A_2, %dma_start3A_422] : memref<153x4096x128xf32, #tpu.memory_space<hbm>> -> memref<1x128x128xf32, #tpu.memory_space<hbm>>
    %dma_start3A_424 = tpu.memref_squeeze %dma_start3A_423 : memref<1x128x128xf32, #tpu.memory_space<hbm>> -> memref<128x128xf32, #tpu.memory_space<hbm>>
    tpu.enqueue_dma source(%arg11 : memref<128x128xf32, #tpu.memory_space<vmem>>) target(%dma_start3A_424 : memref<128x128xf32, #tpu.memory_space<hbm>>) target_semaphore(%arg25 : memref<!tpu.dma_semaphore, #tpu.memory_space<semaphore_mem>>)
    %dma_wait3A_425 = arith.constant 11 : i32
    %dma_wait3A_426 = arith.constant 0 : i32
    %dma_wait3A_427 = tpu.memref_slice %arg4[%dma_wait3A_425, %mul3A_2, %dma_wait3A_426] : memref<153x4096x128xf32, #tpu.memory_space<hbm>> -> memref<1x128x128xf32, #tpu.memory_space<hbm>>
    %dma_wait3A_428 = tpu.memref_squeeze %dma_wait3A_427 : memref<1x128x128xf32, #tpu.memory_space<hbm>> -> memref<128x128xf32, #tpu.memory_space<hbm>>
    %dma_wait3A_429 = arith.constant 0 : i32
    %dma_wait3A_430 = tpu.memref_slice %arg4[%dma_wait3A_425, %mul3A_2, %dma_wait3A_429] : memref<153x4096x128xf32, #tpu.memory_space<hbm>> -> memref<1x128x128xf32, #tpu.memory_space<hbm>>
    %dma_wait3A_431 = tpu.memref_squeeze %dma_wait3A_430 : memref<1x128x128xf32, #tpu.memory_space<hbm>> -> memref<128x128xf32, #tpu.memory_space<hbm>>
    tpu.wait_dma2 semaphore(%arg24 : memref<!tpu.dma_semaphore, #tpu.memory_space<semaphore_mem>>) src(%arg10 : memref<128x128xf32, #tpu.memory_space<vmem>>) dst(%dma_wait3A_431 : memref<128x128xf32, #tpu.memory_space<hbm>>)
    %dma_start3A_432 = arith.constant 10 : i32
    %dma_start3A_433 = arith.constant 0 : i32
    %dma_start3A_434 = tpu.memref_slice %arg6[%dma_start3A_432, %dma_start3A_433] : memref<51x128xi32, #tpu.memory_space<vmem>> -> memref<1x128xi32, #tpu.memory_space<vmem>>
    %dma_start3A_435 = tpu.memref_squeeze %dma_start3A_434 : memref<1x128xi32, #tpu.memory_space<vmem>> -> memref<128xi32, #tpu.memory_space<vmem>>
    %dma_start3A_436 = arith.constant 0 : i32
    %dma_start3A_437 = arith.constant 0 : i32
    %dma_start3A_438 = tpu.memref_slice %arg3[%dma_start3A_436, %dma_start3A_437] : memref<56304x128xf32, #tpu.memory_space<hbm>> -> memref<56304x128xf32, #tpu.memory_space<hbm>>
    tpu.enqueue_indirect_dma source(%dma_start3A_438 : memref<56304x128xf32, #tpu.memory_space<hbm>>) target(%arg10 : memref<128x128xf32, #tpu.memory_space<vmem>>) offsets(%dma_start3A_435 : memref<128xi32, #tpu.memory_space<vmem>>) semaphore(%arg17 : memref<!tpu.dma_semaphore, #tpu.memory_space<semaphore_mem>>)
    %dma_wait3A_439 = arith.constant 5 : i32
    %dma_wait3A_440 = arith.constant 0 : i32
    %dma_wait3A_441 = tpu.memref_slice %arg6[%dma_wait3A_439, %dma_wait3A_440] : memref<51x128xi32, #tpu.memory_space<vmem>> -> memref<1x128xi32, #tpu.memory_space<vmem>>
    %dma_wait3A_442 = tpu.memref_squeeze %dma_wait3A_441 : memref<1x128xi32, #tpu.memory_space<vmem>> -> memref<128xi32, #tpu.memory_space<vmem>>
    %dma_wait3A_443 = arith.constant 0 : i32
    %dma_wait3A_444 = arith.constant 0 : i32
    %dma_wait3A_445 = tpu.memref_slice %arg3[%dma_wait3A_443, %dma_wait3A_444] : memref<56304x128xf32, #tpu.memory_space<hbm>> -> memref<56304x128xf32, #tpu.memory_space<hbm>>
    tpu.wait_indirect_dma semaphore(%arg19 : memref<!tpu.dma_semaphore, #tpu.memory_space<semaphore_mem>>) src(%dma_wait3A_445 : memref<56304x128xf32, #tpu.memory_space<hbm>>) dst(%arg12 : memref<128x128xf32, #tpu.memory_space<vmem>>)
    %dma_start3A_446 = arith.constant 17 : i32
    %dma_start3A_447 = arith.constant 0 : i32
    %dma_start3A_448 = tpu.memref_slice %arg4[%dma_start3A_446, %mul3A_2, %dma_start3A_447] : memref<153x4096x128xf32, #tpu.memory_space<hbm>> -> memref<1x128x128xf32, #tpu.memory_space<hbm>>
    %dma_start3A_449 = tpu.memref_squeeze %dma_start3A_448 : memref<1x128x128xf32, #tpu.memory_space<hbm>> -> memref<128x128xf32, #tpu.memory_space<hbm>>
    %dma_start3A_450 = arith.constant 0 : i32
    %dma_start3A_451 = tpu.memref_slice %arg4[%dma_start3A_446, %mul3A_2, %dma_start3A_450] : memref<153x4096x128xf32, #tpu.memory_space<hbm>> -> memref<1x128x128xf32, #tpu.memory_space<hbm>>
    %dma_start3A_452 = tpu.memref_squeeze %dma_start3A_451 : memref<1x128x128xf32, #tpu.memory_space<hbm>> -> memref<128x128xf32, #tpu.memory_space<hbm>>
    tpu.enqueue_dma source(%arg12 : memref<128x128xf32, #tpu.memory_space<vmem>>) target(%dma_start3A_452 : memref<128x128xf32, #tpu.memory_space<hbm>>) target_semaphore(%arg26 : memref<!tpu.dma_semaphore, #tpu.memory_space<semaphore_mem>>)
    %dma_wait3A_453 = arith.constant 14 : i32
    %dma_wait3A_454 = arith.constant 0 : i32
    %dma_wait3A_455 = tpu.memref_slice %arg4[%dma_wait3A_453, %mul3A_2, %dma_wait3A_454] : memref<153x4096x128xf32, #tpu.memory_space<hbm>> -> memref<1x128x128xf32, #tpu.memory_space<hbm>>
    %dma_wait3A_456 = tpu.memref_squeeze %dma_wait3A_455 : memref<1x128x128xf32, #tpu.memory_space<hbm>> -> memref<128x128xf32, #tpu.memory_space<hbm>>
    %dma_wait3A_457 = arith.constant 0 : i32
    %dma_wait3A_458 = tpu.memref_slice %arg4[%dma_wait3A_453, %mul3A_2, %dma_wait3A_457] : memref<153x4096x128xf32, #tpu.memory_space<hbm>> -> memref<1x128x128xf32, #tpu.memory_space<hbm>>
    %dma_wait3A_459 = tpu.memref_squeeze %dma_wait3A_458 : memref<1x128x128xf32, #tpu.memory_space<hbm>> -> memref<128x128xf32, #tpu.memory_space<hbm>>
    tpu.wait_dma2 semaphore(%arg25 : memref<!tpu.dma_semaphore, #tpu.memory_space<semaphore_mem>>) src(%arg11 : memref<128x128xf32, #tpu.memory_space<vmem>>) dst(%dma_wait3A_459 : memref<128x128xf32, #tpu.memory_space<hbm>>)
    %dma_start3A_460 = arith.constant 11 : i32
    %dma_start3A_461 = arith.constant 0 : i32
    %dma_start3A_462 = tpu.memref_slice %arg6[%dma_start3A_460, %dma_start3A_461] : memref<51x128xi32, #tpu.memory_space<vmem>> -> memref<1x128xi32, #tpu.memory_space<vmem>>
    %dma_start3A_463 = tpu.memref_squeeze %dma_start3A_462 : memref<1x128xi32, #tpu.memory_space<vmem>> -> memref<128xi32, #tpu.memory_space<vmem>>
    %dma_start3A_464 = arith.constant 0 : i32
    %dma_start3A_465 = arith.constant 0 : i32
    %dma_start3A_466 = tpu.memref_slice %arg3[%dma_start3A_464, %dma_start3A_465] : memref<56304x128xf32, #tpu.memory_space<hbm>> -> memref<56304x128xf32, #tpu.memory_space<hbm>>
    tpu.enqueue_indirect_dma source(%dma_start3A_466 : memref<56304x128xf32, #tpu.memory_space<hbm>>) target(%arg11 : memref<128x128xf32, #tpu.memory_space<vmem>>) offsets(%dma_start3A_463 : memref<128xi32, #tpu.memory_space<vmem>>) semaphore(%arg18 : memref<!tpu.dma_semaphore, #tpu.memory_space<semaphore_mem>>)
    %dma_wait3A_467 = arith.constant 6 : i32
    %dma_wait3A_468 = arith.constant 0 : i32
    %dma_wait3A_469 = tpu.memref_slice %arg6[%dma_wait3A_467, %dma_wait3A_468] : memref<51x128xi32, #tpu.memory_space<vmem>> -> memref<1x128xi32, #tpu.memory_space<vmem>>
    %dma_wait3A_470 = tpu.memref_squeeze %dma_wait3A_469 : memref<1x128xi32, #tpu.memory_space<vmem>> -> memref<128xi32, #tpu.memory_space<vmem>>
    %dma_wait3A_471 = arith.constant 0 : i32
    %dma_wait3A_472 = arith.constant 0 : i32
    %dma_wait3A_473 = tpu.memref_slice %arg3[%dma_wait3A_471, %dma_wait3A_472] : memref<56304x128xf32, #tpu.memory_space<hbm>> -> memref<56304x128xf32, #tpu.memory_space<hbm>>
    tpu.wait_indirect_dma semaphore(%arg20 : memref<!tpu.dma_semaphore, #tpu.memory_space<semaphore_mem>>) src(%dma_wait3A_473 : memref<56304x128xf32, #tpu.memory_space<hbm>>) dst(%arg13 : memref<128x128xf32, #tpu.memory_space<vmem>>)
    %dma_start3A_474 = arith.constant 20 : i32
    %dma_start3A_475 = arith.constant 0 : i32
    %dma_start3A_476 = tpu.memref_slice %arg4[%dma_start3A_474, %mul3A_2, %dma_start3A_475] : memref<153x4096x128xf32, #tpu.memory_space<hbm>> -> memref<1x128x128xf32, #tpu.memory_space<hbm>>
    %dma_start3A_477 = tpu.memref_squeeze %dma_start3A_476 : memref<1x128x128xf32, #tpu.memory_space<hbm>> -> memref<128x128xf32, #tpu.memory_space<hbm>>
    %dma_start3A_478 = arith.constant 0 : i32
    %dma_start3A_479 = tpu.memref_slice %arg4[%dma_start3A_474, %mul3A_2, %dma_start3A_478] : memref<153x4096x128xf32, #tpu.memory_space<hbm>> -> memref<1x128x128xf32, #tpu.memory_space<hbm>>
    %dma_start3A_480 = tpu.memref_squeeze %dma_start3A_479 : memref<1x128x128xf32, #tpu.memory_space<hbm>> -> memref<128x128xf32, #tpu.memory_space<hbm>>
    tpu.enqueue_dma source(%arg13 : memref<128x128xf32, #tpu.memory_space<vmem>>) target(%dma_start3A_480 : memref<128x128xf32, #tpu.memory_space<hbm>>) target_semaphore(%arg27 : memref<!tpu.dma_semaphore, #tpu.memory_space<semaphore_mem>>)
    %dma_wait3A_481 = arith.constant 17 : i32
    %dma_wait3A_482 = arith.constant 0 : i32
    %dma_wait3A_483 = tpu.memref_slice %arg4[%dma_wait3A_481, %mul3A_2, %dma_wait3A_482] : memref<153x4096x128xf32, #tpu.memory_space<hbm>> -> memref<1x128x128xf32, #tpu.memory_space<hbm>>
    %dma_wait3A_484 = tpu.memref_squeeze %dma_wait3A_483 : memref<1x128x128xf32, #tpu.memory_space<hbm>> -> memref<128x128xf32, #tpu.memory_space<hbm>>
    %dma_wait3A_485 = arith.constant 0 : i32
    %dma_wait3A_486 = tpu.memref_slice %arg4[%dma_wait3A_481, %mul3A_2, %dma_wait3A_485] : memref<153x4096x128xf32, #tpu.memory_space<hbm>> -> memref<1x128x128xf32, #tpu.memory_space<hbm>>
    %dma_wait3A_487 = tpu.memref_squeeze %dma_wait3A_486 : memref<1x128x128xf32, #tpu.memory_space<hbm>> -> memref<128x128xf32, #tpu.memory_space<hbm>>
    tpu.wait_dma2 semaphore(%arg26 : memref<!tpu.dma_semaphore, #tpu.memory_space<semaphore_mem>>) src(%arg12 : memref<128x128xf32, #tpu.memory_space<vmem>>) dst(%dma_wait3A_487 : memref<128x128xf32, #tpu.memory_space<hbm>>)
    %dma_start3A_488 = arith.constant 12 : i32
    %dma_start3A_489 = arith.constant 0 : i32
    %dma_start3A_490 = tpu.memref_slice %arg6[%dma_start3A_488, %dma_start3A_489] : memref<51x128xi32, #tpu.memory_space<vmem>> -> memref<1x128xi32, #tpu.memory_space<vmem>>
    %dma_start3A_491 = tpu.memref_squeeze %dma_start3A_490 : memref<1x128xi32, #tpu.memory_space<vmem>> -> memref<128xi32, #tpu.memory_space<vmem>>
    %dma_start3A_492 = arith.constant 0 : i32
    %dma_start3A_493 = arith.constant 0 : i32
    %dma_start3A_494 = tpu.memref_slice %arg3[%dma_start3A_492, %dma_start3A_493] : memref<56304x128xf32, #tpu.memory_space<hbm>> -> memref<56304x128xf32, #tpu.memory_space<hbm>>
    tpu.enqueue_indirect_dma source(%dma_start3A_494 : memref<56304x128xf32, #tpu.memory_space<hbm>>) target(%arg12 : memref<128x128xf32, #tpu.memory_space<vmem>>) offsets(%dma_start3A_491 : memref<128xi32, #tpu.memory_space<vmem>>) semaphore(%arg19 : memref<!tpu.dma_semaphore, #tpu.memory_space<semaphore_mem>>)
    %scan3A_495 = arith.constant 0 : i32
    %scan3A_496 = arith.constant 1 : i32
    %scan3A_497 = arith.constant 5 : i32
    %scan3A_498 = arith.addi %scan3A_496, %scan3A_497 : i32
    %scan3A_499 = arith.constant 1 : i32
    scf.for %scan3A_718 = %scan3A_496 to %scan3A_498 step %scan3A_499  : i32 {
      %mul3A_719 = arith.constant 7 : i32
      %mul3A_720 = arith.muli %mul3A_719, %scan3A_718 : i32
      %add3A_721 = arith.constant 0 : i32
      %add3A_722 = arith.addi %mul3A_720, %add3A_721 : i32
      %dma_wait3A_723 = arith.constant 0 : i32
      %dma_wait3A_724 = tpu.memref_slice %arg6[%add3A_722, %dma_wait3A_723] : memref<51x128xi32, #tpu.memory_space<vmem>> -> memref<1x128xi32, #tpu.memory_space<vmem>>
      %dma_wait3A_725 = tpu.memref_squeeze %dma_wait3A_724 : memref<1x128xi32, #tpu.memory_space<vmem>> -> memref<128xi32, #tpu.memory_space<vmem>>
      %dma_wait3A_726 = arith.constant 0 : i32
      %dma_wait3A_727 = arith.constant 0 : i32
      %dma_wait3A_728 = tpu.memref_slice %arg3[%dma_wait3A_726, %dma_wait3A_727] : memref<56304x128xf32, #tpu.memory_space<hbm>> -> memref<56304x128xf32, #tpu.memory_space<hbm>>
      tpu.wait_indirect_dma semaphore(%arg14 : memref<!tpu.dma_semaphore, #tpu.memory_space<semaphore_mem>>) src(%dma_wait3A_728 : memref<56304x128xf32, #tpu.memory_space<hbm>>) dst(%arg7 : memref<128x128xf32, #tpu.memory_space<vmem>>)
      %mul3A_729 = arith.constant 3 : i32
      %mul3A_730 = arith.muli %mul3A_729, %add3A_722 : i32
      %add3A_731 = arith.constant 2 : i32
      %add3A_732 = arith.addi %mul3A_730, %add3A_731 : i32
      %dma_start3A_733 = arith.constant 0 : i32
      %dma_start3A_734 = tpu.memref_slice %arg4[%add3A_732, %mul3A_2, %dma_start3A_733] : memref<153x4096x128xf32, #tpu.memory_space<hbm>> -> memref<1x128x128xf32, #tpu.memory_space<hbm>>
      %dma_start3A_735 = tpu.memref_squeeze %dma_start3A_734 : memref<1x128x128xf32, #tpu.memory_space<hbm>> -> memref<128x128xf32, #tpu.memory_space<hbm>>
      %dma_start3A_736 = arith.constant 0 : i32
      %dma_start3A_737 = tpu.memref_slice %arg4[%add3A_732, %mul3A_2, %dma_start3A_736] : memref<153x4096x128xf32, #tpu.memory_space<hbm>> -> memref<1x128x128xf32, #tpu.memory_space<hbm>>
      %dma_start3A_738 = tpu.memref_squeeze %dma_start3A_737 : memref<1x128x128xf32, #tpu.memory_space<hbm>> -> memref<128x128xf32, #tpu.memory_space<hbm>>
      tpu.enqueue_dma source(%arg7 : memref<128x128xf32, #tpu.memory_space<vmem>>) target(%dma_start3A_738 : memref<128x128xf32, #tpu.memory_space<hbm>>) target_semaphore(%arg21 : memref<!tpu.dma_semaphore, #tpu.memory_space<semaphore_mem>>)
      %sub3A_739 = arith.constant 1 : i32
      %sub3A_740 = arith.subi %add3A_722, %sub3A_739 : i32
      %mul3A_741 = arith.constant 3 : i32
      %mul3A_742 = arith.muli %mul3A_741, %sub3A_740 : i32
      %add3A_743 = arith.constant 2 : i32
      %add3A_744 = arith.addi %mul3A_742, %add3A_743 : i32
      %dma_wait3A_745 = arith.constant 0 : i32
      %dma_wait3A_746 = tpu.memref_slice %arg4[%add3A_744, %mul3A_2, %dma_wait3A_745] : memref<153x4096x128xf32, #tpu.memory_space<hbm>> -> memref<1x128x128xf32, #tpu.memory_space<hbm>>
      %dma_wait3A_747 = tpu.memref_squeeze %dma_wait3A_746 : memref<1x128x128xf32, #tpu.memory_space<hbm>> -> memref<128x128xf32, #tpu.memory_space<hbm>>
      %dma_wait3A_748 = arith.constant 0 : i32
      %dma_wait3A_749 = tpu.memref_slice %arg4[%add3A_744, %mul3A_2, %dma_wait3A_748] : memref<153x4096x128xf32, #tpu.memory_space<hbm>> -> memref<1x128x128xf32, #tpu.memory_space<hbm>>
      %dma_wait3A_750 = tpu.memref_squeeze %dma_wait3A_749 : memref<1x128x128xf32, #tpu.memory_space<hbm>> -> memref<128x128xf32, #tpu.memory_space<hbm>>
      tpu.wait_dma2 semaphore(%arg27 : memref<!tpu.dma_semaphore, #tpu.memory_space<semaphore_mem>>) src(%arg13 : memref<128x128xf32, #tpu.memory_space<vmem>>) dst(%dma_wait3A_750 : memref<128x128xf32, #tpu.memory_space<hbm>>)
      %add3A_751 = arith.constant 7 : i32
      %add3A_752 = arith.addi %add3A_722, %add3A_751 : i32
      %sub3A_753 = arith.constant 1 : i32
      %sub3A_754 = arith.subi %add3A_752, %sub3A_753 : i32
      %dma_start3A_755 = arith.constant 0 : i32
      %dma_start3A_756 = tpu.memref_slice %arg6[%sub3A_754, %dma_start3A_755] : memref<51x128xi32, #tpu.memory_space<vmem>> -> memref<1x128xi32, #tpu.memory_space<vmem>>
      %dma_start3A_757 = tpu.memref_squeeze %dma_start3A_756 : memref<1x128xi32, #tpu.memory_space<vmem>> -> memref<128xi32, #tpu.memory_space<vmem>>
      %dma_start3A_758 = arith.constant 0 : i32
      %dma_start3A_759 = arith.constant 0 : i32
      %dma_start3A_760 = tpu.memref_slice %arg3[%dma_start3A_758, %dma_start3A_759] : memref<56304x128xf32, #tpu.memory_space<hbm>> -> memref<56304x128xf32, #tpu.memory_space<hbm>>
      tpu.enqueue_indirect_dma source(%dma_start3A_760 : memref<56304x128xf32, #tpu.memory_space<hbm>>) target(%arg13 : memref<128x128xf32, #tpu.memory_space<vmem>>) offsets(%dma_start3A_757 : memref<128xi32, #tpu.memory_space<vmem>>) semaphore(%arg20 : memref<!tpu.dma_semaphore, #tpu.memory_space<semaphore_mem>>)
      %mul3A_761 = arith.constant 7 : i32
      %mul3A_762 = arith.muli %mul3A_761, %scan3A_718 : i32
      %add3A_763 = arith.constant 1 : i32
      %add3A_764 = arith.addi %mul3A_762, %add3A_763 : i32
      %dma_wait3A_765 = arith.constant 0 : i32
      %dma_wait3A_766 = tpu.memref_slice %arg6[%add3A_764, %dma_wait3A_765] : memref<51x128xi32, #tpu.memory_space<vmem>> -> memref<1x128xi32, #tpu.memory_space<vmem>>
      %dma_wait3A_767 = tpu.memref_squeeze %dma_wait3A_766 : memref<1x128xi32, #tpu.memory_space<vmem>> -> memref<128xi32, #tpu.memory_space<vmem>>
      %dma_wait3A_768 = arith.constant 0 : i32
      %dma_wait3A_769 = arith.constant 0 : i32
      %dma_wait3A_770 = tpu.memref_slice %arg3[%dma_wait3A_768, %dma_wait3A_769] : memref<56304x128xf32, #tpu.memory_space<hbm>> -> memref<56304x128xf32, #tpu.memory_space<hbm>>
      tpu.wait_indirect_dma semaphore(%arg15 : memref<!tpu.dma_semaphore, #tpu.memory_space<semaphore_mem>>) src(%dma_wait3A_770 : memref<56304x128xf32, #tpu.memory_space<hbm>>) dst(%arg8 : memref<128x128xf32, #tpu.memory_space<vmem>>)
      %mul3A_771 = arith.constant 3 : i32
      %mul3A_772 = arith.muli %mul3A_771, %add3A_764 : i32
      %add3A_773 = arith.constant 2 : i32
      %add3A_774 = arith.addi %mul3A_772, %add3A_773 : i32
      %dma_start3A_775 = arith.constant 0 : i32
      %dma_start3A_776 = tpu.memref_slice %arg4[%add3A_774, %mul3A_2, %dma_start3A_775] : memref<153x4096x128xf32, #tpu.memory_space<hbm>> -> memref<1x128x128xf32, #tpu.memory_space<hbm>>
      %dma_start3A_777 = tpu.memref_squeeze %dma_start3A_776 : memref<1x128x128xf32, #tpu.memory_space<hbm>> -> memref<128x128xf32, #tpu.memory_space<hbm>>
      %dma_start3A_778 = arith.constant 0 : i32
      %dma_start3A_779 = tpu.memref_slice %arg4[%add3A_774, %mul3A_2, %dma_start3A_778] : memref<153x4096x128xf32, #tpu.memory_space<hbm>> -> memref<1x128x128xf32, #tpu.memory_space<hbm>>
      %dma_start3A_780 = tpu.memref_squeeze %dma_start3A_779 : memref<1x128x128xf32, #tpu.memory_space<hbm>> -> memref<128x128xf32, #tpu.memory_space<hbm>>
      tpu.enqueue_dma source(%arg8 : memref<128x128xf32, #tpu.memory_space<vmem>>) target(%dma_start3A_780 : memref<128x128xf32, #tpu.memory_space<hbm>>) target_semaphore(%arg22 : memref<!tpu.dma_semaphore, #tpu.memory_space<semaphore_mem>>)
      %sub3A_781 = arith.constant 1 : i32
      %sub3A_782 = arith.subi %add3A_764, %sub3A_781 : i32
      %mul3A_783 = arith.constant 3 : i32
      %mul3A_784 = arith.muli %mul3A_783, %sub3A_782 : i32
      %add3A_785 = arith.constant 2 : i32
      %add3A_786 = arith.addi %mul3A_784, %add3A_785 : i32
      %dma_wait3A_787 = arith.constant 0 : i32
      %dma_wait3A_788 = tpu.memref_slice %arg4[%add3A_786, %mul3A_2, %dma_wait3A_787] : memref<153x4096x128xf32, #tpu.memory_space<hbm>> -> memref<1x128x128xf32, #tpu.memory_space<hbm>>
      %dma_wait3A_789 = tpu.memref_squeeze %dma_wait3A_788 : memref<1x128x128xf32, #tpu.memory_space<hbm>> -> memref<128x128xf32, #tpu.memory_space<hbm>>
      %dma_wait3A_790 = arith.constant 0 : i32
      %dma_wait3A_791 = tpu.memref_slice %arg4[%add3A_786, %mul3A_2, %dma_wait3A_790] : memref<153x4096x128xf32, #tpu.memory_space<hbm>> -> memref<1x128x128xf32, #tpu.memory_space<hbm>>
      %dma_wait3A_792 = tpu.memref_squeeze %dma_wait3A_791 : memref<1x128x128xf32, #tpu.memory_space<hbm>> -> memref<128x128xf32, #tpu.memory_space<hbm>>
      tpu.wait_dma2 semaphore(%arg21 : memref<!tpu.dma_semaphore, #tpu.memory_space<semaphore_mem>>) src(%arg7 : memref<128x128xf32, #tpu.memory_space<vmem>>) dst(%dma_wait3A_792 : memref<128x128xf32, #tpu.memory_space<hbm>>)
      %add3A_793 = arith.constant 7 : i32
      %add3A_794 = arith.addi %add3A_764, %add3A_793 : i32
      %sub3A_795 = arith.constant 1 : i32
      %sub3A_796 = arith.subi %add3A_794, %sub3A_795 : i32
      %dma_start3A_797 = arith.constant 0 : i32
      %dma_start3A_798 = tpu.memref_slice %arg6[%sub3A_796, %dma_start3A_797] : memref<51x128xi32, #tpu.memory_space<vmem>> -> memref<1x128xi32, #tpu.memory_space<vmem>>
      %dma_start3A_799 = tpu.memref_squeeze %dma_start3A_798 : memref<1x128xi32, #tpu.memory_space<vmem>> -> memref<128xi32, #tpu.memory_space<vmem>>
      %dma_start3A_800 = arith.constant 0 : i32
      %dma_start3A_801 = arith.constant 0 : i32
      %dma_start3A_802 = tpu.memref_slice %arg3[%dma_start3A_800, %dma_start3A_801] : memref<56304x128xf32, #tpu.memory_space<hbm>> -> memref<56304x128xf32, #tpu.memory_space<hbm>>
      tpu.enqueue_indirect_dma source(%dma_start3A_802 : memref<56304x128xf32, #tpu.memory_space<hbm>>) target(%arg7 : memref<128x128xf32, #tpu.memory_space<vmem>>) offsets(%dma_start3A_799 : memref<128xi32, #tpu.memory_space<vmem>>) semaphore(%arg14 : memref<!tpu.dma_semaphore, #tpu.memory_space<semaphore_mem>>)
      %mul3A_803 = arith.constant 7 : i32
      %mul3A_804 = arith.muli %mul3A_803, %scan3A_718 : i32
      %add3A_805 = arith.constant 2 : i32
      %add3A_806 = arith.addi %mul3A_804, %add3A_805 : i32
      %dma_wait3A_807 = arith.constant 0 : i32
      %dma_wait3A_808 = tpu.memref_slice %arg6[%add3A_806, %dma_wait3A_807] : memref<51x128xi32, #tpu.memory_space<vmem>> -> memref<1x128xi32, #tpu.memory_space<vmem>>
      %dma_wait3A_809 = tpu.memref_squeeze %dma_wait3A_808 : memref<1x128xi32, #tpu.memory_space<vmem>> -> memref<128xi32, #tpu.memory_space<vmem>>
      %dma_wait3A_810 = arith.constant 0 : i32
      %dma_wait3A_811 = arith.constant 0 : i32
      %dma_wait3A_812 = tpu.memref_slice %arg3[%dma_wait3A_810, %dma_wait3A_811] : memref<56304x128xf32, #tpu.memory_space<hbm>> -> memref<56304x128xf32, #tpu.memory_space<hbm>>
      tpu.wait_indirect_dma semaphore(%arg16 : memref<!tpu.dma_semaphore, #tpu.memory_space<semaphore_mem>>) src(%dma_wait3A_812 : memref<56304x128xf32, #tpu.memory_space<hbm>>) dst(%arg9 : memref<128x128xf32, #tpu.memory_space<vmem>>)
      %mul3A_813 = arith.constant 3 : i32
      %mul3A_814 = arith.muli %mul3A_813, %add3A_806 : i32
      %add3A_815 = arith.constant 2 : i32
      %add3A_816 = arith.addi %mul3A_814, %add3A_815 : i32
      %dma_start3A_817 = arith.constant 0 : i32
      %dma_start3A_818 = tpu.memref_slice %arg4[%add3A_816, %mul3A_2, %dma_start3A_817] : memref<153x4096x128xf32, #tpu.memory_space<hbm>> -> memref<1x128x128xf32, #tpu.memory_space<hbm>>
      %dma_start3A_819 = tpu.memref_squeeze %dma_start3A_818 : memref<1x128x128xf32, #tpu.memory_space<hbm>> -> memref<128x128xf32, #tpu.memory_space<hbm>>
      %dma_start3A_820 = arith.constant 0 : i32
      %dma_start3A_821 = tpu.memref_slice %arg4[%add3A_816, %mul3A_2, %dma_start3A_820] : memref<153x4096x128xf32, #tpu.memory_space<hbm>> -> memref<1x128x128xf32, #tpu.memory_space<hbm>>
      %dma_start3A_822 = tpu.memref_squeeze %dma_start3A_821 : memref<1x128x128xf32, #tpu.memory_space<hbm>> -> memref<128x128xf32, #tpu.memory_space<hbm>>
      tpu.enqueue_dma source(%arg9 : memref<128x128xf32, #tpu.memory_space<vmem>>) target(%dma_start3A_822 : memref<128x128xf32, #tpu.memory_space<hbm>>) target_semaphore(%arg23 : memref<!tpu.dma_semaphore, #tpu.memory_space<semaphore_mem>>)
      %sub3A_823 = arith.constant 1 : i32
      %sub3A_824 = arith.subi %add3A_806, %sub3A_823 : i32
      %mul3A_825 = arith.constant 3 : i32
      %mul3A_826 = arith.muli %mul3A_825, %sub3A_824 : i32
      %add3A_827 = arith.constant 2 : i32
      %add3A_828 = arith.addi %mul3A_826, %add3A_827 : i32
      %dma_wait3A_829 = arith.constant 0 : i32
      %dma_wait3A_830 = tpu.memref_slice %arg4[%add3A_828, %mul3A_2, %dma_wait3A_829] : memref<153x4096x128xf32, #tpu.memory_space<hbm>> -> memref<1x128x128xf32, #tpu.memory_space<hbm>>
      %dma_wait3A_831 = tpu.memref_squeeze %dma_wait3A_830 : memref<1x128x128xf32, #tpu.memory_space<hbm>> -> memref<128x128xf32, #tpu.memory_space<hbm>>
      %dma_wait3A_832 = arith.constant 0 : i32
      %dma_wait3A_833 = tpu.memref_slice %arg4[%add3A_828, %mul3A_2, %dma_wait3A_832] : memref<153x4096x128xf32, #tpu.memory_space<hbm>> -> memref<1x128x128xf32, #tpu.memory_space<hbm>>
      %dma_wait3A_834 = tpu.memref_squeeze %dma_wait3A_833 : memref<1x128x128xf32, #tpu.memory_space<hbm>> -> memref<128x128xf32, #tpu.memory_space<hbm>>
      tpu.wait_dma2 semaphore(%arg22 : memref<!tpu.dma_semaphore, #tpu.memory_space<semaphore_mem>>) src(%arg8 : memref<128x128xf32, #tpu.memory_space<vmem>>) dst(%dma_wait3A_834 : memref<128x128xf32, #tpu.memory_space<hbm>>)
      %add3A_835 = arith.constant 7 : i32
      %add3A_836 = arith.addi %add3A_806, %add3A_835 : i32
      %sub3A_837 = arith.constant 1 : i32
      %sub3A_838 = arith.subi %add3A_836, %sub3A_837 : i32
      %dma_start3A_839 = arith.constant 0 : i32
      %dma_start3A_840 = tpu.memref_slice %arg6[%sub3A_838, %dma_start3A_839] : memref<51x128xi32, #tpu.memory_space<vmem>> -> memref<1x128xi32, #tpu.memory_space<vmem>>
      %dma_start3A_841 = tpu.memref_squeeze %dma_start3A_840 : memref<1x128xi32, #tpu.memory_space<vmem>> -> memref<128xi32, #tpu.memory_space<vmem>>
      %dma_start3A_842 = arith.constant 0 : i32
      %dma_start3A_843 = arith.constant 0 : i32
      %dma_start3A_844 = tpu.memref_slice %arg3[%dma_start3A_842, %dma_start3A_843] : memref<56304x128xf32, #tpu.memory_space<hbm>> -> memref<56304x128xf32, #tpu.memory_space<hbm>>
      tpu.enqueue_indirect_dma source(%dma_start3A_844 : memref<56304x128xf32, #tpu.memory_space<hbm>>) target(%arg8 : memref<128x128xf32, #tpu.memory_space<vmem>>) offsets(%dma_start3A_841 : memref<128xi32, #tpu.memory_space<vmem>>) semaphore(%arg15 : memref<!tpu.dma_semaphore, #tpu.memory_space<semaphore_mem>>)
      %mul3A_845 = arith.constant 7 : i32
      %mul3A_846 = arith.muli %mul3A_845, %scan3A_718 : i32
      %add3A_847 = arith.constant 3 : i32
      %add3A_848 = arith.addi %mul3A_846, %add3A_847 : i32
      %dma_wait3A_849 = arith.constant 0 : i32
      %dma_wait3A_850 = tpu.memref_slice %arg6[%add3A_848, %dma_wait3A_849] : memref<51x128xi32, #tpu.memory_space<vmem>> -> memref<1x128xi32, #tpu.memory_space<vmem>>
      %dma_wait3A_851 = tpu.memref_squeeze %dma_wait3A_850 : memref<1x128xi32, #tpu.memory_space<vmem>> -> memref<128xi32, #tpu.memory_space<vmem>>
      %dma_wait3A_852 = arith.constant 0 : i32
      %dma_wait3A_853 = arith.constant 0 : i32
      %dma_wait3A_854 = tpu.memref_slice %arg3[%dma_wait3A_852, %dma_wait3A_853] : memref<56304x128xf32, #tpu.memory_space<hbm>> -> memref<56304x128xf32, #tpu.memory_space<hbm>>
      tpu.wait_indirect_dma semaphore(%arg17 : memref<!tpu.dma_semaphore, #tpu.memory_space<semaphore_mem>>) src(%dma_wait3A_854 : memref<56304x128xf32, #tpu.memory_space<hbm>>) dst(%arg10 : memref<128x128xf32, #tpu.memory_space<vmem>>)
      %mul3A_855 = arith.constant 3 : i32
      %mul3A_856 = arith.muli %mul3A_855, %add3A_848 : i32
      %add3A_857 = arith.constant 2 : i32
      %add3A_858 = arith.addi %mul3A_856, %add3A_857 : i32
      %dma_start3A_859 = arith.constant 0 : i32
      %dma_start3A_860 = tpu.memref_slice %arg4[%add3A_858, %mul3A_2, %dma_start3A_859] : memref<153x4096x128xf32, #tpu.memory_space<hbm>> -> memref<1x128x128xf32, #tpu.memory_space<hbm>>
      %dma_start3A_861 = tpu.memref_squeeze %dma_start3A_860 : memref<1x128x128xf32, #tpu.memory_space<hbm>> -> memref<128x128xf32, #tpu.memory_space<hbm>>
      %dma_start3A_862 = arith.constant 0 : i32
      %dma_start3A_863 = tpu.memref_slice %arg4[%add3A_858, %mul3A_2, %dma_start3A_862] : memref<153x4096x128xf32, #tpu.memory_space<hbm>> -> memref<1x128x128xf32, #tpu.memory_space<hbm>>
      %dma_start3A_864 = tpu.memref_squeeze %dma_start3A_863 : memref<1x128x128xf32, #tpu.memory_space<hbm>> -> memref<128x128xf32, #tpu.memory_space<hbm>>
      tpu.enqueue_dma source(%arg10 : memref<128x128xf32, #tpu.memory_space<vmem>>) target(%dma_start3A_864 : memref<128x128xf32, #tpu.memory_space<hbm>>) target_semaphore(%arg24 : memref<!tpu.dma_semaphore, #tpu.memory_space<semaphore_mem>>)
      %sub3A_865 = arith.constant 1 : i32
      %sub3A_866 = arith.subi %add3A_848, %sub3A_865 : i32
      %mul3A_867 = arith.constant 3 : i32
      %mul3A_868 = arith.muli %mul3A_867, %sub3A_866 : i32
      %add3A_869 = arith.constant 2 : i32
      %add3A_870 = arith.addi %mul3A_868, %add3A_869 : i32
      %dma_wait3A_871 = arith.constant 0 : i32
      %dma_wait3A_872 = tpu.memref_slice %arg4[%add3A_870, %mul3A_2, %dma_wait3A_871] : memref<153x4096x128xf32, #tpu.memory_space<hbm>> -> memref<1x128x128xf32, #tpu.memory_space<hbm>>
      %dma_wait3A_873 = tpu.memref_squeeze %dma_wait3A_872 : memref<1x128x128xf32, #tpu.memory_space<hbm>> -> memref<128x128xf32, #tpu.memory_space<hbm>>
      %dma_wait3A_874 = arith.constant 0 : i32
      %dma_wait3A_875 = tpu.memref_slice %arg4[%add3A_870, %mul3A_2, %dma_wait3A_874] : memref<153x4096x128xf32, #tpu.memory_space<hbm>> -> memref<1x128x128xf32, #tpu.memory_space<hbm>>
      %dma_wait3A_876 = tpu.memref_squeeze %dma_wait3A_875 : memref<1x128x128xf32, #tpu.memory_space<hbm>> -> memref<128x128xf32, #tpu.memory_space<hbm>>
      tpu.wait_dma2 semaphore(%arg23 : memref<!tpu.dma_semaphore, #tpu.memory_space<semaphore_mem>>) src(%arg9 : memref<128x128xf32, #tpu.memory_space<vmem>>) dst(%dma_wait3A_876 : memref<128x128xf32, #tpu.memory_space<hbm>>)
      %add3A_877 = arith.constant 7 : i32
      %add3A_878 = arith.addi %add3A_848, %add3A_877 : i32
      %sub3A_879 = arith.constant 1 : i32
      %sub3A_880 = arith.subi %add3A_878, %sub3A_879 : i32
      %dma_start3A_881 = arith.constant 0 : i32
      %dma_start3A_882 = tpu.memref_slice %arg6[%sub3A_880, %dma_start3A_881] : memref<51x128xi32, #tpu.memory_space<vmem>> -> memref<1x128xi32, #tpu.memory_space<vmem>>
      %dma_start3A_883 = tpu.memref_squeeze %dma_start3A_882 : memref<1x128xi32, #tpu.memory_space<vmem>> -> memref<128xi32, #tpu.memory_space<vmem>>
      %dma_start3A_884 = arith.constant 0 : i32
      %dma_start3A_885 = arith.constant 0 : i32
      %dma_start3A_886 = tpu.memref_slice %arg3[%dma_start3A_884, %dma_start3A_885] : memref<56304x128xf32, #tpu.memory_space<hbm>> -> memref<56304x128xf32, #tpu.memory_space<hbm>>
      tpu.enqueue_indirect_dma source(%dma_start3A_886 : memref<56304x128xf32, #tpu.memory_space<hbm>>) target(%arg9 : memref<128x128xf32, #tpu.memory_space<vmem>>) offsets(%dma_start3A_883 : memref<128xi32, #tpu.memory_space<vmem>>) semaphore(%arg16 : memref<!tpu.dma_semaphore, #tpu.memory_space<semaphore_mem>>)
      %mul3A_887 = arith.constant 7 : i32
      %mul3A_888 = arith.muli %mul3A_887, %scan3A_718 : i32
      %add3A_889 = arith.constant 4 : i32
      %add3A_890 = arith.addi %mul3A_888, %add3A_889 : i32
      %dma_wait3A_891 = arith.constant 0 : i32
      %dma_wait3A_892 = tpu.memref_slice %arg6[%add3A_890, %dma_wait3A_891] : memref<51x128xi32, #tpu.memory_space<vmem>> -> memref<1x128xi32, #tpu.memory_space<vmem>>
      %dma_wait3A_893 = tpu.memref_squeeze %dma_wait3A_892 : memref<1x128xi32, #tpu.memory_space<vmem>> -> memref<128xi32, #tpu.memory_space<vmem>>
      %dma_wait3A_894 = arith.constant 0 : i32
      %dma_wait3A_895 = arith.constant 0 : i32
      %dma_wait3A_896 = tpu.memref_slice %arg3[%dma_wait3A_894, %dma_wait3A_895] : memref<56304x128xf32, #tpu.memory_space<hbm>> -> memref<56304x128xf32, #tpu.memory_space<hbm>>
      tpu.wait_indirect_dma semaphore(%arg18 : memref<!tpu.dma_semaphore, #tpu.memory_space<semaphore_mem>>) src(%dma_wait3A_896 : memref<56304x128xf32, #tpu.memory_space<hbm>>) dst(%arg11 : memref<128x128xf32, #tpu.memory_space<vmem>>)
      %mul3A_897 = arith.constant 3 : i32
      %mul3A_898 = arith.muli %mul3A_897, %add3A_890 : i32
      %add3A_899 = arith.constant 2 : i32
      %add3A_900 = arith.addi %mul3A_898, %add3A_899 : i32
      %dma_start3A_901 = arith.constant 0 : i32
      %dma_start3A_902 = tpu.memref_slice %arg4[%add3A_900, %mul3A_2, %dma_start3A_901] : memref<153x4096x128xf32, #tpu.memory_space<hbm>> -> memref<1x128x128xf32, #tpu.memory_space<hbm>>
      %dma_start3A_903 = tpu.memref_squeeze %dma_start3A_902 : memref<1x128x128xf32, #tpu.memory_space<hbm>> -> memref<128x128xf32, #tpu.memory_space<hbm>>
      %dma_start3A_904 = arith.constant 0 : i32
      %dma_start3A_905 = tpu.memref_slice %arg4[%add3A_900, %mul3A_2, %dma_start3A_904] : memref<153x4096x128xf32, #tpu.memory_space<hbm>> -> memref<1x128x128xf32, #tpu.memory_space<hbm>>
      %dma_start3A_906 = tpu.memref_squeeze %dma_start3A_905 : memref<1x128x128xf32, #tpu.memory_space<hbm>> -> memref<128x128xf32, #tpu.memory_space<hbm>>
      tpu.enqueue_dma source(%arg11 : memref<128x128xf32, #tpu.memory_space<vmem>>) target(%dma_start3A_906 : memref<128x128xf32, #tpu.memory_space<hbm>>) target_semaphore(%arg25 : memref<!tpu.dma_semaphore, #tpu.memory_space<semaphore_mem>>)
      %sub3A_907 = arith.constant 1 : i32
      %sub3A_908 = arith.subi %add3A_890, %sub3A_907 : i32
      %mul3A_909 = arith.constant 3 : i32
      %mul3A_910 = arith.muli %mul3A_909, %sub3A_908 : i32
      %add3A_911 = arith.constant 2 : i32
      %add3A_912 = arith.addi %mul3A_910, %add3A_911 : i32
      %dma_wait3A_913 = arith.constant 0 : i32
      %dma_wait3A_914 = tpu.memref_slice %arg4[%add3A_912, %mul3A_2, %dma_wait3A_913] : memref<153x4096x128xf32, #tpu.memory_space<hbm>> -> memref<1x128x128xf32, #tpu.memory_space<hbm>>
      %dma_wait3A_915 = tpu.memref_squeeze %dma_wait3A_914 : memref<1x128x128xf32, #tpu.memory_space<hbm>> -> memref<128x128xf32, #tpu.memory_space<hbm>>
      %dma_wait3A_916 = arith.constant 0 : i32
      %dma_wait3A_917 = tpu.memref_slice %arg4[%add3A_912, %mul3A_2, %dma_wait3A_916] : memref<153x4096x128xf32, #tpu.memory_space<hbm>> -> memref<1x128x128xf32, #tpu.memory_space<hbm>>
      %dma_wait3A_918 = tpu.memref_squeeze %dma_wait3A_917 : memref<1x128x128xf32, #tpu.memory_space<hbm>> -> memref<128x128xf32, #tpu.memory_space<hbm>>
      tpu.wait_dma2 semaphore(%arg24 : memref<!tpu.dma_semaphore, #tpu.memory_space<semaphore_mem>>) src(%arg10 : memref<128x128xf32, #tpu.memory_space<vmem>>) dst(%dma_wait3A_918 : memref<128x128xf32, #tpu.memory_space<hbm>>)
      %add3A_919 = arith.constant 7 : i32
      %add3A_920 = arith.addi %add3A_890, %add3A_919 : i32
      %sub3A_921 = arith.constant 1 : i32
      %sub3A_922 = arith.subi %add3A_920, %sub3A_921 : i32
      %dma_start3A_923 = arith.constant 0 : i32
      %dma_start3A_924 = tpu.memref_slice %arg6[%sub3A_922, %dma_start3A_923] : memref<51x128xi32, #tpu.memory_space<vmem>> -> memref<1x128xi32, #tpu.memory_space<vmem>>
      %dma_start3A_925 = tpu.memref_squeeze %dma_start3A_924 : memref<1x128xi32, #tpu.memory_space<vmem>> -> memref<128xi32, #tpu.memory_space<vmem>>
      %dma_start3A_926 = arith.constant 0 : i32
      %dma_start3A_927 = arith.constant 0 : i32
      %dma_start3A_928 = tpu.memref_slice %arg3[%dma_start3A_926, %dma_start3A_927] : memref<56304x128xf32, #tpu.memory_space<hbm>> -> memref<56304x128xf32, #tpu.memory_space<hbm>>
      tpu.enqueue_indirect_dma source(%dma_start3A_928 : memref<56304x128xf32, #tpu.memory_space<hbm>>) target(%arg10 : memref<128x128xf32, #tpu.memory_space<vmem>>) offsets(%dma_start3A_925 : memref<128xi32, #tpu.memory_space<vmem>>) semaphore(%arg17 : memref<!tpu.dma_semaphore, #tpu.memory_space<semaphore_mem>>)
      %mul3A_929 = arith.constant 7 : i32
      %mul3A_930 = arith.muli %mul3A_929, %scan3A_718 : i32
      %add3A_931 = arith.constant 5 : i32
      %add3A_932 = arith.addi %mul3A_930, %add3A_931 : i32
      %dma_wait3A_933 = arith.constant 0 : i32
      %dma_wait3A_934 = tpu.memref_slice %arg6[%add3A_932, %dma_wait3A_933] : memref<51x128xi32, #tpu.memory_space<vmem>> -> memref<1x128xi32, #tpu.memory_space<vmem>>
      %dma_wait3A_935 = tpu.memref_squeeze %dma_wait3A_934 : memref<1x128xi32, #tpu.memory_space<vmem>> -> memref<128xi32, #tpu.memory_space<vmem>>
      %dma_wait3A_936 = arith.constant 0 : i32
      %dma_wait3A_937 = arith.constant 0 : i32
      %dma_wait3A_938 = tpu.memref_slice %arg3[%dma_wait3A_936, %dma_wait3A_937] : memref<56304x128xf32, #tpu.memory_space<hbm>> -> memref<56304x128xf32, #tpu.memory_space<hbm>>
      tpu.wait_indirect_dma semaphore(%arg19 : memref<!tpu.dma_semaphore, #tpu.memory_space<semaphore_mem>>) src(%dma_wait3A_938 : memref<56304x128xf32, #tpu.memory_space<hbm>>) dst(%arg12 : memref<128x128xf32, #tpu.memory_space<vmem>>)
      %mul3A_939 = arith.constant 3 : i32
      %mul3A_940 = arith.muli %mul3A_939, %add3A_932 : i32
      %add3A_941 = arith.constant 2 : i32
      %add3A_942 = arith.addi %mul3A_940, %add3A_941 : i32
      %dma_start3A_943 = arith.constant 0 : i32
      %dma_start3A_944 = tpu.memref_slice %arg4[%add3A_942, %mul3A_2, %dma_start3A_943] : memref<153x4096x128xf32, #tpu.memory_space<hbm>> -> memref<1x128x128xf32, #tpu.memory_space<hbm>>
      %dma_start3A_945 = tpu.memref_squeeze %dma_start3A_944 : memref<1x128x128xf32, #tpu.memory_space<hbm>> -> memref<128x128xf32, #tpu.memory_space<hbm>>
      %dma_start3A_946 = arith.constant 0 : i32
      %dma_start3A_947 = tpu.memref_slice %arg4[%add3A_942, %mul3A_2, %dma_start3A_946] : memref<153x4096x128xf32, #tpu.memory_space<hbm>> -> memref<1x128x128xf32, #tpu.memory_space<hbm>>
      %dma_start3A_948 = tpu.memref_squeeze %dma_start3A_947 : memref<1x128x128xf32, #tpu.memory_space<hbm>> -> memref<128x128xf32, #tpu.memory_space<hbm>>
      tpu.enqueue_dma source(%arg12 : memref<128x128xf32, #tpu.memory_space<vmem>>) target(%dma_start3A_948 : memref<128x128xf32, #tpu.memory_space<hbm>>) target_semaphore(%arg26 : memref<!tpu.dma_semaphore, #tpu.memory_space<semaphore_mem>>)
      %sub3A_949 = arith.constant 1 : i32
      %sub3A_950 = arith.subi %add3A_932, %sub3A_949 : i32
      %mul3A_951 = arith.constant 3 : i32
      %mul3A_952 = arith.muli %mul3A_951, %sub3A_950 : i32
      %add3A_953 = arith.constant 2 : i32
      %add3A_954 = arith.addi %mul3A_952, %add3A_953 : i32
      %dma_wait3A_955 = arith.constant 0 : i32
      %dma_wait3A_956 = tpu.memref_slice %arg4[%add3A_954, %mul3A_2, %dma_wait3A_955] : memref<153x4096x128xf32, #tpu.memory_space<hbm>> -> memref<1x128x128xf32, #tpu.memory_space<hbm>>
      %dma_wait3A_957 = tpu.memref_squeeze %dma_wait3A_956 : memref<1x128x128xf32, #tpu.memory_space<hbm>> -> memref<128x128xf32, #tpu.memory_space<hbm>>
      %dma_wait3A_958 = arith.constant 0 : i32
      %dma_wait3A_959 = tpu.memref_slice %arg4[%add3A_954, %mul3A_2, %dma_wait3A_958] : memref<153x4096x128xf32, #tpu.memory_space<hbm>> -> memref<1x128x128xf32, #tpu.memory_space<hbm>>
      %dma_wait3A_960 = tpu.memref_squeeze %dma_wait3A_959 : memref<1x128x128xf32, #tpu.memory_space<hbm>> -> memref<128x128xf32, #tpu.memory_space<hbm>>
      tpu.wait_dma2 semaphore(%arg25 : memref<!tpu.dma_semaphore, #tpu.memory_space<semaphore_mem>>) src(%arg11 : memref<128x128xf32, #tpu.memory_space<vmem>>) dst(%dma_wait3A_960 : memref<128x128xf32, #tpu.memory_space<hbm>>)
      %add3A_961 = arith.constant 7 : i32
      %add3A_962 = arith.addi %add3A_932, %add3A_961 : i32
      %sub3A_963 = arith.constant 1 : i32
      %sub3A_964 = arith.subi %add3A_962, %sub3A_963 : i32
      %dma_start3A_965 = arith.constant 0 : i32
      %dma_start3A_966 = tpu.memref_slice %arg6[%sub3A_964, %dma_start3A_965] : memref<51x128xi32, #tpu.memory_space<vmem>> -> memref<1x128xi32, #tpu.memory_space<vmem>>
      %dma_start3A_967 = tpu.memref_squeeze %dma_start3A_966 : memref<1x128xi32, #tpu.memory_space<vmem>> -> memref<128xi32, #tpu.memory_space<vmem>>
      %dma_start3A_968 = arith.constant 0 : i32
      %dma_start3A_969 = arith.constant 0 : i32
      %dma_start3A_970 = tpu.memref_slice %arg3[%dma_start3A_968, %dma_start3A_969] : memref<56304x128xf32, #tpu.memory_space<hbm>> -> memref<56304x128xf32, #tpu.memory_space<hbm>>
      tpu.enqueue_indirect_dma source(%dma_start3A_970 : memref<56304x128xf32, #tpu.memory_space<hbm>>) target(%arg11 : memref<128x128xf32, #tpu.memory_space<vmem>>) offsets(%dma_start3A_967 : memref<128xi32, #tpu.memory_space<vmem>>) semaphore(%arg18 : memref<!tpu.dma_semaphore, #tpu.memory_space<semaphore_mem>>)
      %mul3A_971 = arith.constant 7 : i32
      %mul3A_972 = arith.muli %mul3A_971, %scan3A_718 : i32
      %add3A_973 = arith.constant 6 : i32
      %add3A_974 = arith.addi %mul3A_972, %add3A_973 : i32
      %dma_wait3A_975 = arith.constant 0 : i32
      %dma_wait3A_976 = tpu.memref_slice %arg6[%add3A_974, %dma_wait3A_975] : memref<51x128xi32, #tpu.memory_space<vmem>> -> memref<1x128xi32, #tpu.memory_space<vmem>>
      %dma_wait3A_977 = tpu.memref_squeeze %dma_wait3A_976 : memref<1x128xi32, #tpu.memory_space<vmem>> -> memref<128xi32, #tpu.memory_space<vmem>>
      %dma_wait3A_978 = arith.constant 0 : i32
      %dma_wait3A_979 = arith.constant 0 : i32
      %dma_wait3A_980 = tpu.memref_slice %arg3[%dma_wait3A_978, %dma_wait3A_979] : memref<56304x128xf32, #tpu.memory_space<hbm>> -> memref<56304x128xf32, #tpu.memory_space<hbm>>
      tpu.wait_indirect_dma semaphore(%arg20 : memref<!tpu.dma_semaphore, #tpu.memory_space<semaphore_mem>>) src(%dma_wait3A_980 : memref<56304x128xf32, #tpu.memory_space<hbm>>) dst(%arg13 : memref<128x128xf32, #tpu.memory_space<vmem>>)
      %mul3A_981 = arith.constant 3 : i32
      %mul3A_982 = arith.muli %mul3A_981, %add3A_974 : i32
      %add3A_983 = arith.constant 2 : i32
      %add3A_984 = arith.addi %mul3A_982, %add3A_983 : i32
      %dma_start3A_985 = arith.constant 0 : i32
      %dma_start3A_986 = tpu.memref_slice %arg4[%add3A_984, %mul3A_2, %dma_start3A_985] : memref<153x4096x128xf32, #tpu.memory_space<hbm>> -> memref<1x128x128xf32, #tpu.memory_space<hbm>>
      %dma_start3A_987 = tpu.memref_squeeze %dma_start3A_986 : memref<1x128x128xf32, #tpu.memory_space<hbm>> -> memref<128x128xf32, #tpu.memory_space<hbm>>
      %dma_start3A_988 = arith.constant 0 : i32
      %dma_start3A_989 = tpu.memref_slice %arg4[%add3A_984, %mul3A_2, %dma_start3A_988] : memref<153x4096x128xf32, #tpu.memory_space<hbm>> -> memref<1x128x128xf32, #tpu.memory_space<hbm>>
      %dma_start3A_990 = tpu.memref_squeeze %dma_start3A_989 : memref<1x128x128xf32, #tpu.memory_space<hbm>> -> memref<128x128xf32, #tpu.memory_space<hbm>>
      tpu.enqueue_dma source(%arg13 : memref<128x128xf32, #tpu.memory_space<vmem>>) target(%dma_start3A_990 : memref<128x128xf32, #tpu.memory_space<hbm>>) target_semaphore(%arg27 : memref<!tpu.dma_semaphore, #tpu.memory_space<semaphore_mem>>)
      %sub3A_991 = arith.constant 1 : i32
      %sub3A_992 = arith.subi %add3A_974, %sub3A_991 : i32
      %mul3A_993 = arith.constant 3 : i32
      %mul3A_994 = arith.muli %mul3A_993, %sub3A_992 : i32
      %add3A_995 = arith.constant 2 : i32
      %add3A_996 = arith.addi %mul3A_994, %add3A_995 : i32
      %dma_wait3A_997 = arith.constant 0 : i32
      %dma_wait3A_998 = tpu.memref_slice %arg4[%add3A_996, %mul3A_2, %dma_wait3A_997] : memref<153x4096x128xf32, #tpu.memory_space<hbm>> -> memref<1x128x128xf32, #tpu.memory_space<hbm>>
      %dma_wait3A_999 = tpu.memref_squeeze %dma_wait3A_998 : memref<1x128x128xf32, #tpu.memory_space<hbm>> -> memref<128x128xf32, #tpu.memory_space<hbm>>
      %dma_wait3A_1000 = arith.constant 0 : i32
      %dma_wait3A_1001 = tpu.memref_slice %arg4[%add3A_996, %mul3A_2, %dma_wait3A_1000] : memref<153x4096x128xf32, #tpu.memory_space<hbm>> -> memref<1x128x128xf32, #tpu.memory_space<hbm>>
      %dma_wait3A_1002 = tpu.memref_squeeze %dma_wait3A_1001 : memref<1x128x128xf32, #tpu.memory_space<hbm>> -> memref<128x128xf32, #tpu.memory_space<hbm>>
      tpu.wait_dma2 semaphore(%arg26 : memref<!tpu.dma_semaphore, #tpu.memory_space<semaphore_mem>>) src(%arg12 : memref<128x128xf32, #tpu.memory_space<vmem>>) dst(%dma_wait3A_1002 : memref<128x128xf32, #tpu.memory_space<hbm>>)
      %add3A_1003 = arith.constant 7 : i32
      %add3A_1004 = arith.addi %add3A_974, %add3A_1003 : i32
      %sub3A_1005 = arith.constant 1 : i32
      %sub3A_1006 = arith.subi %add3A_1004, %sub3A_1005 : i32
      %dma_start3A_1007 = arith.constant 0 : i32
      %dma_start3A_1008 = tpu.memref_slice %arg6[%sub3A_1006, %dma_start3A_1007] : memref<51x128xi32, #tpu.memory_space<vmem>> -> memref<1x128xi32, #tpu.memory_space<vmem>>
      %dma_start3A_1009 = tpu.memref_squeeze %dma_start3A_1008 : memref<1x128xi32, #tpu.memory_space<vmem>> -> memref<128xi32, #tpu.memory_space<vmem>>
      %dma_start3A_1010 = arith.constant 0 : i32
      %dma_start3A_1011 = arith.constant 0 : i32
      %dma_start3A_1012 = tpu.memref_slice %arg3[%dma_start3A_1010, %dma_start3A_1011] : memref<56304x128xf32, #tpu.memory_space<hbm>> -> memref<56304x128xf32, #tpu.memory_space<hbm>>
      tpu.enqueue_indirect_dma source(%dma_start3A_1012 : memref<56304x128xf32, #tpu.memory_space<hbm>>) target(%arg12 : memref<128x128xf32, #tpu.memory_space<vmem>>) offsets(%dma_start3A_1009 : memref<128xi32, #tpu.memory_space<vmem>>) semaphore(%arg19 : memref<!tpu.dma_semaphore, #tpu.memory_space<semaphore_mem>>)
    }
    %scan3A_500 = arith.constant 5 : i32
    %dma_wait3A_501 = arith.constant 42 : i32
    %dma_wait3A_502 = arith.constant 0 : i32
    %dma_wait3A_503 = tpu.memref_slice %arg6[%dma_wait3A_501, %dma_wait3A_502] : memref<51x128xi32, #tpu.memory_space<vmem>> -> memref<1x128xi32, #tpu.memory_space<vmem>>
    %dma_wait3A_504 = tpu.memref_squeeze %dma_wait3A_503 : memref<1x128xi32, #tpu.memory_space<vmem>> -> memref<128xi32, #tpu.memory_space<vmem>>
    %dma_wait3A_505 = arith.constant 0 : i32
    %dma_wait3A_506 = arith.constant 0 : i32
    %dma_wait3A_507 = tpu.memref_slice %arg3[%dma_wait3A_505, %dma_wait3A_506] : memref<56304x128xf32, #tpu.memory_space<hbm>> -> memref<56304x128xf32, #tpu.memory_space<hbm>>
    tpu.wait_indirect_dma semaphore(%arg14 : memref<!tpu.dma_semaphore, #tpu.memory_space<semaphore_mem>>) src(%dma_wait3A_507 : memref<56304x128xf32, #tpu.memory_space<hbm>>) dst(%arg7 : memref<128x128xf32, #tpu.memory_space<vmem>>)
    %dma_start3A_508 = arith.constant 128 : i32
    %dma_start3A_509 = arith.constant 0 : i32
    %dma_start3A_510 = tpu.memref_slice %arg4[%dma_start3A_508, %mul3A_2, %dma_start3A_509] : memref<153x4096x128xf32, #tpu.memory_space<hbm>> -> memref<1x128x128xf32, #tpu.memory_space<hbm>>
    %dma_start3A_511 = tpu.memref_squeeze %dma_start3A_510 : memref<1x128x128xf32, #tpu.memory_space<hbm>> -> memref<128x128xf32, #tpu.memory_space<hbm>>
    %dma_start3A_512 = arith.constant 0 : i32
    %dma_start3A_513 = tpu.memref_slice %arg4[%dma_start3A_508, %mul3A_2, %dma_start3A_512] : memref<153x4096x128xf32, #tpu.memory_space<hbm>> -> memref<1x128x128xf32, #tpu.memory_space<hbm>>
    %dma_start3A_514 = tpu.memref_squeeze %dma_start3A_513 : memref<1x128x128xf32, #tpu.memory_space<hbm>> -> memref<128x128xf32, #tpu.memory_space<hbm>>
    tpu.enqueue_dma source(%arg7 : memref<128x128xf32, #tpu.memory_space<vmem>>) target(%dma_start3A_514 : memref<128x128xf32, #tpu.memory_space<hbm>>) target_semaphore(%arg21 : memref<!tpu.dma_semaphore, #tpu.memory_space<semaphore_mem>>)
    %dma_wait3A_515 = arith.constant 125 : i32
    %dma_wait3A_516 = arith.constant 0 : i32
    %dma_wait3A_517 = tpu.memref_slice %arg4[%dma_wait3A_515, %mul3A_2, %dma_wait3A_516] : memref<153x4096x128xf32, #tpu.memory_space<hbm>> -> memref<1x128x128xf32, #tpu.memory_space<hbm>>
    %dma_wait3A_518 = tpu.memref_squeeze %dma_wait3A_517 : memref<1x128x128xf32, #tpu.memory_space<hbm>> -> memref<128x128xf32, #tpu.memory_space<hbm>>
    %dma_wait3A_519 = arith.constant 0 : i32
    %dma_wait3A_520 = tpu.memref_slice %arg4[%dma_wait3A_515, %mul3A_2, %dma_wait3A_519] : memref<153x4096x128xf32, #tpu.memory_space<hbm>> -> memref<1x128x128xf32, #tpu.memory_space<hbm>>
    %dma_wait3A_521 = tpu.memref_squeeze %dma_wait3A_520 : memref<1x128x128xf32, #tpu.memory_space<hbm>> -> memref<128x128xf32, #tpu.memory_space<hbm>>
    tpu.wait_dma2 semaphore(%arg27 : memref<!tpu.dma_semaphore, #tpu.memory_space<semaphore_mem>>) src(%arg13 : memref<128x128xf32, #tpu.memory_space<vmem>>) dst(%dma_wait3A_521 : memref<128x128xf32, #tpu.memory_space<hbm>>)
    %dma_start3A_522 = arith.constant 48 : i32
    %dma_start3A_523 = arith.constant 0 : i32
    %dma_start3A_524 = tpu.memref_slice %arg6[%dma_start3A_522, %dma_start3A_523] : memref<51x128xi32, #tpu.memory_space<vmem>> -> memref<1x128xi32, #tpu.memory_space<vmem>>
    %dma_start3A_525 = tpu.memref_squeeze %dma_start3A_524 : memref<1x128xi32, #tpu.memory_space<vmem>> -> memref<128xi32, #tpu.memory_space<vmem>>
    %dma_start3A_526 = arith.constant 0 : i32
    %dma_start3A_527 = arith.constant 0 : i32
    %dma_start3A_528 = tpu.memref_slice %arg3[%dma_start3A_526, %dma_start3A_527] : memref<56304x128xf32, #tpu.memory_space<hbm>> -> memref<56304x128xf32, #tpu.memory_space<hbm>>
    tpu.enqueue_indirect_dma source(%dma_start3A_528 : memref<56304x128xf32, #tpu.memory_space<hbm>>) target(%arg13 : memref<128x128xf32, #tpu.memory_space<vmem>>) offsets(%dma_start3A_525 : memref<128xi32, #tpu.memory_space<vmem>>) semaphore(%arg20 : memref<!tpu.dma_semaphore, #tpu.memory_space<semaphore_mem>>)
    %dma_wait3A_529 = arith.constant 43 : i32
    %dma_wait3A_530 = arith.constant 0 : i32
    %dma_wait3A_531 = tpu.memref_slice %arg6[%dma_wait3A_529, %dma_wait3A_530] : memref<51x128xi32, #tpu.memory_space<vmem>> -> memref<1x128xi32, #tpu.memory_space<vmem>>
    %dma_wait3A_532 = tpu.memref_squeeze %dma_wait3A_531 : memref<1x128xi32, #tpu.memory_space<vmem>> -> memref<128xi32, #tpu.memory_space<vmem>>
    %dma_wait3A_533 = arith.constant 0 : i32
    %dma_wait3A_534 = arith.constant 0 : i32
    %dma_wait3A_535 = tpu.memref_slice %arg3[%dma_wait3A_533, %dma_wait3A_534] : memref<56304x128xf32, #tpu.memory_space<hbm>> -> memref<56304x128xf32, #tpu.memory_space<hbm>>
    tpu.wait_indirect_dma semaphore(%arg15 : memref<!tpu.dma_semaphore, #tpu.memory_space<semaphore_mem>>) src(%dma_wait3A_535 : memref<56304x128xf32, #tpu.memory_space<hbm>>) dst(%arg8 : memref<128x128xf32, #tpu.memory_space<vmem>>)
    %dma_start3A_536 = arith.constant 131 : i32
    %dma_start3A_537 = arith.constant 0 : i32
    %dma_start3A_538 = tpu.memref_slice %arg4[%dma_start3A_536, %mul3A_2, %dma_start3A_537] : memref<153x4096x128xf32, #tpu.memory_space<hbm>> -> memref<1x128x128xf32, #tpu.memory_space<hbm>>
    %dma_start3A_539 = tpu.memref_squeeze %dma_start3A_538 : memref<1x128x128xf32, #tpu.memory_space<hbm>> -> memref<128x128xf32, #tpu.memory_space<hbm>>
    %dma_start3A_540 = arith.constant 0 : i32
    %dma_start3A_541 = tpu.memref_slice %arg4[%dma_start3A_536, %mul3A_2, %dma_start3A_540] : memref<153x4096x128xf32, #tpu.memory_space<hbm>> -> memref<1x128x128xf32, #tpu.memory_space<hbm>>
    %dma_start3A_542 = tpu.memref_squeeze %dma_start3A_541 : memref<1x128x128xf32, #tpu.memory_space<hbm>> -> memref<128x128xf32, #tpu.memory_space<hbm>>
    tpu.enqueue_dma source(%arg8 : memref<128x128xf32, #tpu.memory_space<vmem>>) target(%dma_start3A_542 : memref<128x128xf32, #tpu.memory_space<hbm>>) target_semaphore(%arg22 : memref<!tpu.dma_semaphore, #tpu.memory_space<semaphore_mem>>)
    %dma_wait3A_543 = arith.constant 128 : i32
    %dma_wait3A_544 = arith.constant 0 : i32
    %dma_wait3A_545 = tpu.memref_slice %arg4[%dma_wait3A_543, %mul3A_2, %dma_wait3A_544] : memref<153x4096x128xf32, #tpu.memory_space<hbm>> -> memref<1x128x128xf32, #tpu.memory_space<hbm>>
    %dma_wait3A_546 = tpu.memref_squeeze %dma_wait3A_545 : memref<1x128x128xf32, #tpu.memory_space<hbm>> -> memref<128x128xf32, #tpu.memory_space<hbm>>
    %dma_wait3A_547 = arith.constant 0 : i32
    %dma_wait3A_548 = tpu.memref_slice %arg4[%dma_wait3A_543, %mul3A_2, %dma_wait3A_547] : memref<153x4096x128xf32, #tpu.memory_space<hbm>> -> memref<1x128x128xf32, #tpu.memory_space<hbm>>
    %dma_wait3A_549 = tpu.memref_squeeze %dma_wait3A_548 : memref<1x128x128xf32, #tpu.memory_space<hbm>> -> memref<128x128xf32, #tpu.memory_space<hbm>>
    tpu.wait_dma2 semaphore(%arg21 : memref<!tpu.dma_semaphore, #tpu.memory_space<semaphore_mem>>) src(%arg7 : memref<128x128xf32, #tpu.memory_space<vmem>>) dst(%dma_wait3A_549 : memref<128x128xf32, #tpu.memory_space<hbm>>)
    %dma_start3A_550 = arith.constant 49 : i32
    %dma_start3A_551 = arith.constant 0 : i32
    %dma_start3A_552 = tpu.memref_slice %arg6[%dma_start3A_550, %dma_start3A_551] : memref<51x128xi32, #tpu.memory_space<vmem>> -> memref<1x128xi32, #tpu.memory_space<vmem>>
    %dma_start3A_553 = tpu.memref_squeeze %dma_start3A_552 : memref<1x128xi32, #tpu.memory_space<vmem>> -> memref<128xi32, #tpu.memory_space<vmem>>
    %dma_start3A_554 = arith.constant 0 : i32
    %dma_start3A_555 = arith.constant 0 : i32
    %dma_start3A_556 = tpu.memref_slice %arg3[%dma_start3A_554, %dma_start3A_555] : memref<56304x128xf32, #tpu.memory_space<hbm>> -> memref<56304x128xf32, #tpu.memory_space<hbm>>
    tpu.enqueue_indirect_dma source(%dma_start3A_556 : memref<56304x128xf32, #tpu.memory_space<hbm>>) target(%arg7 : memref<128x128xf32, #tpu.memory_space<vmem>>) offsets(%dma_start3A_553 : memref<128xi32, #tpu.memory_space<vmem>>) semaphore(%arg14 : memref<!tpu.dma_semaphore, #tpu.memory_space<semaphore_mem>>)
    %dma_wait3A_557 = arith.constant 44 : i32
    %dma_wait3A_558 = arith.constant 0 : i32
    %dma_wait3A_559 = tpu.memref_slice %arg6[%dma_wait3A_557, %dma_wait3A_558] : memref<51x128xi32, #tpu.memory_space<vmem>> -> memref<1x128xi32, #tpu.memory_space<vmem>>
    %dma_wait3A_560 = tpu.memref_squeeze %dma_wait3A_559 : memref<1x128xi32, #tpu.memory_space<vmem>> -> memref<128xi32, #tpu.memory_space<vmem>>
    %dma_wait3A_561 = arith.constant 0 : i32
    %dma_wait3A_562 = arith.constant 0 : i32
    %dma_wait3A_563 = tpu.memref_slice %arg3[%dma_wait3A_561, %dma_wait3A_562] : memref<56304x128xf32, #tpu.memory_space<hbm>> -> memref<56304x128xf32, #tpu.memory_space<hbm>>
    tpu.wait_indirect_dma semaphore(%arg16 : memref<!tpu.dma_semaphore, #tpu.memory_space<semaphore_mem>>) src(%dma_wait3A_563 : memref<56304x128xf32, #tpu.memory_space<hbm>>) dst(%arg9 : memref<128x128xf32, #tpu.memory_space<vmem>>)
    %dma_start3A_564 = arith.constant 134 : i32
    %dma_start3A_565 = arith.constant 0 : i32
    %dma_start3A_566 = tpu.memref_slice %arg4[%dma_start3A_564, %mul3A_2, %dma_start3A_565] : memref<153x4096x128xf32, #tpu.memory_space<hbm>> -> memref<1x128x128xf32, #tpu.memory_space<hbm>>
    %dma_start3A_567 = tpu.memref_squeeze %dma_start3A_566 : memref<1x128x128xf32, #tpu.memory_space<hbm>> -> memref<128x128xf32, #tpu.memory_space<hbm>>
    %dma_start3A_568 = arith.constant 0 : i32
    %dma_start3A_569 = tpu.memref_slice %arg4[%dma_start3A_564, %mul3A_2, %dma_start3A_568] : memref<153x4096x128xf32, #tpu.memory_space<hbm>> -> memref<1x128x128xf32, #tpu.memory_space<hbm>>
    %dma_start3A_570 = tpu.memref_squeeze %dma_start3A_569 : memref<1x128x128xf32, #tpu.memory_space<hbm>> -> memref<128x128xf32, #tpu.memory_space<hbm>>
    tpu.enqueue_dma source(%arg9 : memref<128x128xf32, #tpu.memory_space<vmem>>) target(%dma_start3A_570 : memref<128x128xf32, #tpu.memory_space<hbm>>) target_semaphore(%arg23 : memref<!tpu.dma_semaphore, #tpu.memory_space<semaphore_mem>>)
    %dma_wait3A_571 = arith.constant 131 : i32
    %dma_wait3A_572 = arith.constant 0 : i32
    %dma_wait3A_573 = tpu.memref_slice %arg4[%dma_wait3A_571, %mul3A_2, %dma_wait3A_572] : memref<153x4096x128xf32, #tpu.memory_space<hbm>> -> memref<1x128x128xf32, #tpu.memory_space<hbm>>
    %dma_wait3A_574 = tpu.memref_squeeze %dma_wait3A_573 : memref<1x128x128xf32, #tpu.memory_space<hbm>> -> memref<128x128xf32, #tpu.memory_space<hbm>>
    %dma_wait3A_575 = arith.constant 0 : i32
    %dma_wait3A_576 = tpu.memref_slice %arg4[%dma_wait3A_571, %mul3A_2, %dma_wait3A_575] : memref<153x4096x128xf32, #tpu.memory_space<hbm>> -> memref<1x128x128xf32, #tpu.memory_space<hbm>>
    %dma_wait3A_577 = tpu.memref_squeeze %dma_wait3A_576 : memref<1x128x128xf32, #tpu.memory_space<hbm>> -> memref<128x128xf32, #tpu.memory_space<hbm>>
    tpu.wait_dma2 semaphore(%arg22 : memref<!tpu.dma_semaphore, #tpu.memory_space<semaphore_mem>>) src(%arg8 : memref<128x128xf32, #tpu.memory_space<vmem>>) dst(%dma_wait3A_577 : memref<128x128xf32, #tpu.memory_space<hbm>>)
    %dma_start3A_578 = arith.constant 50 : i32
    %dma_start3A_579 = arith.constant 0 : i32
    %dma_start3A_580 = tpu.memref_slice %arg6[%dma_start3A_578, %dma_start3A_579] : memref<51x128xi32, #tpu.memory_space<vmem>> -> memref<1x128xi32, #tpu.memory_space<vmem>>
    %dma_start3A_581 = tpu.memref_squeeze %dma_start3A_580 : memref<1x128xi32, #tpu.memory_space<vmem>> -> memref<128xi32, #tpu.memory_space<vmem>>
    %dma_start3A_582 = arith.constant 0 : i32
    %dma_start3A_583 = arith.constant 0 : i32
    %dma_start3A_584 = tpu.memref_slice %arg3[%dma_start3A_582, %dma_start3A_583] : memref<56304x128xf32, #tpu.memory_space<hbm>> -> memref<56304x128xf32, #tpu.memory_space<hbm>>
    tpu.enqueue_indirect_dma source(%dma_start3A_584 : memref<56304x128xf32, #tpu.memory_space<hbm>>) target(%arg8 : memref<128x128xf32, #tpu.memory_space<vmem>>) offsets(%dma_start3A_581 : memref<128xi32, #tpu.memory_space<vmem>>) semaphore(%arg15 : memref<!tpu.dma_semaphore, #tpu.memory_space<semaphore_mem>>)
    %dma_wait3A_585 = arith.constant 45 : i32
    %dma_wait3A_586 = arith.constant 0 : i32
    %dma_wait3A_587 = tpu.memref_slice %arg6[%dma_wait3A_585, %dma_wait3A_586] : memref<51x128xi32, #tpu.memory_space<vmem>> -> memref<1x128xi32, #tpu.memory_space<vmem>>
    %dma_wait3A_588 = tpu.memref_squeeze %dma_wait3A_587 : memref<1x128xi32, #tpu.memory_space<vmem>> -> memref<128xi32, #tpu.memory_space<vmem>>
    %dma_wait3A_589 = arith.constant 0 : i32
    %dma_wait3A_590 = arith.constant 0 : i32
    %dma_wait3A_591 = tpu.memref_slice %arg3[%dma_wait3A_589, %dma_wait3A_590] : memref<56304x128xf32, #tpu.memory_space<hbm>> -> memref<56304x128xf32, #tpu.memory_space<hbm>>
    tpu.wait_indirect_dma semaphore(%arg17 : memref<!tpu.dma_semaphore, #tpu.memory_space<semaphore_mem>>) src(%dma_wait3A_591 : memref<56304x128xf32, #tpu.memory_space<hbm>>) dst(%arg10 : memref<128x128xf32, #tpu.memory_space<vmem>>)
    %dma_start3A_592 = arith.constant 137 : i32
    %dma_start3A_593 = arith.constant 0 : i32
    %dma_start3A_594 = tpu.memref_slice %arg4[%dma_start3A_592, %mul3A_2, %dma_start3A_593] : memref<153x4096x128xf32, #tpu.memory_space<hbm>> -> memref<1x128x128xf32, #tpu.memory_space<hbm>>
    %dma_start3A_595 = tpu.memref_squeeze %dma_start3A_594 : memref<1x128x128xf32, #tpu.memory_space<hbm>> -> memref<128x128xf32, #tpu.memory_space<hbm>>
    %dma_start3A_596 = arith.constant 0 : i32
    %dma_start3A_597 = tpu.memref_slice %arg4[%dma_start3A_592, %mul3A_2, %dma_start3A_596] : memref<153x4096x128xf32, #tpu.memory_space<hbm>> -> memref<1x128x128xf32, #tpu.memory_space<hbm>>
    %dma_start3A_598 = tpu.memref_squeeze %dma_start3A_597 : memref<1x128x128xf32, #tpu.memory_space<hbm>> -> memref<128x128xf32, #tpu.memory_space<hbm>>
    tpu.enqueue_dma source(%arg10 : memref<128x128xf32, #tpu.memory_space<vmem>>) target(%dma_start3A_598 : memref<128x128xf32, #tpu.memory_space<hbm>>) target_semaphore(%arg24 : memref<!tpu.dma_semaphore, #tpu.memory_space<semaphore_mem>>)
    %dma_wait3A_599 = arith.constant 46 : i32
    %dma_wait3A_600 = arith.constant 0 : i32
    %dma_wait3A_601 = tpu.memref_slice %arg6[%dma_wait3A_599, %dma_wait3A_600] : memref<51x128xi32, #tpu.memory_space<vmem>> -> memref<1x128xi32, #tpu.memory_space<vmem>>
    %dma_wait3A_602 = tpu.memref_squeeze %dma_wait3A_601 : memref<1x128xi32, #tpu.memory_space<vmem>> -> memref<128xi32, #tpu.memory_space<vmem>>
    %dma_wait3A_603 = arith.constant 0 : i32
    %dma_wait3A_604 = arith.constant 0 : i32
    %dma_wait3A_605 = tpu.memref_slice %arg3[%dma_wait3A_603, %dma_wait3A_604] : memref<56304x128xf32, #tpu.memory_space<hbm>> -> memref<56304x128xf32, #tpu.memory_space<hbm>>
    tpu.wait_indirect_dma semaphore(%arg18 : memref<!tpu.dma_semaphore, #tpu.memory_space<semaphore_mem>>) src(%dma_wait3A_605 : memref<56304x128xf32, #tpu.memory_space<hbm>>) dst(%arg11 : memref<128x128xf32, #tpu.memory_space<vmem>>)
    %dma_start3A_606 = arith.constant 140 : i32
    %dma_start3A_607 = arith.constant 0 : i32
    %dma_start3A_608 = tpu.memref_slice %arg4[%dma_start3A_606, %mul3A_2, %dma_start3A_607] : memref<153x4096x128xf32, #tpu.memory_space<hbm>> -> memref<1x128x128xf32, #tpu.memory_space<hbm>>
    %dma_start3A_609 = tpu.memref_squeeze %dma_start3A_608 : memref<1x128x128xf32, #tpu.memory_space<hbm>> -> memref<128x128xf32, #tpu.memory_space<hbm>>
    %dma_start3A_610 = arith.constant 0 : i32
    %dma_start3A_611 = tpu.memref_slice %arg4[%dma_start3A_606, %mul3A_2, %dma_start3A_610] : memref<153x4096x128xf32, #tpu.memory_space<hbm>> -> memref<1x128x128xf32, #tpu.memory_space<hbm>>
    %dma_start3A_612 = tpu.memref_squeeze %dma_start3A_611 : memref<1x128x128xf32, #tpu.memory_space<hbm>> -> memref<128x128xf32, #tpu.memory_space<hbm>>
    tpu.enqueue_dma source(%arg11 : memref<128x128xf32, #tpu.memory_space<vmem>>) target(%dma_start3A_612 : memref<128x128xf32, #tpu.memory_space<hbm>>) target_semaphore(%arg25 : memref<!tpu.dma_semaphore, #tpu.memory_space<semaphore_mem>>)
    %dma_wait3A_613 = arith.constant 47 : i32
    %dma_wait3A_614 = arith.constant 0 : i32
    %dma_wait3A_615 = tpu.memref_slice %arg6[%dma_wait3A_613, %dma_wait3A_614] : memref<51x128xi32, #tpu.memory_space<vmem>> -> memref<1x128xi32, #tpu.memory_space<vmem>>
    %dma_wait3A_616 = tpu.memref_squeeze %dma_wait3A_615 : memref<1x128xi32, #tpu.memory_space<vmem>> -> memref<128xi32, #tpu.memory_space<vmem>>
    %dma_wait3A_617 = arith.constant 0 : i32
    %dma_wait3A_618 = arith.constant 0 : i32
    %dma_wait3A_619 = tpu.memref_slice %arg3[%dma_wait3A_617, %dma_wait3A_618] : memref<56304x128xf32, #tpu.memory_space<hbm>> -> memref<56304x128xf32, #tpu.memory_space<hbm>>
    tpu.wait_indirect_dma semaphore(%arg19 : memref<!tpu.dma_semaphore, #tpu.memory_space<semaphore_mem>>) src(%dma_wait3A_619 : memref<56304x128xf32, #tpu.memory_space<hbm>>) dst(%arg12 : memref<128x128xf32, #tpu.memory_space<vmem>>)
    %dma_start3A_620 = arith.constant 143 : i32
    %dma_start3A_621 = arith.constant 0 : i32
    %dma_start3A_622 = tpu.memref_slice %arg4[%dma_start3A_620, %mul3A_2, %dma_start3A_621] : memref<153x4096x128xf32, #tpu.memory_space<hbm>> -> memref<1x128x128xf32, #tpu.memory_space<hbm>>
    %dma_start3A_623 = tpu.memref_squeeze %dma_start3A_622 : memref<1x128x128xf32, #tpu.memory_space<hbm>> -> memref<128x128xf32, #tpu.memory_space<hbm>>
    %dma_start3A_624 = arith.constant 0 : i32
    %dma_start3A_625 = tpu.memref_slice %arg4[%dma_start3A_620, %mul3A_2, %dma_start3A_624] : memref<153x4096x128xf32, #tpu.memory_space<hbm>> -> memref<1x128x128xf32, #tpu.memory_space<hbm>>
    %dma_start3A_626 = tpu.memref_squeeze %dma_start3A_625 : memref<1x128x128xf32, #tpu.memory_space<hbm>> -> memref<128x128xf32, #tpu.memory_space<hbm>>
    tpu.enqueue_dma source(%arg12 : memref<128x128xf32, #tpu.memory_space<vmem>>) target(%dma_start3A_626 : memref<128x128xf32, #tpu.memory_space<hbm>>) target_semaphore(%arg26 : memref<!tpu.dma_semaphore, #tpu.memory_space<semaphore_mem>>)
    %dma_wait3A_627 = arith.constant 48 : i32
    %dma_wait3A_628 = arith.constant 0 : i32
    %dma_wait3A_629 = tpu.memref_slice %arg6[%dma_wait3A_627, %dma_wait3A_628] : memref<51x128xi32, #tpu.memory_space<vmem>> -> memref<1x128xi32, #tpu.memory_space<vmem>>
    %dma_wait3A_630 = tpu.memref_squeeze %dma_wait3A_629 : memref<1x128xi32, #tpu.memory_space<vmem>> -> memref<128xi32, #tpu.memory_space<vmem>>
    %dma_wait3A_631 = arith.constant 0 : i32
    %dma_wait3A_632 = arith.constant 0 : i32
    %dma_wait3A_633 = tpu.memref_slice %arg3[%dma_wait3A_631, %dma_wait3A_632] : memref<56304x128xf32, #tpu.memory_space<hbm>> -> memref<56304x128xf32, #tpu.memory_space<hbm>>
    tpu.wait_indirect_dma semaphore(%arg20 : memref<!tpu.dma_semaphore, #tpu.memory_space<semaphore_mem>>) src(%dma_wait3A_633 : memref<56304x128xf32, #tpu.memory_space<hbm>>) dst(%arg13 : memref<128x128xf32, #tpu.memory_space<vmem>>)
    %dma_start3A_634 = arith.constant 146 : i32
    %dma_start3A_635 = arith.constant 0 : i32
    %dma_start3A_636 = tpu.memref_slice %arg4[%dma_start3A_634, %mul3A_2, %dma_start3A_635] : memref<153x4096x128xf32, #tpu.memory_space<hbm>> -> memref<1x128x128xf32, #tpu.memory_space<hbm>>
    %dma_start3A_637 = tpu.memref_squeeze %dma_start3A_636 : memref<1x128x128xf32, #tpu.memory_space<hbm>> -> memref<128x128xf32, #tpu.memory_space<hbm>>
    %dma_start3A_638 = arith.constant 0 : i32
    %dma_start3A_639 = tpu.memref_slice %arg4[%dma_start3A_634, %mul3A_2, %dma_start3A_638] : memref<153x4096x128xf32, #tpu.memory_space<hbm>> -> memref<1x128x128xf32, #tpu.memory_space<hbm>>
    %dma_start3A_640 = tpu.memref_squeeze %dma_start3A_639 : memref<1x128x128xf32, #tpu.memory_space<hbm>> -> memref<128x128xf32, #tpu.memory_space<hbm>>
    tpu.enqueue_dma source(%arg13 : memref<128x128xf32, #tpu.memory_space<vmem>>) target(%dma_start3A_640 : memref<128x128xf32, #tpu.memory_space<hbm>>) target_semaphore(%arg27 : memref<!tpu.dma_semaphore, #tpu.memory_space<semaphore_mem>>)
    %dma_wait3A_641 = arith.constant 49 : i32
    %dma_wait3A_642 = arith.constant 0 : i32
    %dma_wait3A_643 = tpu.memref_slice %arg6[%dma_wait3A_641, %dma_wait3A_642] : memref<51x128xi32, #tpu.memory_space<vmem>> -> memref<1x128xi32, #tpu.memory_space<vmem>>
    %dma_wait3A_644 = tpu.memref_squeeze %dma_wait3A_643 : memref<1x128xi32, #tpu.memory_space<vmem>> -> memref<128xi32, #tpu.memory_space<vmem>>
    %dma_wait3A_645 = arith.constant 0 : i32
    %dma_wait3A_646 = arith.constant 0 : i32
    %dma_wait3A_647 = tpu.memref_slice %arg3[%dma_wait3A_645, %dma_wait3A_646] : memref<56304x128xf32, #tpu.memory_space<hbm>> -> memref<56304x128xf32, #tpu.memory_space<hbm>>
    tpu.wait_indirect_dma semaphore(%arg14 : memref<!tpu.dma_semaphore, #tpu.memory_space<semaphore_mem>>) src(%dma_wait3A_647 : memref<56304x128xf32, #tpu.memory_space<hbm>>) dst(%arg7 : memref<128x128xf32, #tpu.memory_space<vmem>>)
    %dma_start3A_648 = arith.constant 149 : i32
    %dma_start3A_649 = arith.constant 0 : i32
    %dma_start3A_650 = tpu.memref_slice %arg4[%dma_start3A_648, %mul3A_2, %dma_start3A_649] : memref<153x4096x128xf32, #tpu.memory_space<hbm>> -> memref<1x128x128xf32, #tpu.memory_space<hbm>>
    %dma_start3A_651 = tpu.memref_squeeze %dma_start3A_650 : memref<1x128x128xf32, #tpu.memory_space<hbm>> -> memref<128x128xf32, #tpu.memory_space<hbm>>
    %dma_start3A_652 = arith.constant 0 : i32
    %dma_start3A_653 = tpu.memref_slice %arg4[%dma_start3A_648, %mul3A_2, %dma_start3A_652] : memref<153x4096x128xf32, #tpu.memory_space<hbm>> -> memref<1x128x128xf32, #tpu.memory_space<hbm>>
    %dma_start3A_654 = tpu.memref_squeeze %dma_start3A_653 : memref<1x128x128xf32, #tpu.memory_space<hbm>> -> memref<128x128xf32, #tpu.memory_space<hbm>>
    tpu.enqueue_dma source(%arg7 : memref<128x128xf32, #tpu.memory_space<vmem>>) target(%dma_start3A_654 : memref<128x128xf32, #tpu.memory_space<hbm>>) target_semaphore(%arg21 : memref<!tpu.dma_semaphore, #tpu.memory_space<semaphore_mem>>)
    %dma_wait3A_655 = arith.constant 50 : i32
    %dma_wait3A_656 = arith.constant 0 : i32
    %dma_wait3A_657 = tpu.memref_slice %arg6[%dma_wait3A_655, %dma_wait3A_656] : memref<51x128xi32, #tpu.memory_space<vmem>> -> memref<1x128xi32, #tpu.memory_space<vmem>>
    %dma_wait3A_658 = tpu.memref_squeeze %dma_wait3A_657 : memref<1x128xi32, #tpu.memory_space<vmem>> -> memref<128xi32, #tpu.memory_space<vmem>>
    %dma_wait3A_659 = arith.constant 0 : i32
    %dma_wait3A_660 = arith.constant 0 : i32
    %dma_wait3A_661 = tpu.memref_slice %arg3[%dma_wait3A_659, %dma_wait3A_660] : memref<56304x128xf32, #tpu.memory_space<hbm>> -> memref<56304x128xf32, #tpu.memory_space<hbm>>
    tpu.wait_indirect_dma semaphore(%arg15 : memref<!tpu.dma_semaphore, #tpu.memory_space<semaphore_mem>>) src(%dma_wait3A_661 : memref<56304x128xf32, #tpu.memory_space<hbm>>) dst(%arg8 : memref<128x128xf32, #tpu.memory_space<vmem>>)
    %dma_start3A_662 = arith.constant 152 : i32
    %dma_start3A_663 = arith.constant 0 : i32
    %dma_start3A_664 = tpu.memref_slice %arg4[%dma_start3A_662, %mul3A_2, %dma_start3A_663] : memref<153x4096x128xf32, #tpu.memory_space<hbm>> -> memref<1x128x128xf32, #tpu.memory_space<hbm>>
    %dma_start3A_665 = tpu.memref_squeeze %dma_start3A_664 : memref<1x128x128xf32, #tpu.memory_space<hbm>> -> memref<128x128xf32, #tpu.memory_space<hbm>>
    %dma_start3A_666 = arith.constant 0 : i32
    %dma_start3A_667 = tpu.memref_slice %arg4[%dma_start3A_662, %mul3A_2, %dma_start3A_666] : memref<153x4096x128xf32, #tpu.memory_space<hbm>> -> memref<1x128x128xf32, #tpu.memory_space<hbm>>
    %dma_start3A_668 = tpu.memref_squeeze %dma_start3A_667 : memref<1x128x128xf32, #tpu.memory_space<hbm>> -> memref<128x128xf32, #tpu.memory_space<hbm>>
    tpu.enqueue_dma source(%arg8 : memref<128x128xf32, #tpu.memory_space<vmem>>) target(%dma_start3A_668 : memref<128x128xf32, #tpu.memory_space<hbm>>) target_semaphore(%arg22 : memref<!tpu.dma_semaphore, #tpu.memory_space<semaphore_mem>>)
    %dma_wait3A_669 = arith.constant 149 : i32
    %dma_wait3A_670 = arith.constant 0 : i32
    %dma_wait3A_671 = tpu.memref_slice %arg4[%dma_wait3A_669, %mul3A_2, %dma_wait3A_670] : memref<153x4096x128xf32, #tpu.memory_space<hbm>> -> memref<1x128x128xf32, #tpu.memory_space<hbm>>
    %dma_wait3A_672 = tpu.memref_squeeze %dma_wait3A_671 : memref<1x128x128xf32, #tpu.memory_space<hbm>> -> memref<128x128xf32, #tpu.memory_space<hbm>>
    %dma_wait3A_673 = arith.constant 0 : i32
    %dma_wait3A_674 = tpu.memref_slice %arg4[%dma_wait3A_669, %mul3A_2, %dma_wait3A_673] : memref<153x4096x128xf32, #tpu.memory_space<hbm>> -> memref<1x128x128xf32, #tpu.memory_space<hbm>>
    %dma_wait3A_675 = tpu.memref_squeeze %dma_wait3A_674 : memref<1x128x128xf32, #tpu.memory_space<hbm>> -> memref<128x128xf32, #tpu.memory_space<hbm>>
    tpu.wait_dma2 semaphore(%arg21 : memref<!tpu.dma_semaphore, #tpu.memory_space<semaphore_mem>>) src(%arg7 : memref<128x128xf32, #tpu.memory_space<vmem>>) dst(%dma_wait3A_675 : memref<128x128xf32, #tpu.memory_space<hbm>>)
    %dma_wait3A_676 = arith.constant 152 : i32
    %dma_wait3A_677 = arith.constant 0 : i32
    %dma_wait3A_678 = tpu.memref_slice %arg4[%dma_wait3A_676, %mul3A_2, %dma_wait3A_677] : memref<153x4096x128xf32, #tpu.memory_space<hbm>> -> memref<1x128x128xf32, #tpu.memory_space<hbm>>
    %dma_wait3A_679 = tpu.memref_squeeze %dma_wait3A_678 : memref<1x128x128xf32, #tpu.memory_space<hbm>> -> memref<128x128xf32, #tpu.memory_space<hbm>>
    %dma_wait3A_680 = arith.constant 0 : i32
    %dma_wait3A_681 = tpu.memref_slice %arg4[%dma_wait3A_676, %mul3A_2, %dma_wait3A_680] : memref<153x4096x128xf32, #tpu.memory_space<hbm>> -> memref<1x128x128xf32, #tpu.memory_space<hbm>>
    %dma_wait3A_682 = tpu.memref_squeeze %dma_wait3A_681 : memref<1x128x128xf32, #tpu.memory_space<hbm>> -> memref<128x128xf32, #tpu.memory_space<hbm>>
    tpu.wait_dma2 semaphore(%arg22 : memref<!tpu.dma_semaphore, #tpu.memory_space<semaphore_mem>>) src(%arg8 : memref<128x128xf32, #tpu.memory_space<vmem>>) dst(%dma_wait3A_682 : memref<128x128xf32, #tpu.memory_space<hbm>>)
    %dma_wait3A_683 = arith.constant 134 : i32
    %dma_wait3A_684 = arith.constant 0 : i32
    %dma_wait3A_685 = tpu.memref_slice %arg4[%dma_wait3A_683, %mul3A_2, %dma_wait3A_684] : memref<153x4096x128xf32, #tpu.memory_space<hbm>> -> memref<1x128x128xf32, #tpu.memory_space<hbm>>
    %dma_wait3A_686 = tpu.memref_squeeze %dma_wait3A_685 : memref<1x128x128xf32, #tpu.memory_space<hbm>> -> memref<128x128xf32, #tpu.memory_space<hbm>>
    %dma_wait3A_687 = arith.constant 0 : i32
    %dma_wait3A_688 = tpu.memref_slice %arg4[%dma_wait3A_683, %mul3A_2, %dma_wait3A_687] : memref<153x4096x128xf32, #tpu.memory_space<hbm>> -> memref<1x128x128xf32, #tpu.memory_space<hbm>>
    %dma_wait3A_689 = tpu.memref_squeeze %dma_wait3A_688 : memref<1x128x128xf32, #tpu.memory_space<hbm>> -> memref<128x128xf32, #tpu.memory_space<hbm>>
    tpu.wait_dma2 semaphore(%arg23 : memref<!tpu.dma_semaphore, #tpu.memory_space<semaphore_mem>>) src(%arg9 : memref<128x128xf32, #tpu.memory_space<vmem>>) dst(%dma_wait3A_689 : memref<128x128xf32, #tpu.memory_space<hbm>>)
    %dma_wait3A_690 = arith.constant 137 : i32
    %dma_wait3A_691 = arith.constant 0 : i32
    %dma_wait3A_692 = tpu.memref_slice %arg4[%dma_wait3A_690, %mul3A_2, %dma_wait3A_691] : memref<153x4096x128xf32, #tpu.memory_space<hbm>> -> memref<1x128x128xf32, #tpu.memory_space<hbm>>
    %dma_wait3A_693 = tpu.memref_squeeze %dma_wait3A_692 : memref<1x128x128xf32, #tpu.memory_space<hbm>> -> memref<128x128xf32, #tpu.memory_space<hbm>>
    %dma_wait3A_694 = arith.constant 0 : i32
    %dma_wait3A_695 = tpu.memref_slice %arg4[%dma_wait3A_690, %mul3A_2, %dma_wait3A_694] : memref<153x4096x128xf32, #tpu.memory_space<hbm>> -> memref<1x128x128xf32, #tpu.memory_space<hbm>>
    %dma_wait3A_696 = tpu.memref_squeeze %dma_wait3A_695 : memref<1x128x128xf32, #tpu.memory_space<hbm>> -> memref<128x128xf32, #tpu.memory_space<hbm>>
    tpu.wait_dma2 semaphore(%arg24 : memref<!tpu.dma_semaphore, #tpu.memory_space<semaphore_mem>>) src(%arg10 : memref<128x128xf32, #tpu.memory_space<vmem>>) dst(%dma_wait3A_696 : memref<128x128xf32, #tpu.memory_space<hbm>>)
    %dma_wait3A_697 = arith.constant 140 : i32
    %dma_wait3A_698 = arith.constant 0 : i32
    %dma_wait3A_699 = tpu.memref_slice %arg4[%dma_wait3A_697, %mul3A_2, %dma_wait3A_698] : memref<153x4096x128xf32, #tpu.memory_space<hbm>> -> memref<1x128x128xf32, #tpu.memory_space<hbm>>
    %dma_wait3A_700 = tpu.memref_squeeze %dma_wait3A_699 : memref<1x128x128xf32, #tpu.memory_space<hbm>> -> memref<128x128xf32, #tpu.memory_space<hbm>>
    %dma_wait3A_701 = arith.constant 0 : i32
    %dma_wait3A_702 = tpu.memref_slice %arg4[%dma_wait3A_697, %mul3A_2, %dma_wait3A_701] : memref<153x4096x128xf32, #tpu.memory_space<hbm>> -> memref<1x128x128xf32, #tpu.memory_space<hbm>>
    %dma_wait3A_703 = tpu.memref_squeeze %dma_wait3A_702 : memref<1x128x128xf32, #tpu.memory_space<hbm>> -> memref<128x128xf32, #tpu.memory_space<hbm>>
    tpu.wait_dma2 semaphore(%arg25 : memref<!tpu.dma_semaphore, #tpu.memory_space<semaphore_mem>>) src(%arg11 : memref<128x128xf32, #tpu.memory_space<vmem>>) dst(%dma_wait3A_703 : memref<128x128xf32, #tpu.memory_space<hbm>>)
    %dma_wait3A_704 = arith.constant 143 : i32
    %dma_wait3A_705 = arith.constant 0 : i32
    %dma_wait3A_706 = tpu.memref_slice %arg4[%dma_wait3A_704, %mul3A_2, %dma_wait3A_705] : memref<153x4096x128xf32, #tpu.memory_space<hbm>> -> memref<1x128x128xf32, #tpu.memory_space<hbm>>
    %dma_wait3A_707 = tpu.memref_squeeze %dma_wait3A_706 : memref<1x128x128xf32, #tpu.memory_space<hbm>> -> memref<128x128xf32, #tpu.memory_space<hbm>>
    %dma_wait3A_708 = arith.constant 0 : i32
    %dma_wait3A_709 = tpu.memref_slice %arg4[%dma_wait3A_704, %mul3A_2, %dma_wait3A_708] : memref<153x4096x128xf32, #tpu.memory_space<hbm>> -> memref<1x128x128xf32, #tpu.memory_space<hbm>>
    %dma_wait3A_710 = tpu.memref_squeeze %dma_wait3A_709 : memref<1x128x128xf32, #tpu.memory_space<hbm>> -> memref<128x128xf32, #tpu.memory_space<hbm>>
    tpu.wait_dma2 semaphore(%arg26 : memref<!tpu.dma_semaphore, #tpu.memory_space<semaphore_mem>>) src(%arg12 : memref<128x128xf32, #tpu.memory_space<vmem>>) dst(%dma_wait3A_710 : memref<128x128xf32, #tpu.memory_space<hbm>>)
    %dma_wait3A_711 = arith.constant 146 : i32
    %dma_wait3A_712 = arith.constant 0 : i32
    %dma_wait3A_713 = tpu.memref_slice %arg4[%dma_wait3A_711, %mul3A_2, %dma_wait3A_712] : memref<153x4096x128xf32, #tpu.memory_space<hbm>> -> memref<1x128x128xf32, #tpu.memory_space<hbm>>
    %dma_wait3A_714 = tpu.memref_squeeze %dma_wait3A_713 : memref<1x128x128xf32, #tpu.memory_space<hbm>> -> memref<128x128xf32, #tpu.memory_space<hbm>>
    %dma_wait3A_715 = arith.constant 0 : i32
    %dma_wait3A_716 = tpu.memref_slice %arg4[%dma_wait3A_711, %mul3A_2, %dma_wait3A_715] : memref<153x4096x128xf32, #tpu.memory_space<hbm>> -> memref<1x128x128xf32, #tpu.memory_space<hbm>>
    %dma_wait3A_717 = tpu.memref_squeeze %dma_wait3A_716 : memref<1x128x128xf32, #tpu.memory_space<hbm>> -> memref<128x128xf32, #tpu.memory_space<hbm>>
    tpu.wait_dma2 semaphore(%arg27 : memref<!tpu.dma_semaphore, #tpu.memory_space<semaphore_mem>>) src(%arg13 : memref<128x128xf32, #tpu.memory_space<vmem>>) dst(%dma_wait3A_717 : memref<128x128xf32, #tpu.memory_space<hbm>>)
    return
  }
}

module attributes {stable_mosaic.version = 14 : i64} {
  func.func @_specials_body(%arg0: i32, %arg1: memref<1x8x128xf32, #tpu.memory_space<vmem>>, %arg2: memref<153x4096x128xf32, #tpu.memory_space<any>>, %arg3: memref<1x4096x128xf32, #tpu.memory_space<vmem>>) attributes {dimension_semantics = [#tpu.dimension_semantics<arbitrary>], iteration_bounds = array<i64: 51>, scalar_prefetch = 0 : i64, scratch_operands = 0 : i64, tpu.core_type = #tpu.core_type<tc>, window_params = [{transform_indices = @transform_0, window_bounds = array<i64: 1, 8, 128>}, {}, {transform_indices = @transform_2, window_bounds = array<i64: 1, 4096, 128>}]} {
    %get3A = arith.constant 0 : index
    %get3A_0 = arith.constant 0 : index
    %get3A_1 = arith.constant 0 : index
    %get3A_2 = vector.load %arg1[%get3A, %get3A_0, %get3A_1] : memref<1x8x128xf32, #tpu.memory_space<vmem>>, vector<1x1x128xf32>
    %get3A_3 = vector.shape_cast %get3A_2 : vector<1x1x128xf32> to vector<128xf32>
    %broadcast_in_dim3A = vector.shape_cast %get3A_3 : vector<128xf32> to vector<1x128xf32>
    %broadcast_in_dim3A_4 = vector.broadcast %broadcast_in_dim3A : vector<1x128xf32> to vector<4096x128xf32>
    %swap3A = arith.constant 0 : index
    %swap3A_5 = arith.constant 0 : index
    %swap3A_6 = arith.constant 0 : index
    %swap3A_7 = vector.load %arg3[%swap3A, %swap3A_5, %swap3A_6] : memref<1x4096x128xf32, #tpu.memory_space<vmem>>, vector<1x4096x128xf32>
    %swap3A_8 = vector.shape_cast %swap3A_7 : vector<1x4096x128xf32> to vector<4096x128xf32>
    %swap3A_9 = vector.shape_cast %broadcast_in_dim3A_4 : vector<4096x128xf32> to vector<1x4096x128xf32>
    tpu.vector_store %arg3[%swap3A, %swap3A_5, %swap3A_6], %swap3A_9 {strides = array<i32>} : memref<1x4096x128xf32, #tpu.memory_space<vmem>>, vector<1x4096x128xf32>,
    return
  }
  func.func @transform_0(%arg0: i32) -> (i32, i32, i32) {
    %c0_i32 = arith.constant 0 : i32
    %c0_i32_0 = arith.constant 0 : i32
    %c0_i32_1 = arith.constant 0 : i32
    return %arg0, %c0_i32, %c0_i32_0 : i32, i32, i32
  }
  func.func @transform_2(%arg0: i32) -> (i32, i32, i32) {
    %lt3A = arith.constant 26 : i32
    %lt3A_0 = arith.cmpi slt, %arg0, %lt3A : i32
    %mul3A = arith.constant 6 : i32
    %mul3A_1 = arith.muli %mul3A, %arg0 : i32
    %mul3A_2 = arith.constant 6 : i32
    %mul3A_3 = arith.muli %mul3A_2, %arg0 : i32
    %sub3A = arith.constant 153 : i32
    %sub3A_4 = arith.subi %mul3A_3, %sub3A : i32
    %select_n3A = arith.select %lt3A_0, %mul3A_1, %sub3A_4 : i32
    %c0_i32 = arith.constant 0 : i32
    %c0_i32_5 = arith.constant 0 : i32
    %c0_i32_6 = arith.constant 0 : i32
    return %select_n3A, %c0_i32, %c0_i32_5 : i32, i32, i32
  }
}

module attributes {stable_mosaic.version = 14 : i64} {
  func.func @_build_fused_body(%arg0: i32, %arg1: memref<4005x128xf32, #tpu.memory_space<vmem>>, %arg2: memref<3x128xf32, #tpu.memory_space<vmem>>, %arg3: memref<128xf32, #tpu.memory_space<vmem>>, %arg4: memref<128xf32, #tpu.memory_space<vmem>>, %arg5: memref<1x3x128xf32, #tpu.memory_space<vmem>>, %arg6: memref<1x1104x128xf32, #tpu.memory_space<vmem>>) attributes {dimension_semantics = [#tpu.dimension_semantics<arbitrary>], iteration_bounds = array<i64: 51>, scalar_prefetch = 0 : i64, scratch_operands = 0 : i64, tpu.core_type = #tpu.core_type<tc>, window_params = [{pipeline_mode = #tpu.pipeline_mode<synchronous>, transform_indices = @transform_0, window_bounds = array<i64: 4005, 128>}, {pipeline_mode = #tpu.pipeline_mode<synchronous>, transform_indices = @transform_1, window_bounds = array<i64: 3, 128>}, {pipeline_mode = #tpu.pipeline_mode<synchronous>, transform_indices = @transform_2, window_bounds = array<i64: 128>}, {pipeline_mode = #tpu.pipeline_mode<synchronous>, transform_indices = @transform_3, window_bounds = array<i64: 128>}, {transform_indices = @transform_4, window_bounds = array<i64: 1, 3, 128>}, {transform_indices = @transform_5, window_bounds = array<i64: 1, 1104, 128>}]} {
    %lt3A = arith.constant 26 : i32
    %lt3A_0 = arith.cmpi slt, %arg0, %lt3A : i32
    %get3A = arith.constant 4000 : index
    %get3A_1 = arith.constant 0 : index
    %get3A_2 = vector.load %arg1[%get3A, %get3A_1] : memref<4005x128xf32, #tpu.memory_space<vmem>>, vector<1x128xf32>
    %get3A_3 = vector.shape_cast %get3A_2 : vector<1x128xf32> to vector<128xf32>
    %get3A_4 = arith.constant 4001 : index
    %get3A_5 = arith.constant 0 : index
    %get3A_6 = vector.load %arg1[%get3A_4, %get3A_5] : memref<4005x128xf32, #tpu.memory_space<vmem>>, vector<1x128xf32>
    %get3A_7 = vector.shape_cast %get3A_6 : vector<1x128xf32> to vector<128xf32>
    %select_n3A = arith.select %lt3A_0, %get3A_3, %get3A_7 : vector<128xf32>
    %get3A_8 = arith.constant 1000 : index
    %get3A_9 = arith.constant 0 : index
    %get3A_10 = vector.load %arg1[%get3A_8, %get3A_9] : memref<4005x128xf32, #tpu.memory_space<vmem>>, vector<100x128xf32>
    %get3A_11 = arith.constant 3000 : index
    %get3A_12 = arith.constant 0 : index
    %get3A_13 = vector.load %arg1[%get3A_11, %get3A_12] : memref<4005x128xf32, #tpu.memory_space<vmem>>, vector<100x128xf32>
    %select_n3A_14 = arith.select %lt3A_0, %get3A_10, %get3A_13 : vector<100x128xf32>
    %get3A_15 = arith.constant 0 : index
    %get3A_16 = arith.constant 0 : index
    %get3A_17 = vector.load %arg1[%get3A_15, %get3A_16] : memref<4005x128xf32, #tpu.memory_space<vmem>>, vector<1000x128xf32>
    %get3A_18 = arith.constant 2000 : index
    %get3A_19 = arith.constant 0 : index
    %get3A_20 = vector.load %arg1[%get3A_18, %get3A_19] : memref<4005x128xf32, #tpu.memory_space<vmem>>, vector<1000x128xf32>
    %select_n3A_21 = arith.select %lt3A_0, %get3A_17, %get3A_20 : vector<1000x128xf32>
    %get3A_22 = arith.constant 0 : index
    %get3A_23 = arith.constant 0 : index
    %get3A_24 = vector.load %arg2[%get3A_22, %get3A_23] : memref<3x128xf32, #tpu.memory_space<vmem>>, vector<1x128xf32>
    %get3A_25 = vector.shape_cast %get3A_24 : vector<1x128xf32> to vector<128xf32>
    %get3A_26 = arith.constant 1 : index
    %get3A_27 = arith.constant 0 : index
    %get3A_28 = vector.load %arg2[%get3A_26, %get3A_27] : memref<3x128xf32, #tpu.memory_space<vmem>>, vector<1x128xf32>
    %get3A_29 = vector.shape_cast %get3A_28 : vector<1x128xf32> to vector<128xf32>
    %get3A_30 = arith.constant 2 : index
    %get3A_31 = arith.constant 0 : index
    %get3A_32 = vector.load %arg2[%get3A_30, %get3A_31] : memref<3x128xf32, #tpu.memory_space<vmem>>, vector<1x128xf32>
    %get3A_33 = vector.shape_cast %get3A_32 : vector<1x128xf32> to vector<128xf32>
    %iota3A = tpu.iota {dimensions = array<i32: 0>} : vector<1000x1xi32>
    %eq3A = arith.constant 0 : i32
    %eq3A_34 = vector.broadcast %eq3A : i32 to vector<1000x1xi32>
    %eq3A_35 = arith.cmpi eq, %iota3A, %eq3A_34 : vector<1000x1xi32>
    %and3A = vector.broadcast %lt3A_0 : i1 to vector<1000x1xi1>
    %and3A_36 = arith.andi %and3A, %eq3A_35 : vector<1000x1xi1>
    %broadcast_in_dim3A = vector.shape_cast %and3A_36 : vector<1000x1xi1> to vector<1000x1xi1>
    %broadcast_in_dim3A_37 = vector.broadcast %broadcast_in_dim3A : vector<1000x1xi1> to vector<1000x128xi1>
    %broadcast_in_dim3A_38 = vector.shape_cast %get3A_25 : vector<128xf32> to vector<1x128xf32>
    %broadcast_in_dim3A_39 = vector.broadcast %broadcast_in_dim3A_38 : vector<1x128xf32> to vector<1000x128xf32>
    %broadcast_in_dim3A_40 = vector.shape_cast %get3A_29 : vector<128xf32> to vector<1x128xf32>
    %broadcast_in_dim3A_41 = vector.broadcast %broadcast_in_dim3A_40 : vector<1x128xf32> to vector<1000x128xf32>
    %select_n3A_42 = arith.select %broadcast_in_dim3A_37, %broadcast_in_dim3A_39, %broadcast_in_dim3A_41 : vector<1000x128xi1>, vector<1000x128xf32>
    %get3A_43 = arith.constant 0 : index
    %get3A_44 = arith.constant 0 : index
    %get3A_45 = arith.constant 0 : index
    %get3A_46 = vector.load %arg5[%get3A_43, %get3A_44, %get3A_45] : memref<1x3x128xf32, #tpu.memory_space<vmem>>, vector<1x1x128xf32>
    %get3A_47 = vector.shape_cast %get3A_46 : vector<1x1x128xf32> to vector<128xf32>
    %get3A_48 = arith.constant 0 : index
    %get3A_49 = arith.constant 1 : index
    %get3A_50 = arith.constant 0 : index
    %get3A_51 = vector.load %arg5[%get3A_48, %get3A_49, %get3A_50] : memref<1x3x128xf32, #tpu.memory_space<vmem>>, vector<1x1x128xf32>
    %get3A_52 = vector.shape_cast %get3A_51 : vector<1x1x128xf32> to vector<128xf32>
    %get3A_53 = arith.constant 0 : index
    %get3A_54 = arith.constant 2 : index
    %get3A_55 = arith.constant 0 : index
    %get3A_56 = vector.load %arg5[%get3A_53, %get3A_54, %get3A_55] : memref<1x3x128xf32, #tpu.memory_space<vmem>>, vector<1x1x128xf32>
    %get3A_57 = vector.shape_cast %get3A_56 : vector<1x1x128xf32> to vector<128xf32>
    %add3A = arith.addf %select_n3A, %get3A_47 : vector<128xf32>
    %add3A_58 = arith.addf %add3A, %get3A_33 : vector<128xf32>
    %broadcast_in_dim3A_59 = vector.shape_cast %add3A_58 : vector<128xf32> to vector<1x128xf32>
    %broadcast_in_dim3A_60 = vector.shape_cast %get3A_52 : vector<128xf32> to vector<1x128xf32>
    %add3A_61 = vector.broadcast %broadcast_in_dim3A_60 : vector<1x128xf32> to vector<100x128xf32>
    %add3A_62 = arith.addf %select_n3A_14, %add3A_61 : vector<100x128xf32>
    %broadcast_in_dim3A_63 = vector.shape_cast %get3A_29 : vector<128xf32> to vector<1x128xf32>
    %add3A_64 = vector.broadcast %broadcast_in_dim3A_63 : vector<1x128xf32> to vector<100x128xf32>
    %add3A_65 = arith.addf %add3A_62, %add3A_64 : vector<100x128xf32>
    %broadcast_in_dim3A_66 = vector.shape_cast %get3A_57 : vector<128xf32> to vector<1x128xf32>
    %add3A_67 = vector.broadcast %broadcast_in_dim3A_66 : vector<1x128xf32> to vector<1000x128xf32>
    %add3A_68 = arith.addf %select_n3A_21, %add3A_67 : vector<1000x128xf32>
    %add3A_69 = arith.addf %add3A_68, %select_n3A_42 : vector<1000x128xf32>
    %broadcast_in_dim3A_70 = arith.constant 0.000000e+00 : f32
    %broadcast_in_dim3A_71 = vector.broadcast %broadcast_in_dim3A_70 : f32 to vector<3x128xf32>
    %concatenate3A = tpu.concatenate %broadcast_in_dim3A_59, %add3A_65, %add3A_69, %broadcast_in_dim3A_71 in 0 : vector<1x128xf32>, vector<100x128xf32>, vector<1000x128xf32>, vector<3x128xf32> -> vector<1104x128xf32>
    %reduce_sum3A = arith.constant dense<0.000000e+00> : vector<1104xf32>
    %reduce_sum3A_72 = vector.multi_reduction <add>, %concatenate3A, %reduce_sum3A [1] : vector<1104x128xf32> to vector<1104xf32>
    %broadcast_in_dim3A_73 = vector.shape_cast %reduce_sum3A_72 : vector<1104xf32> to vector<1104x1xf32>
    %div3A = arith.constant 1.280000e+02 : f32
    %div3A_74 = vector.broadcast %div3A : f32 to vector<1104x1xf32>
    %div3A_75 = arith.divf %broadcast_in_dim3A_73, %div3A_74 : vector<1104x1xf32>
    %sub3A = vector.broadcast %div3A_75 : vector<1104x1xf32> to vector<1104x128xf32>
    %sub3A_76 = arith.subf %concatenate3A, %sub3A : vector<1104x128xf32>
    %integer_pow3A = arith.mulf %sub3A_76, %sub3A_76 : vector<1104x128xf32>
    %reduce_sum3A_77 = arith.constant dense<0.000000e+00> : vector<1104xf32>
    %reduce_sum3A_78 = vector.multi_reduction <add>, %integer_pow3A, %reduce_sum3A_77 [1] : vector<1104x128xf32> to vector<1104xf32>
    %broadcast_in_dim3A_79 = vector.shape_cast %reduce_sum3A_78 : vector<1104xf32> to vector<1104x1xf32>
    %div3A_80 = arith.constant 1.280000e+02 : f32
    %div3A_81 = vector.broadcast %div3A_80 : f32 to vector<1104x1xf32>
    %div3A_82 = arith.divf %broadcast_in_dim3A_79, %div3A_81 : vector<1104x1xf32>
    %sub3A_83 = vector.broadcast %div3A_75 : vector<1104x1xf32> to vector<1104x128xf32>
    %sub3A_84 = arith.subf %concatenate3A, %sub3A_83 : vector<1104x128xf32>
    %add3A_85 = arith.constant 9.99999974E-6 : f32
    %add3A_86 = vector.broadcast %add3A_85 : f32 to vector<1104x1xf32>
    %add3A_87 = arith.addf %div3A_82, %add3A_86 : vector<1104x1xf32>
    %rsqrt3A = math.rsqrt %add3A_87 : vector<1104x1xf32>
    %mul3A = vector.broadcast %rsqrt3A : vector<1104x1xf32> to vector<1104x128xf32>
    %mul3A_88 = arith.mulf %sub3A_84, %mul3A : vector<1104x128xf32>
    %get3A_89 = arith.constant 0 : index
    %get3A_90 = vector.load %arg3[%get3A_89] : memref<128xf32, #tpu.memory_space<vmem>>, vector<128xf32>
    %broadcast_in_dim3A_91 = vector.shape_cast %get3A_90 : vector<128xf32> to vector<1x128xf32>
    %mul3A_92 = vector.broadcast %broadcast_in_dim3A_91 : vector<1x128xf32> to vector<1104x128xf32>
    %mul3A_93 = arith.mulf %mul3A_88, %mul3A_92 : vector<1104x128xf32>
    %get3A_94 = arith.constant 0 : index
    %get3A_95 = vector.load %arg4[%get3A_94] : memref<128xf32, #tpu.memory_space<vmem>>, vector<128xf32>
    %broadcast_in_dim3A_96 = vector.shape_cast %get3A_95 : vector<128xf32> to vector<1x128xf32>
    %add3A_97 = vector.broadcast %broadcast_in_dim3A_96 : vector<1x128xf32> to vector<1104x128xf32>
    %add3A_98 = arith.addf %mul3A_93, %add3A_97 : vector<1104x128xf32>
    %swap3A = arith.constant 0 : index
    %swap3A_99 = arith.constant 0 : index
    %swap3A_100 = arith.constant 0 : index
    %swap3A_101 = vector.load %arg6[%swap3A, %swap3A_99, %swap3A_100] : memref<1x1104x128xf32, #tpu.memory_space<vmem>>, vector<1x1104x128xf32>
    %swap3A_102 = vector.shape_cast %swap3A_101 : vector<1x1104x128xf32> to vector<1104x128xf32>
    %swap3A_103 = vector.shape_cast %add3A_98 : vector<1104x128xf32> to vector<1x1104x128xf32>
    tpu.vector_store %arg6[%swap3A, %swap3A_99, %swap3A_100], %swap3A_103 {strides = array<i32>} : memref<1x1104x128xf32, #tpu.memory_space<vmem>>, vector<1x1104x128xf32>,
    return
  }
  func.func @transform_0(%arg0: i32) -> (i32, i32) {
    %c0_i32 = arith.constant 0 : i32
    %c0_i32_0 = arith.constant 0 : i32
    %c0_i32_1 = arith.constant 0 : i32
    return %c0_i32, %c0_i32_0 : i32, i32
  }
  func.func @transform_1(%arg0: i32) -> (i32, i32) {
    %c0_i32 = arith.constant 0 : i32
    %c0_i32_0 = arith.constant 0 : i32
    %c0_i32_1 = arith.constant 0 : i32
    return %c0_i32, %c0_i32_0 : i32, i32
  }
  func.func @transform_2(%arg0: i32) -> i32 {
    %c0_i32 = arith.constant 0 : i32
    %c0_i32_0 = arith.constant 0 : i32
    return %c0_i32 : i32
  }
  func.func @transform_3(%arg0: i32) -> i32 {
    %c0_i32 = arith.constant 0 : i32
    %c0_i32_0 = arith.constant 0 : i32
    return %c0_i32 : i32
  }
  func.func @transform_4(%arg0: i32) -> (i32, i32, i32) {
    %c0_i32 = arith.constant 0 : i32
    %c0_i32_0 = arith.constant 0 : i32
    %c0_i32_1 = arith.constant 0 : i32
    return %arg0, %c0_i32, %c0_i32_0 : i32, i32, i32
  }
  func.func @transform_5(%arg0: i32) -> (i32, i32, i32) {
    %c0_i32 = arith.constant 0 : i32
    %c0_i32_0 = arith.constant 0 : i32
    %c0_i32_1 = arith.constant 0 : i32
    return %arg0, %c0_i32, %c0_i32_0 : i32, i32, i32
  }
}

module attributes {stable_mosaic.version = 14 : i64} {
  func.func @_hi_body(%arg0: i32, %arg1: memref<1x112x128xf32, #tpu.memory_space<vmem>>, %arg2: memref<1x1x4096xi32, #tpu.memory_space<vmem>>, %arg3: memref<153x4096x128xf32, #tpu.memory_space<any>>, %arg4: memref<1x4096x128xf32, #tpu.memory_space<vmem>>) attributes {dimension_semantics = [#tpu.dimension_semantics<arbitrary>], iteration_bounds = array<i64: 51>, scalar_prefetch = 0 : i64, scratch_operands = 0 : i64, tpu.core_type = #tpu.core_type<tc>, window_params = [{transform_indices = @transform_0, window_bounds = array<i64: 1, 112, 128>}, {transform_indices = @transform_1, window_bounds = array<i64: 1, 1, 4096>}, {}, {transform_indices = @transform_3, window_bounds = array<i64: 1, 4096, 128>}]} {
    %get3A = arith.constant 0 : index
    %get3A_0 = arith.constant 0 : index
    %get3A_1 = arith.constant 0 : index
    %get3A_2 = vector.load %arg2[%get3A, %get3A_0, %get3A_1] : memref<1x1x4096xi32, #tpu.memory_space<vmem>>, vector<1x1x4096xi32>
    %get3A_3 = vector.shape_cast %get3A_2 : vector<1x1x4096xi32> to vector<4096xi32>
    %jit3A = arith.constant 1000 : i32
    %div3A = vector.broadcast %jit3A : i32 to vector<4096xi32>
    %div3A_4 = arith.divsi %get3A_3, %div3A : vector<4096xi32>
    %sign3A = arith.constant 0 : i32
    %sign3A_5 = vector.broadcast %sign3A : i32 to vector<4096xi32>
    %sign3A_6 = arith.cmpi sgt, %get3A_3, %sign3A_5 : vector<4096xi32>
    %sign3A_7 = arith.extui %sign3A_6 : vector<4096xi1> to vector<4096xi32>
    %sign3A_8 = arith.constant 0 : i32
    %sign3A_9 = vector.broadcast %sign3A_8 : i32 to vector<4096xi32>
    %sign3A_10 = arith.cmpi slt, %get3A_3, %sign3A_9 : vector<4096xi32>
    %sign3A_11 = arith.extui %sign3A_10 : vector<4096xi1> to vector<4096xi32>
    %sign3A_12 = arith.subi %sign3A_7, %sign3A_11 : vector<4096xi32>
    %sign3A_13 = arith.constant 0 : i32
    %sign3A_14 = arith.cmpi sgt, %jit3A, %sign3A_13 : i32
    %sign3A_15 = arith.extui %sign3A_14 : i1 to i32
    %sign3A_16 = arith.constant 0 : i32
    %sign3A_17 = arith.cmpi slt, %jit3A, %sign3A_16 : i32
    %sign3A_18 = arith.extui %sign3A_17 : i1 to i32
    %sign3A_19 = arith.subi %sign3A_15, %sign3A_18 : i32
    %ne3A = vector.broadcast %sign3A_19 : i32 to vector<4096xi32>
    %ne3A_20 = arith.cmpi ne, %sign3A_12, %ne3A : vector<4096xi32>
    %rem3A = vector.broadcast %jit3A : i32 to vector<4096xi32>
    %rem3A_21 = arith.remsi %get3A_3, %rem3A : vector<4096xi32>
    %ne3A_22 = arith.constant 0 : i32
    %ne3A_23 = vector.broadcast %ne3A_22 : i32 to vector<4096xi32>
    %ne3A_24 = arith.cmpi ne, %rem3A_21, %ne3A_23 : vector<4096xi32>
    %and3A = arith.andi %ne3A_20, %ne3A_24 : vector<4096xi1>
    %sub3A = arith.constant 1 : i32
    %sub3A_25 = vector.broadcast %sub3A : i32 to vector<4096xi32>
    %sub3A_26 = arith.subi %div3A_4, %sub3A_25 : vector<4096xi32>
    %select_n3A = arith.select %and3A, %sub3A_26, %div3A_4 : vector<4096xi1>, vector<4096xi32>
    %get3A_27 = arith.constant 0 : index
    %get3A_28 = arith.constant 1 : index
    %get3A_29 = arith.constant 0 : index
    %get3A_30 = vector.load %arg1[%get3A_27, %get3A_28, %get3A_29] : memref<1x112x128xf32, #tpu.memory_space<vmem>>, vector<1x100x128xf32>
    %get3A_31 = vector.shape_cast %get3A_30 : vector<1x100x128xf32> to vector<100x128xf32>
    %iota3A = tpu.iota {dimensions = array<i32: 1>} : vector<4096x100xi32>
    %broadcast_in_dim3A = vector.shape_cast %select_n3A : vector<4096xi32> to vector<4096x1xi32>
    %eq3A = vector.broadcast %broadcast_in_dim3A : vector<4096x1xi32> to vector<4096x100xi32>
    %eq3A_32 = arith.cmpi eq, %iota3A, %eq3A : vector<4096x100xi32>
    %convert_element_type3A = arith.extui %eq3A_32 : vector<4096x100xi1> to vector<4096x100xi32>
    %convert_element_type3A_33 = arith.sitofp %convert_element_type3A : vector<4096x100xi32> to vector<4096x100xf32>
    %convert_element_type3A_34 = arith.truncf %convert_element_type3A_33 : vector<4096x100xf32> to vector<4096x100xbf16>
    %convert_element_type3A_35 = arith.truncf %get3A_31 : vector<100x128xf32> to vector<100x128xbf16>
    %convert_element_type3A_36 = arith.extf %convert_element_type3A_35 : vector<100x128xbf16> to vector<100x128xf32>
    %sub3A_37 = arith.subf %get3A_31, %convert_element_type3A_36 : vector<100x128xf32>
    %convert_element_type3A_38 = arith.truncf %sub3A_37 : vector<100x128xf32> to vector<100x128xbf16>
    %dot_general3A = arith.constant dense<0.000000e+00> : vector<4096x128xf32>
    %dot_general3A_39 = tpu.matmul %convert_element_type3A_34, %convert_element_type3A_35, %dot_general3A {dimension_numbers = #tpu.dot_dimension_numbers<[1], [0], [0], [1], [0, 0, 1, 1], [], []>, transpose_lhs_hint = false} : vector<4096x100xbf16>, vector<100x128xbf16>, vector<4096x128xf32> -> vector<4096x128xf32>
    %dot_general3A_40 = arith.constant dense<0.000000e+00> : vector<4096x128xf32>
    %dot_general3A_41 = tpu.matmul %convert_element_type3A_34, %convert_element_type3A_38, %dot_general3A_40 {dimension_numbers = #tpu.dot_dimension_numbers<[1], [0], [0], [1], [0, 0, 1, 1], [], []>, transpose_lhs_hint = false} : vector<4096x100xbf16>, vector<100x128xbf16>, vector<4096x128xf32> -> vector<4096x128xf32>
    %add3A = arith.addf %dot_general3A_39, %dot_general3A_41 : vector<4096x128xf32>
    %swap3A = arith.constant 0 : index
    %swap3A_42 = arith.constant 0 : index
    %swap3A_43 = arith.constant 0 : index
    %swap3A_44 = vector.load %arg4[%swap3A, %swap3A_42, %swap3A_43] : memref<1x4096x128xf32, #tpu.memory_space<vmem>>, vector<1x4096x128xf32>
    %swap3A_45 = vector.shape_cast %swap3A_44 : vector<1x4096x128xf32> to vector<4096x128xf32>
    %swap3A_46 = vector.shape_cast %add3A : vector<4096x128xf32> to vector<1x4096x128xf32>
    tpu.vector_store %arg4[%swap3A, %swap3A_42, %swap3A_43], %swap3A_46 {strides = array<i32>} : memref<1x4096x128xf32, #tpu.memory_space<vmem>>, vector<1x4096x128xf32>,
    return
  }
  func.func @transform_0(%arg0: i32) -> (i32, i32, i32) {
    %c0_i32 = arith.constant 0 : i32
    %c0_i32_0 = arith.constant 0 : i32
    %c0_i32_1 = arith.constant 0 : i32
    return %arg0, %c0_i32, %c0_i32_0 : i32, i32, i32
  }
  func.func @transform_1(%arg0: i32) -> (i32, i32, i32) {
    %lt3A = arith.constant 26 : i32
    %lt3A_0 = arith.cmpi slt, %arg0, %lt3A : i32
    %mul3A = arith.constant 2 : i32
    %mul3A_1 = arith.muli %mul3A, %arg0 : i32
    %mul3A_2 = arith.constant 2 : i32
    %mul3A_3 = arith.muli %mul3A_2, %arg0 : i32
    %sub3A = arith.constant 51 : i32
    %sub3A_4 = arith.subi %mul3A_3, %sub3A : i32
    %select_n3A = arith.select %lt3A_0, %mul3A_1, %sub3A_4 : i32
    %c0_i32 = arith.constant 0 : i32
    %c0_i32_5 = arith.constant 0 : i32
    %c0_i32_6 = arith.constant 0 : i32
    return %select_n3A, %c0_i32, %c0_i32_5 : i32, i32, i32
  }
  func.func @transform_3(%arg0: i32) -> (i32, i32, i32) {
    %lt3A = arith.constant 26 : i32
    %lt3A_0 = arith.cmpi slt, %arg0, %lt3A : i32
    %mul3A = arith.constant 6 : i32
    %mul3A_1 = arith.muli %mul3A, %arg0 : i32
    %add3A = arith.constant 1 : i32
    %add3A_2 = arith.addi %mul3A_1, %add3A : i32
    %mul3A_3 = arith.constant 6 : i32
    %mul3A_4 = arith.muli %mul3A_3, %arg0 : i32
    %sub3A = arith.constant 152 : i32
    %sub3A_5 = arith.subi %mul3A_4, %sub3A : i32
    %select_n3A = arith.select %lt3A_0, %add3A_2, %sub3A_5 : i32
    %c0_i32 = arith.constant 0 : i32
    %c0_i32_6 = arith.constant 0 : i32
    %c0_i32_7 = arith.constant 0 : i32
    return %select_n3A, %c0_i32, %c0_i32_6 : i32, i32, i32
  }
}

</mosaic_0001>

<sc_bundles>
// kernel: kernel.6.cloned.1.call-start
scs
__scs_entry_jumppad:
0x0: {  	(pc) =	sbr.rel $0x88, $3  }
0x1: {  	(tag) =	ssettag $0x0;
	lr =	simm.s32 $0x1  }
0x2: {  	[smem:$0x3F9C] =	sst lr;
	_ =	strace $0xD0000000  }
0x3: {  	_ = 	snop  }
0x4: {  	_ = 	snop  }
0x5: {  	_ = 	snop  }
0x6: {  	_ = 	snop  }
0x7: {  	_ = 	snop  }
__scs_overlays_trampoline_lowered:
0x8: {  	[smem:$0x3FAB] =	sst s0  }
0x9: {  	[smem:$0x3FAC] =	sst s1  }
0xa: {  	[smem:$0x3FAD] =	sst s2  }
0xb: {  	[smem:$0x3FAE] =	sst s3  }
0xc: {  	[smem:$0x3FAF] =	sst s4  }
0xd: {  	[smem:$0x3FB0] =	sst s5  }
0xe: {  	[smem:$0x3FB1] =	sst s6  }
0xf: {  	[smem:$0x3FB2] =	sst s7  }
0x10: {  	[smem:$0x3FB3] =	sst s8  }
0x11: {  	[smem:$0x3FB4] =	sst s9;
	s0 =	simm.s32 @!p0 $0x0  }
0x12: {  	s1 =	sld [smem:$0x3F9A];
	s0 =	simm.s32 @p0 $0x1  }
0x13: {  	[smem:$0x3FB5] =	sst s0;
	s0 =	simm.s32 @!p1 $0x0  }
0x14: {  	s2 =	sld [smem:$0x3F99];
	s0 =	simm.s32 @p1 $0x1  }
0x15: {  	[smem:$0x3FB6] =	sst s0;
	s0 =	simm.s32 @!p2 $0x0  }
0x16: {  	s3 =	sld [smem:$0x3FDB];
	s0 =	simm.s32 @p2 $0x1  }
0x17: {  	s4 =	simm.s32 $0x1BF5;
	[smem:$0x3FB8] =	sst s0  }
0x18: {  	s0 =	sld [smem:$0x3F9B];
	_ =	swait.ge [sflag:s4], $0x0  }
0x19: {  	s7 =	sld [smem:$0x3F9C]  }
0x1a: {  	s8 =	sadd.s32 $0xFFFFE003, lr  }
0x1b: {  	s9 =	sadd.s32 $0xFFFFFEF7, lr;
	s5 =	simm.s32 $0xFFFFFFFF;
	p2 =	slt.u32 s8, $0xFFFFF086  }
0x1c: {  	p1 =	slt.u32 s9, $0xF7A;
	s5 =	simm.s32 @!p2 $0x0  }
0x1d: {  	s5 =	simm.s32 @p1 $0x1;
	p0 =	seq.s32 s7, s2  }
0x1e: {  	s7 =	smul.u32 @!p0 $0xF7A, s2;
	p2 =	seq.s32 @!p0 s5, $0x0  }
0x1f: {  	s9 =	smul.u32 $0xF7A, s1;
	s8 =	simm.s32 @!p0 $0x1BF5;
	p2 =	por !p2, p0  }
0x20: {  	[sflag:s8] =	ssyncset.s32 @!p0 $0xFFFFF086;
	s6 =	sadd.s32 @!p0 s3, s7;
	s7 =	simm.s32 @!p0 $0x108  }
0x21: {  	s3 =	sadd.s32 s3, s9;
	s6 =	sadd.s32 @!p0 $0x88, s6;
	s7 =	simm.s32 @p2 $0x1082  }
0x22: {  	[simem:s7], [sflag:s8] =	dma.local @!p0 [hbm:s6], $0xF7A  }
0x23: {  	s9 =	sor.u32 $0xD0000000, s2;
	s6 =	simm.s32 $0x108;
	_ =	swait.ge @!p0 [sflag:s8], $0x0  }
0x24: {  	s3 =	sadd.s32 $0x88, s3;
	s6 =	simm.s32 @!p1 $0x1082;
	[sflag:s4] =	ssyncset.s32 $0xFFFFF086  }
0x25: {  	[simem:s6], [sflag:s4] =	dma.local [hbm:s3], $0xF7A  }
0x26: {  	[smem:$0x3F9C] =	sst s1;
	(tag) =	ssettag s2;
	_ =	strace s9  }
0x27: {  	s1 =	sld [smem:$0x3FAC]  }
0x28: {  	s2 =	sld [smem:$0x3FAD]  }
0x29: {  	s4 =	sld [smem:$0x3FAF]  }
0x2a: {  	p0 =	seq.s32 s5, $0x0;
	s5 =	sld [smem:$0x3FB0]  }
0x2b: {  	s6 =	sld [smem:$0x3FB1]  }
0x2c: {  	s7 =	sld [smem:$0x3FB2]  }
0x2d: {  	s3 =	simm.s32 $0x108;
	s8 =	sld [smem:$0x3FB3]  }
0x2e: {  	s3 =	simm.s32 @!p0 $0x1082;
	s9 =	sld [smem:$0x3FB4]  }
0x2f: {  	lr =	sadd.s32 s0, s3;
	s0 =	sld [smem:$0x3FAB]  }
0x30: {  	s3 =	sld [smem:$0x3FAE]  }
0x31: {  	[smem:$0x3FB7] =	sst s10  }
0x32: {  	s10 =	sld [smem:$0x3FB5];
	_ =	sdelay $0x3  }
0x33: {  	p0 =	seq.s32 s10, $0x1;
	s10 =	sld [smem:$0x3FB7];
	_ =	sdelay $0x3  }
0x34: {  	[smem:$0x3FB7] =	sst s10  }
0x35: {  	s10 =	sld [smem:$0x3FB6];
	_ =	sdelay $0x3  }
0x36: {  	p1 =	seq.s32 s10, $0x1;
	s10 =	sld [smem:$0x3FB7];
	_ =	sdelay $0x3  }
0x37: {  	[smem:$0x3FB7] =	sst s10  }
0x38: {  	s10 =	sld [smem:$0x3FB8]  }
0x39: {  	_ = 	snop;
	(pc) =	sbr.ind lr, $3  }
0x3a: {  	_ = 	snop  }
0x3b: {  	_ = 	snop  }
0x3c: {  	p2 =	seq.s32 s10, $0x1;
	s10 =	sld [smem:$0x3FB7]  }
0x3d: {  	_ =	shalt  }
0x3e: {  	_ =	shalt  }
0x3f: {  	_ =	shalt  }
0x40: {  	_ =	shalt  }
0x41: {  	_ =	shalt  }
0x42: {  	_ =	shalt  }
0x43: {  	_ =	shalt  }
0x44: {  	_ =	shalt  }
0x45: {  	_ =	shalt  }
0x46: {  	_ =	shalt  }
0x47: {  	_ =	shalt  }
0x48: {  	_ =	shalt  }
0x49: {  	_ =	shalt  }
0x4a: {  	_ =	shalt  }
0x4b: {  	_ =	shalt  }
0x4c: {  	_ =	shalt  }
0x4d: {  	_ =	shalt  }
0x4e: {  	_ =	shalt  }
0x4f: {  	_ =	shalt  }
0x50: {  	_ =	shalt  }
0x51: {  	_ =	shalt  }
0x52: {  	_ =	shalt  }
0x53: {  	_ =	shalt  }
0x54: {  	_ =	shalt  }
0x55: {  	_ =	shalt  }
0x56: {  	_ =	shalt  }
0x57: {  	_ =	shalt  }
0x58: {  	_ =	shalt  }
0x59: {  	_ =	shalt  }
0x5a: {  	_ =	shalt  }
0x5b: {  	_ =	shalt  }
0x5c: {  	_ =	shalt  }
0x5d: {  	_ =	shalt  }
0x5e: {  	_ =	shalt  }
0x5f: {  	_ =	shalt  }
0x60: {  	_ =	shalt  }
0x61: {  	_ =	shalt  }
0x62: {  	_ =	shalt  }
0x63: {  	_ =	shalt  }
0x64: {  	_ =	shalt  }
0x65: {  	_ =	shalt  }
0x66: {  	_ =	shalt  }
0x67: {  	_ =	shalt  }
0x68: {  	_ =	shalt  }
0x69: {  	_ =	shalt  }
0x6a: {  	_ =	shalt  }
0x6b: {  	_ =	shalt  }
0x6c: {  	_ =	shalt  }
0x6d: {  	_ =	shalt  }
0x6e: {  	_ =	shalt  }
0x6f: {  	_ =	shalt  }
0x70: {  	_ =	shalt  }
0x71: {  	_ =	shalt  }
0x72: {  	_ =	shalt  }
0x73: {  	_ =	shalt  }
0x74: {  	_ =	shalt  }
0x75: {  	_ =	shalt  }
0x76: {  	_ =	shalt  }
0x77: {  	_ =	shalt  }
0x78: {  	_ =	shalt  }
0x79: {  	_ =	shalt  }
0x7a: {  	_ =	shalt  }
0x7b: {  	_ =	shalt  }
0x7c: {  	_ =	shalt  }
0x7d: {  	_ =	shalt  }
0x7e: {  	_ =	shalt  }
0x7f: {  	_ =	shalt  }
0x80: {  	_ =	shalt  }
0x81: {  	_ =	shalt  }
0x82: {  	_ =	shalt  }
0x83: {  	_ =	shalt  }
0x84: {  	_ =	shalt  }
0x85: {  	_ =	shalt  }
0x86: {  	_ =	shalt  }
0x87: {  	_ =	shalt  }
.Lfunc_end0:
.L_simem_size_0:
called_computation_lowered:
.L_overlay_start_0:
0x88: {  	s2 =	sld [smem:$0x3FD9]  }
0x89: {  	s3 =	sld [smem:$0x3FFE];
	_ =	sdelay $0x1  }
0x8a: {  	s1 =	srdreg.scid  }
0x8b: {  	s0 =	sand.u32 $0x1, s1  }
0x8c: {  	s17 =	sshll.u32 s0, $0xA;
	s2 =	sadd.s32 s3, s2  }
0x8d: {  	s2 =	sadd.s32 s2, s17  }
0x8e: {  	[smem:$0x3FC3] =	sst s2  }
0x8f: {  	_ = 	snop  }
0x90: {  	s2 =	sld [smem:$0x3FC9]  }
0x91: {  	s18 =	sld [smem:$0x3FD0];
	(tm) =	ssettm $0x1  }
0x92: {  	s4 =	sld [smem:$0x3FFB];
	_ =	sdelay $0x3  }
0x93: {  	_ =	strace s4  }
0x94: {  	s4 =	sld [smem:$0x3FFC];
	_ =	sdelay $0x3  }
0x95: {  	_ =	strace s4  }
0x96: {  	s4 =	sld [smem:$0x3FFD];
	_ =	sdelay $0x3  }
0x97: {  	_ =	strace s4  }
0x98: {  	_ =	strace $0x8FFFFFFF  }
0x99: {  	s19 =	sld [smem:$0x3FDB];
	_ =	sdelay $0x1  }
0x9a: {  	s5 =	simm.s32 $_scs_section_size  }
0x9b: {  	s6 =	simm.s32 $_size__tile_overlayer_lowered;
	s7 =	simm.s32 $_tile_overlayer_lowered  }
0x9c: {  	s22 =	simm.s32 $0x1BFF;
	s21 =	sshll.u32 s7, $0x1;
	s4 =	sadd.s32 s5, s19  }
0x9d: {  	s8 =	simm.s32 $0x0;
	s20 =	sshll.u32 s6, $0x1;
	s6 =	sadd.s32 s21, s4  }
0x9e: {  	[timem:s8], [sflag:s22] =	dma.local [hbm:s6], s20  }
0x9f: {  	_ =	swait.ge [sflag:s22], s20  }
0xa0: {  	s5 =	ssub.s32 $0x0, s20;
	[sflag:s22] =	ssyncset.done $0x0  }
0xa1: {  	[sflag:s22] =	ssyncadd.s32 s5;
	_ =	sdelay $0x1  }
0xa2: {  	s23 =	simm.s32 $0x1B8B  }
0xa3: {  	_ =	swait.ge [sflag:s23], $0x1  }
0xa4: {  	[sflag:s23] =	ssyncset.done $0x0  }
0xa5: {  	s25 =	simm.s32 $0x1B8E;
	s24 =	sld [smem:$0x3FFE];
	[sflag:s23] =	ssyncadd.s32 $0xFFFFFFFF  }
0xa6: {  	s26 =	simm.s32 $execute0_lowered;
	[smem:$0x3FD2] =	sst s25  }
0xa7: {  	s6 =	sshll.u32 s26, $0x1;
	_ =	strace $0x80000046;
	[dreg:$0x1] =	wrdreg $0xFFFFFFFF  }
0xa8: {  	s28 =	simm.s32 $_size_execute0_lowered;
	s4 =	sadd.s32 s4, s6;
	[dreg:$0x0] =	wrdreg $0x0  }
0xa9: {  	s6 =	sshll.u32 s28, $0x1;
	[dreg:$0x2] =	wrdreg s4  }
0xaa: {  	[dreg:$0x3] =	wrdreg s6  }
0xab: {  	[dreg:$0x4] =	wrdreg $0xC0  }
0xac: {  	_ =	task [dreg:s8], $0x5FFFF  }
0xad: {  	[dreg:$0x1] =	wrdreg $0xFFFFFFFF  }
0xae: {  	[dreg:$0x0] =	wrdreg $0x60  }
0xaf: {  	[dreg:$0x2] =	wrdreg s2  }
0xb0: {  	[dreg:$0x3] =	wrdreg s24  }
0xb1: {  	[dreg:$0x4] =	wrdreg s18  }
0xb2: {  	[dreg:$0x5] =	wrdreg $0x9  }
0xb3: {  	_ =	task.clear_ibuf [dreg:s8], $0x6FFFF;
	_ =	strace $0x90000046  }
0xb4: {  	s29 =	simm.s32 $0x9;
	_ =	strace $0x80000048  }
0xb5: {  	_ =	swait.ge [sflag:s29], $0x1  }
0xb6: {  	[sflag:s29] =	ssyncadd.s32 $0xFFFFFFFF  }
0xb7: {  	_ =	strace $0x90000048  }
0xb8: {  	_ =	sfence  }
0xb9: {  	s30 =	sld [smem:$0x0];
	_ =	sdelay $0x2  }
0xba: {  	s31 =	sshll.u32 s1, $0xD;
	s1 =	sshrl.u32 s1, $0x2  }
0xbb: {  	s3 =	sand.u32 $0x4000, s31;
	s1 =	sadd.s32 s1, s30  }
0xbc: {  	s0 =	sor.u32 s3, s0;
	s1 =	sshll.u32 s1, $0x11  }
0xbd: {  	s0 =	sor.u32 s1, s0  }
0xbe: {  	s0 =	sadd.s32 $0x8F2B, s0  }
0xbf: {  	[sflag:s0] =	ssyncadd.remote.s32 $0x1  }
0xc0: {  	_ =	sfence.sel $0xFFFF  }
0xc1: {  	[dreg:$0x0] =	wrdreg $0xFFFFFFFF;
	(pc) =	sbr.abs _section_cstart, $3  }
0xc2: {  	[dreg:$0x1] =	wrdreg $0xFFFFFFFF  }
0xc3: {  	_ =	task.clear_ibuf [dreg:s8], $0x2FFFF;
	_ =	strace $0x9FFFFFFF  }
0xc4: {  	(tm) =	ssettm $0x7FFFFFFF  }
0xc5: {  	_ =	shalt  }
tec
execute0_lowered:
.L_overlay_start_1:
0x0: {  	(tag) =	ssettag $0x1  }
0x1: {  	s0 =	rddreg [dreg:$0x0]  }
0x2: {  	s1 =	rddreg [dreg:$0x1]  }
0x3: {  	s7 =	rddreg [dreg:$0x2];
	s3 =	simm.s32 $0x0;
	s2 =	srdreg.scid  }
0x4: {  	s8 =	stileid.u32;
	[smem:$0x7FF] =	sst s3;
	s2 =	sand.u32 $0x1, s2  }
0x5: {  	s5 =	sshll.u32 s8, $0x8;
	s4 =	sadd.s32 $0x1200, s1;
	s6 =	sshll.u32 s2, $0x7  }
0x6: {  	_ =	strace $0x80000047;
	s19 =	ssub.s32 $0x2, s2;
	s5 =	sor.u32 s6, s5  }
0x7: {  	s20 =	sshrl.u32 s19, $0x1;
	s9 =	sadd.s32 s0, s5;
	s21 =	sshll.u32 s5, $0x4  }
0x8: {  	s1 =	ssub.s32 s19, s20;
	[dreg:$0xb] =	wrdreg s9;
	s22 =	sadd.s32 $0x6000, s9  }
0x9: {  	s0 =	sadd.s32 s21, s7;
	s1 =	smax.u32 s1, $0x1;
	[dreg:$0xc] =	wrdreg s22  }
0xa: {  	s23 =	sadd.s32 $0x20000, s0;
	[dreg:$0x1d] =	wrdreg s1  }
0xb: {  	s24 =	sadd.s32 $0x50000, s0;
	[dreg:$0xd] =	wrdreg s23  }
0xc: {  	s25 =	sadd.s32 $0x80000, s0;
	[dreg:$0xe] =	wrdreg s24  }
0xd: {  	s29 =	simm.s32 $0x80;
	s26 =	sadd.s32 $0xB0000, s0;
	[dreg:$0xf] =	wrdreg s25  }
0xe: {  	s31 =	simm.s32 $0x3800;
	s28 =	sadd.s32 $0xE0000, s0;
	[dreg:$0x10] =	wrdreg s26  }
0xf: {  	s30 =	simm.s32 $0xF800;
	s6 =	sadd.s32 $0x110000, s0;
	[dreg:$0x11] =	wrdreg s28  }
0x10: {  	s2 =	sshll.u32 s2, $0xE;
	s7 =	sadd.s32 $0x140000, s0;
	[dreg:$0x12] =	wrdreg s6  }
0x11: {  	s9 =	sshll.u32 s8, $0xF;
	s10 =	sadd.s32 $0x800000, s0;
	[dreg:$0x13] =	wrdreg s7  }
0x12: {  	s8 =	simm.s32 $0x2;
	s11 =	sadd.s32 $0x830000, s0;
	[dreg:$0x14] =	wrdreg s10  }
0x13: {  	s2 =	sor.u32 s2, s9;
	s12 =	sadd.s32 $0x860000, s0;
	[dreg:$0x15] =	wrdreg s11  }
0x14: {  	s13 =	sadd.s32 $0x890000, s0;
	s15 =	sadd.s32 $0x8C0000, s0;
	[dreg:$0x16] =	wrdreg s12  }
0x15: {  	s9 =	simm.s32 $0x8;
	[dreg:$0x17] =	wrdreg s13;
	s14 =	sor.u32 $0x1300000, s2  }
0x16: {  	[dreg:$0x18] =	wrdreg s15;
	s16 =	sor.u32 $0x1180000, s2;
	s18 =	sor.u32 $0x1000000, s2  }
0x17: {  	s20 =	sor.u32 $0xE80000, s2;
	s22 =	sor.u32 $0xD00000, s2;
	s7 =	sadd.s32 $0x8F0000, s0  }
0x18: {  	s24 =	sadd.s32 $0x920000, s0;
	s25 =	sor.u32 $0xB80000, s2;
	s26 =	sadd.s32 $0x950000, s0  }
0x19: {  	s2 =	sor.u32 $0x1480000, s2;
	s0 =	sadd.s32 $0x980000, s0;
	s6 =	simm.s32 $0x1  }
0x1a: {  	s10 =	simm.s32 $0x3;
	s11 =	simm.s32 $0x9;
	s12 =	simm.s32 $0x4  }
0x1b: {  	s13 =	simm.s32 $0xA;
	s15 =	simm.s32 $0xB;
	[dreg:$0x19] =	wrdreg s7  }
0x1c: {  	s5 =	sshrl.u32 s14, $0x3;
	s17 =	sshrl.u32 s16, $0x3;
	[dreg:$0x1a] =	wrdreg s24  }
0x1d: {  	s19 =	sshrl.u32 s18, $0x3;
	s21 =	sshrl.u32 s20, $0x3;
	[dreg:$0x1b] =	wrdreg s26  }
0x1e: {  	s23 =	sshrl.u32 s22, $0x3;
	[dreg:$0x1c] =	wrdreg s0;
	s28 =	sshrl.u32 s2, $0x3  }
0x1f: {  	s0 =	simm.s32 $0x1C80;
	s2 =	simm.s32 $0x7800;
	[dreg:$0x4] =	wrdreg s5  }
0x20: {  	s26 =	simm.s32 $0x13800;
	s24 =	simm.s32 $0x17800;
	[dreg:$0x5] =	wrdreg s17  }
0x21: {  	s7 =	simm.s32 $0x1B800;
	s14 =	simm.s32 $0x5;
	[dreg:$0x6] =	wrdreg s19  }
0x22: {  	s16 =	simm.s32 $0x6;
	s18 =	simm.s32 $0x7;
	[dreg:$0x7] =	wrdreg s21  }
0x23: {  	s20 =	simm.s32 $0xE;
	[dreg:$0x8] =	wrdreg s23;
	s5 =	sshrl.u32 s25, $0x3  }
0x24: {  	[dreg:$0xa] =	wrdreg s28;
	s25 =	simm.s32 $0xB800;
	s17 =	simm.s32 $0xC  }
0x25: {  	v0 =	vimm.s32 $0x6C35;
	s19 =	simm.s32 $0xD;
	s21 =	simm.s32 $0x0;
	[dreg:$0x9] =	wrdreg s5  }
.LBB2_1:
0x26: {  	s1 =	rddreg [dreg:$0xb];
	s5 =	simm.s32 $0x400;
	s22 =	simm.s32 $0x8000  }
0x27: {  	[tilespmem:s3], [sflag:$0xF] =	stream.strided.gather [hbm4b:s1+s5], $0x1800, s22, s5, $0x38;
	[tilespmem:$0x1F800] =	vst v63  }
0x28: {  	s23 =	simm.s32 $0x1800;
	s22 =	rddreg [dreg:$0xc];
	s5 =	simm.s32 $0xF  }
0x29: {  	[tilespmem:s23], [sflag:$0xF] =	stream.linear.gather [hbm4b:s22+s3], $0x180, $0x38;
	[tilespmem:$0x1F800] =	vst v63  }
0x2a: {  	_ =	swait.ge [sflag:s5], $0x1980  }
0x2b: {  	[sflag:s5] =	ssyncset.done $0x0  }
0x2c: {  	[sflag:s5] =	ssyncadd.s32 $0xFFFFE680  }
0x2d: {  	v1 =	vld [tilespmem:s29+$0xFFFFFF80];
	_ =	sdelay $0x4  }
0x2e: {  	v2 =	vcvt.s32.f32 v1;
	_ =	sdelay $0x1  }
0x2f: {  	v2 =	vmul.f32 $1.000000050e-03, v2;
	_ =	sdelay $0x1  }
0x30: {  	v2 =	vadd.f32 $5.000000000e-01, v2;
	_ =	sdelay $0x1  }
0x31: {  	v2 =	vtrunc.f32 v2  }
0x32: {  	v2 =	vcvt.f32.s32 v2;
	_ =	sdelay $0x1  }
0x33: {  	v2 =	vmul.u32 $0xFFFFFC18, v2;
	_ =	sdelay $0x1  }
0x34: {  	v1 =	vadd.s32 v1, v2  }
0x35: {  	vm0 =	vlt.s32 v1, $0x0;
	v2 =	vadd.s32 $0x3E8, v1  }
0x36: {  	s22 =	simm.s32 $0x65;
	v1 =	vsel vm0, v2, v1  }
0x37: {  	v1 =	vadd.s32 s22, v1  }
0x38: {  	[tilespmem:s0+$0xFFFFFF80] =	vst v1  }
0x39: {  	v1 =	vld [tilespmem:s29+$0xFFFFFF90];
	_ =	sdelay $0x4  }
0x3a: {  	v2 =	vcvt.s32.f32 v1;
	_ =	sdelay $0x1  }
0x3b: {  	v2 =	vmul.f32 $1.000000050e-03, v2;
	_ =	sdelay $0x1  }
0x3c: {  	v2 =	vadd.f32 $5.000000000e-01, v2;
	_ =	sdelay $0x1  }
0x3d: {  	v2 =	vtrunc.f32 v2  }
0x3e: {  	v2 =	vcvt.f32.s32 v2;
	_ =	sdelay $0x1  }
0x3f: {  	v2 =	vmul.u32 $0xFFFFFC18, v2;
	_ =	sdelay $0x1  }
0x40: {  	v1 =	vadd.s32 v1, v2  }
0x41: {  	vm13 =	vlt.s32 v1, $0x0;
	v2 =	vadd.s32 $0x3E8, v1  }
0x42: {  	v1 =	vsel vm13, v2, v1  }
0x43: {  	v1 =	vadd.s32 s22, v1  }
0x44: {  	[tilespmem:s0+$0xFFFFFF90] =	vst v1  }
0x45: {  	v1 =	vld [tilespmem:s29+$0xFFFFFFA0];
	_ =	sdelay $0x4  }
0x46: {  	v2 =	vcvt.s32.f32 v1;
	_ =	sdelay $0x1  }
0x47: {  	v2 =	vmul.f32 $1.000000050e-03, v2;
	_ =	sdelay $0x1  }
0x48: {  	v2 =	vadd.f32 $5.000000000e-01, v2;
	_ =	sdelay $0x1  }
0x49: {  	v2 =	vtrunc.f32 v2  }
0x4a: {  	v2 =	vcvt.f32.s32 v2;
	_ =	sdelay $0x1  }
0x4b: {  	v2 =	vmul.u32 $0xFFFFFC18, v2;
	_ =	sdelay $0x1  }
0x4c: {  	v1 =	vadd.s32 v1, v2  }
0x4d: {  	vm14 =	vlt.s32 v1, $0x0;
	v2 =	vadd.s32 $0x3E8, v1  }
0x4e: {  	v1 =	vsel vm14, v2, v1  }
0x4f: {  	v1 =	vadd.s32 s22, v1  }
0x50: {  	[tilespmem:s0+$0xFFFFFFA0] =	vst v1  }
0x51: {  	v1 =	vld [tilespmem:s29+$0xFFFFFFB0];
	_ =	sdelay $0x4  }
0x52: {  	v2 =	vcvt.s32.f32 v1;
	_ =	sdelay $0x1  }
0x53: {  	v2 =	vmul.f32 $1.000000050e-03, v2;
	_ =	sdelay $0x1  }
0x54: {  	v2 =	vadd.f32 $5.000000000e-01, v2;
	_ =	sdelay $0x1  }
0x55: {  	v2 =	vtrunc.f32 v2  }
0x56: {  	v2 =	vcvt.f32.s32 v2;
	_ =	sdelay $0x1  }
0x57: {  	v2 =	vmul.u32 $0xFFFFFC18, v2;
	_ =	sdelay $0x1  }
0x58: {  	v1 =	vadd.s32 v1, v2  }
0x59: {  	vm15 =	vlt.s32 v1, $0x0;
	v2 =	vadd.s32 $0x3E8, v1  }
0x5a: {  	v1 =	vsel vm15, v2, v1  }
0x5b: {  	v1 =	vadd.s32 s22, v1  }
0x5c: {  	[tilespmem:s0+$0xFFFFFFB0] =	vst v1  }
0x5d: {  	v1 =	vld [tilespmem:s29+$0xFFFFFFC0];
	_ =	sdelay $0x4  }
0x5e: {  	v2 =	vcvt.s32.f32 v1;
	_ =	sdelay $0x1  }
0x5f: {  	v2 =	vmul.f32 $1.000000050e-03, v2;
	_ =	sdelay $0x1  }
0x60: {  	v2 =	vadd.f32 $5.000000000e-01, v2;
	_ =	sdelay $0x1  }
0x61: {  	v2 =	vtrunc.f32 v2  }
0x62: {  	v2 =	vcvt.f32.s32 v2;
	_ =	sdelay $0x1  }
0x63: {  	v2 =	vmul.u32 $0xFFFFFC18, v2;
	_ =	sdelay $0x1  }
0x64: {  	v1 =	vadd.s32 v1, v2  }
0x65: {  	vm4 =	vlt.s32 v1, $0x0;
	v2 =	vadd.s32 $0x3E8, v1  }
0x66: {  	v1 =	vsel vm4, v2, v1  }
0x67: {  	v1 =	vadd.s32 s22, v1  }
0x68: {  	[tilespmem:s0+$0xFFFFFFC0] =	vst v1  }
0x69: {  	v1 =	vld [tilespmem:s29+$0xFFFFFFD0];
	_ =	sdelay $0x4  }
0x6a: {  	v2 =	vcvt.s32.f32 v1;
	_ =	sdelay $0x1  }
0x6b: {  	v2 =	vmul.f32 $1.000000050e-03, v2;
	_ =	sdelay $0x1  }
0x6c: {  	v2 =	vadd.f32 $5.000000000e-01, v2;
	_ =	sdelay $0x1  }
0x6d: {  	v2 =	vtrunc.f32 v2  }
0x6e: {  	v2 =	vcvt.f32.s32 v2;
	_ =	sdelay $0x1  }
0x6f: {  	v2 =	vmul.u32 $0xFFFFFC18, v2;
	_ =	sdelay $0x1  }
0x70: {  	v1 =	vadd.s32 v1, v2  }
0x71: {  	vm5 =	vlt.s32 v1, $0x0;
	v2 =	vadd.s32 $0x3E8, v1  }
0x72: {  	v1 =	vsel vm5, v2, v1  }
0x73: {  	v1 =	vadd.s32 s22, v1  }
0x74: {  	[tilespmem:s0+$0xFFFFFFD0] =	vst v1  }
0x75: {  	v1 =	vld [tilespmem:s29+$0xFFFFFFE0];
	_ =	sdelay $0x4  }
0x76: {  	v2 =	vcvt.s32.f32 v1;
	_ =	sdelay $0x1  }
0x77: {  	v2 =	vmul.f32 $1.000000050e-03, v2;
	_ =	sdelay $0x1  }
0x78: {  	v2 =	vadd.f32 $5.000000000e-01, v2;
	_ =	sdelay $0x1  }
0x79: {  	v2 =	vtrunc.f32 v2  }
0x7a: {  	v2 =	vcvt.f32.s32 v2;
	_ =	sdelay $0x1  }
0x7b: {  	v2 =	vmul.u32 $0xFFFFFC18, v2;
	_ =	sdelay $0x1  }
0x7c: {  	v1 =	vadd.s32 v1, v2  }
0x7d: {  	vm6 =	vlt.s32 v1, $0x0;
	v2 =	vadd.s32 $0x3E8, v1  }
0x7e: {  	v1 =	vsel vm6, v2, v1  }
0x7f: {  	v1 =	vadd.s32 s22, v1  }
0x80: {  	[tilespmem:s0+$0xFFFFFFE0] =	vst v1  }
0x81: {  	v1 =	vld [tilespmem:s29+$0xFFFFFFF0];
	_ =	sdelay $0x4  }
0x82: {  	v2 =	vcvt.s32.f32 v1;
	_ =	sdelay $0x1  }
0x83: {  	v2 =	vmul.f32 $1.000000050e-03, v2;
	_ =	sdelay $0x1  }
0x84: {  	v2 =	vadd.f32 $5.000000000e-01, v2;
	_ =	sdelay $0x1  }
0x85: {  	v2 =	vtrunc.f32 v2  }
0x86: {  	v2 =	vcvt.f32.s32 v2;
	_ =	sdelay $0x1  }
0x87: {  	v2 =	vmul.u32 $0xFFFFFC18, v2;
	_ =	sdelay $0x1  }
0x88: {  	v1 =	vadd.s32 v1, v2  }
0x89: {  	vm7 =	vlt.s32 v1, $0x0;
	v2 =	vadd.s32 $0x3E8, v1  }
0x8a: {  	v1 =	vsel vm7, v2, v1  }
0x8b: {  	v1 =	vadd.s32 s22, v1  }
0x8c: {  	[tilespmem:s0+$0xFFFFFFF0] =	vst v1  }
0x8d: {  	v1 =	vld [tilespmem:s29+$0x0];
	_ =	sdelay $0x4  }
0x8e: {  	v2 =	vcvt.s32.f32 v1;
	_ =	sdelay $0x1  }
0x8f: {  	v2 =	vmul.f32 $1.000000050e-03, v2;
	_ =	sdelay $0x1  }
0x90: {  	v2 =	vadd.f32 $5.000000000e-01, v2;
	_ =	sdelay $0x1  }
0x91: {  	v2 =	vtrunc.f32 v2  }
0x92: {  	v2 =	vcvt.f32.s32 v2;
	_ =	sdelay $0x1  }
0x93: {  	v2 =	vmul.u32 $0xFFFFFC18, v2;
	_ =	sdelay $0x1  }
0x94: {  	v1 =	vadd.s32 v1, v2  }
0x95: {  	vm8 =	vlt.s32 v1, $0x0;
	v2 =	vadd.s32 $0x3E8, v1  }
0x96: {  	s23 =	simm.s32 $0x7085;
	v1 =	vsel vm8, v2, v1  }
0x97: {  	v1 =	vadd.s32 s23, v1  }
0x98: {  	[tilespmem:s0+$0x0] =	vst v1  }
0x99: {  	v1 =	vld [tilespmem:s29+$0x10];
	_ =	sdelay $0x4  }
0x9a: {  	v2 =	vcvt.s32.f32 v1;
	_ =	sdelay $0x1  }
0x9b: {  	v2 =	vmul.f32 $1.000000050e-03, v2;
	_ =	sdelay $0x1  }
0x9c: {  	v2 =	vadd.f32 $5.000000000e-01, v2;
	_ =	sdelay $0x1  }
0x9d: {  	v2 =	vtrunc.f32 v2  }
0x9e: {  	v2 =	vcvt.f32.s32 v2;
	_ =	sdelay $0x1  }
0x9f: {  	v2 =	vmul.u32 $0xFFFFFC18, v2;
	_ =	sdelay $0x1  }
0xa0: {  	v1 =	vadd.s32 v1, v2  }
0xa1: {  	vm9 =	vlt.s32 v1, $0x0;
	v2 =	vadd.s32 $0x3E8, v1  }
0xa2: {  	v1 =	vsel vm9, v2, v1  }
0xa3: {  	v1 =	vadd.s32 s23, v1  }
0xa4: {  	[tilespmem:s0+$0x10] =	vst v1  }
0xa5: {  	v1 =	vld [tilespmem:s29+$0x20];
	_ =	sdelay $0x4  }
0xa6: {  	v2 =	vcvt.s32.f32 v1;
	_ =	sdelay $0x1  }
0xa7: {  	v2 =	vmul.f32 $1.000000050e-03, v2;
	_ =	sdelay $0x1  }
0xa8: {  	v2 =	vadd.f32 $5.000000000e-01, v2;
	_ =	sdelay $0x1  }
0xa9: {  	v2 =	vtrunc.f32 v2  }
0xaa: {  	v2 =	vcvt.f32.s32 v2;
	_ =	sdelay $0x1  }
0xab: {  	v2 =	vmul.u32 $0xFFFFFC18, v2;
	_ =	sdelay $0x1  }
0xac: {  	v1 =	vadd.s32 v1, v2  }
0xad: {  	vm10 =	vlt.s32 v1, $0x0;
	v2 =	vadd.s32 $0x3E8, v1  }
0xae: {  	v1 =	vsel vm10, v2, v1  }
0xaf: {  	v1 =	vadd.s32 s23, v1  }
0xb0: {  	[tilespmem:s0+$0x20] =	vst v1  }
0xb1: {  	v1 =	vld [tilespmem:s29+$0x30];
	_ =	sdelay $0x4  }
0xb2: {  	v2 =	vcvt.s32.f32 v1;
	_ =	sdelay $0x1  }
0xb3: {  	v2 =	vmul.f32 $1.000000050e-03, v2;
	_ =	sdelay $0x1  }
0xb4: {  	v2 =	vadd.f32 $5.000000000e-01, v2;
	_ =	sdelay $0x1  }
0xb5: {  	v2 =	vtrunc.f32 v2  }
0xb6: {  	v2 =	vcvt.f32.s32 v2;
	_ =	sdelay $0x1  }
0xb7: {  	v2 =	vmul.u32 $0xFFFFFC18, v2;
	_ =	sdelay $0x1  }
0xb8: {  	v1 =	vadd.s32 v1, v2  }
0xb9: {  	vm11 =	vlt.s32 v1, $0x0;
	v2 =	vadd.s32 $0x3E8, v1  }
0xba: {  	v1 =	vsel vm11, v2, v1  }
0xbb: {  	v1 =	vadd.s32 s23, v1  }
0xbc: {  	[tilespmem:s0+$0x30] =	vst v1  }
0xbd: {  	v1 =	vld [tilespmem:s29+$0x40];
	_ =	sdelay $0x4  }
0xbe: {  	v2 =	vcvt.s32.f32 v1;
	_ =	sdelay $0x1  }
0xbf: {  	v2 =	vmul.f32 $1.000000050e-03, v2;
	_ =	sdelay $0x1  }
0xc0: {  	v2 =	vadd.f32 $5.000000000e-01, v2;
	_ =	sdelay $0x1  }
0xc1: {  	v2 =	vtrunc.f32 v2  }
0xc2: {  	v2 =	vcvt.f32.s32 v2;
	_ =	sdelay $0x1  }
0xc3: {  	v2 =	vmul.u32 $0xFFFFFC18, v2;
	_ =	sdelay $0x1  }
0xc4: {  	v1 =	vadd.s32 v1, v2  }
0xc5: {  	vm12 =	vlt.s32 v1, $0x0;
	v2 =	vadd.s32 $0x3E8, v1  }
0xc6: {  	v1 =	vsel vm12, v2, v1  }
0xc7: {  	v1 =	vadd.s32 s23, v1  }
0xc8: {  	[tilespmem:s0+$0x40] =	vst v1  }
0xc9: {  	v1 =	vld [tilespmem:s29+$0x50];
	_ =	sdelay $0x4  }
0xca: {  	v2 =	vcvt.s32.f32 v1;
	_ =	sdelay $0x1  }
0xcb: {  	v2 =	vmul.f32 $1.000000050e-03, v2;
	_ =	sdelay $0x1  }
0xcc: {  	v2 =	vadd.f32 $5.000000000e-01, v2;
	_ =	sdelay $0x1  }
0xcd: {  	v2 =	vtrunc.f32 v2  }
0xce: {  	v2 =	vcvt.f32.s32 v2;
	_ =	sdelay $0x1  }
0xcf: {  	v2 =	vmul.u32 $0xFFFFFC18, v2;
	_ =	sdelay $0x1  }
0xd0: {  	v1 =	vadd.s32 v1, v2  }
0xd1: {  	vm13 =	vlt.s32 v1, $0x0;
	v2 =	vadd.s32 $0x3E8, v1  }
0xd2: {  	v1 =	vsel vm13, v2, v1  }
0xd3: {  	v1 =	vadd.s32 s23, v1  }
0xd4: {  	[tilespmem:s0+$0x50] =	vst v1  }
0xd5: {  	v1 =	vld [tilespmem:s29+$0x60];
	_ =	sdelay $0x4  }
0xd6: {  	v2 =	vcvt.s32.f32 v1;
	_ =	sdelay $0x1  }
0xd7: {  	v2 =	vmul.f32 $1.000000050e-03, v2;
	_ =	sdelay $0x1  }
0xd8: {  	v2 =	vadd.f32 $5.000000000e-01, v2;
	_ =	sdelay $0x1  }
0xd9: {  	v2 =	vtrunc.f32 v2  }
0xda: {  	v2 =	vcvt.f32.s32 v2;
	_ =	sdelay $0x1  }
0xdb: {  	v2 =	vmul.u32 $0xFFFFFC18, v2;
	_ =	sdelay $0x1  }
0xdc: {  	v1 =	vadd.s32 v1, v2  }
0xdd: {  	vm14 =	vlt.s32 v1, $0x0;
	v2 =	vadd.s32 $0x3E8, v1  }
0xde: {  	v1 =	vsel vm14, v2, v1  }
0xdf: {  	v1 =	vadd.s32 s23, v1  }
0xe0: {  	[tilespmem:s0+$0x60] =	vst v1  }
0xe1: {  	v1 =	vld [tilespmem:s29+$0x70];
	_ =	sdelay $0x4  }
0xe2: {  	v2 =	vcvt.s32.f32 v1;
	_ =	sdelay $0x1  }
0xe3: {  	v2 =	vmul.f32 $1.000000050e-03, v2;
	_ =	sdelay $0x1  }
0xe4: {  	v2 =	vadd.f32 $5.000000000e-01, v2;
	_ =	sdelay $0x1  }
0xe5: {  	v2 =	vtrunc.f32 v2  }
0xe6: {  	v2 =	vcvt.f32.s32 v2;
	_ =	sdelay $0x1  }
0xe7: {  	v2 =	vmul.u32 $0xFFFFFC18, v2;
	_ =	sdelay $0x1  }
0xe8: {  	v1 =	vadd.s32 v1, v2  }
0xe9: {  	vm15 =	vlt.s32 v1, $0x0;
	v2 =	vadd.s32 $0x3E8, v1  }
0xea: {  	v1 =	vsel vm15, v2, v1  }
0xeb: {  	v1 =	vadd.s32 s23, v1  }
0xec: {  	s23 =	simm.s32 $0x180;
	[tilespmem:s0+$0x70] =	vst v1  }
0xed: {  	s28 =	simm.s32 $0x7925;
	s5 =	simm.s32 $0x1C80;
	s22 =	simm.s32 $0x74D5;
	v1 =	vld [tilespmem:s23+$0xFFFFFF80]  }
.LBB2_2:
0xee: {  	p0 =	sne.s32 s28, $0xD805;
	_ =	sdelay $0x3  }
0xef: {  	v2 =	vcvt.s32.f32 v1;
	_ =	sdelay $0x1  }
0xf0: {  	v2 =	vmul.f32 $1.000000050e-03, v2;
	_ =	sdelay $0x1  }
0xf1: {  	v2 =	vadd.f32 $5.000000000e-01, v2;
	_ =	sdelay $0x1  }
0xf2: {  	v2 =	vtrunc.f32 v2  }
0xf3: {  	v2 =	vcvt.f32.s32 v2;
	_ =	sdelay $0x1  }
0xf4: {  	v2 =	vmul.u32 $0xFFFFFC18, v2;
	_ =	sdelay $0x1  }
0xf5: {  	v1 =	vadd.s32 v1, v2  }
0xf6: {  	vm0 =	vlt.s32 v1, $0x0;
	v2 =	vadd.s32 $0x3E8, v1  }
0xf7: {  	s1 =	sadd.s32 $0xFFFF8FE0, s22;
	v1 =	vsel vm0, v2, v1  }
0xf8: {  	s5 =	sadd.s32 $0x100, s5;
	v1 =	vadd.s32 s1, v1  }
0xf9: {  	[tilespmem:s5+$0xFFFFFF80] =	vst v1  }
0xfa: {  	v1 =	vld [tilespmem:s23+$0xFFFFFF90];
	_ =	sdelay $0x4  }
0xfb: {  	v2 =	vcvt.s32.f32 v1;
	_ =	sdelay $0x1  }
0xfc: {  	v2 =	vmul.f32 $1.000000050e-03, v2;
	_ =	sdelay $0x1  }
0xfd: {  	v2 =	vadd.f32 $5.000000000e-01, v2;
	_ =	sdelay $0x1  }
0xfe: {  	v2 =	vtrunc.f32 v2  }
0xff: {  	v2 =	vcvt.f32.s32 v2;
	_ =	sdelay $0x1  }
0x100: {  	v2 =	vmul.u32 $0xFFFFFC18, v2;
	_ =	sdelay $0x1  }
0x101: {  	v1 =	vadd.s32 v1, v2  }
0x102: {  	vm0 =	vlt.s32 v1, $0x0;
	v2 =	vadd.s32 $0x3E8, v1  }
0x103: {  	v1 =	vsel vm0, v2, v1  }
0x104: {  	v1 =	vadd.s32 s1, v1  }
0x105: {  	[tilespmem:s5+$0xFFFFFF90] =	vst v1  }
0x106: {  	v1 =	vld [tilespmem:s23+$0xFFFFFFA0];
	_ =	sdelay $0x4  }
0x107: {  	v2 =	vcvt.s32.f32 v1;
	_ =	sdelay $0x1  }
0x108: {  	v2 =	vmul.f32 $1.000000050e-03, v2;
	_ =	sdelay $0x1  }
0x109: {  	v2 =	vadd.f32 $5.000000000e-01, v2;
	_ =	sdelay $0x1  }
0x10a: {  	v2 =	vtrunc.f32 v2  }
0x10b: {  	v2 =	vcvt.f32.s32 v2;
	_ =	sdelay $0x1  }
0x10c: {  	v2 =	vmul.u32 $0xFFFFFC18, v2;
	_ =	sdelay $0x1  }
0x10d: {  	v1 =	vadd.s32 v1, v2  }
0x10e: {  	vm0 =	vlt.s32 v1, $0x0;
	v2 =	vadd.s32 $0x3E8, v1  }
0x10f: {  	v1 =	vsel vm0, v2, v1  }
0x110: {  	v1 =	vadd.s32 s1, v1  }
0x111: {  	[tilespmem:s5+$0xFFFFFFA0] =	vst v1  }
0x112: {  	v1 =	vld [tilespmem:s23+$0xFFFFFFB0];
	_ =	sdelay $0x4  }
0x113: {  	v2 =	vcvt.s32.f32 v1;
	_ =	sdelay $0x1  }
0x114: {  	v2 =	vmul.f32 $1.000000050e-03, v2;
	_ =	sdelay $0x1  }
0x115: {  	v2 =	vadd.f32 $5.000000000e-01, v2;
	_ =	sdelay $0x1  }
0x116: {  	v2 =	vtrunc.f32 v2  }
0x117: {  	v2 =	vcvt.f32.s32 v2;
	_ =	sdelay $0x1  }
0x118: {  	v2 =	vmul.u32 $0xFFFFFC18, v2;
	_ =	sdelay $0x1  }
0x119: {  	v1 =	vadd.s32 v1, v2  }
0x11a: {  	vm0 =	vlt.s32 v1, $0x0;
	v2 =	vadd.s32 $0x3E8, v1  }
0x11b: {  	v1 =	vsel vm0, v2, v1  }
0x11c: {  	v1 =	vadd.s32 s1, v1  }
0x11d: {  	[tilespmem:s5+$0xFFFFFFB0] =	vst v1  }
0x11e: {  	v1 =	vld [tilespmem:s23+$0xFFFFFFC0];
	_ =	sdelay $0x4  }
0x11f: {  	v2 =	vcvt.s32.f32 v1;
	_ =	sdelay $0x1  }
0x120: {  	v2 =	vmul.f32 $1.000000050e-03, v2;
	_ =	sdelay $0x1  }
0x121: {  	v2 =	vadd.f32 $5.000000000e-01, v2;
	_ =	sdelay $0x1  }
0x122: {  	v2 =	vtrunc.f32 v2  }
0x123: {  	v2 =	vcvt.f32.s32 v2;
	_ =	sdelay $0x1  }
0x124: {  	v2 =	vmul.u32 $0xFFFFFC18, v2;
	_ =	sdelay $0x1  }
0x125: {  	v1 =	vadd.s32 v1, v2  }
0x126: {  	vm0 =	vlt.s32 v1, $0x0;
	v2 =	vadd.s32 $0x3E8, v1  }
0x127: {  	v1 =	vsel vm0, v2, v1  }
0x128: {  	v1 =	vadd.s32 s1, v1  }
0x129: {  	[tilespmem:s5+$0xFFFFFFC0] =	vst v1  }
0x12a: {  	v1 =	vld [tilespmem:s23+$0xFFFFFFD0];
	_ =	sdelay $0x4  }
0x12b: {  	v2 =	vcvt.s32.f32 v1;
	_ =	sdelay $0x1  }
0x12c: {  	v2 =	vmul.f32 $1.000000050e-03, v2;
	_ =	sdelay $0x1  }
0x12d: {  	v2 =	vadd.f32 $5.000000000e-01, v2;
	_ =	sdelay $0x1  }
0x12e: {  	v2 =	vtrunc.f32 v2  }
0x12f: {  	v2 =	vcvt.f32.s32 v2;
	_ =	sdelay $0x1  }
0x130: {  	v2 =	vmul.u32 $0xFFFFFC18, v2;
	_ =	sdelay $0x1  }
0x131: {  	v1 =	vadd.s32 v1, v2  }
0x132: {  	vm0 =	vlt.s32 v1, $0x0;
	v2 =	vadd.s32 $0x3E8, v1  }
0x133: {  	v1 =	vsel vm0, v2, v1  }
0x134: {  	v1 =	vadd.s32 s1, v1  }
0x135: {  	[tilespmem:s5+$0xFFFFFFD0] =	vst v1  }
0x136: {  	v1 =	vld [tilespmem:s23+$0xFFFFFFE0];
	_ =	sdelay $0x4  }
0x137: {  	v2 =	vcvt.s32.f32 v1;
	_ =	sdelay $0x1  }
0x138: {  	v2 =	vmul.f32 $1.000000050e-03, v2;
	_ =	sdelay $0x1  }
0x139: {  	v2 =	vadd.f32 $5.000000000e-01, v2;
	_ =	sdelay $0x1  }
0x13a: {  	v2 =	vtrunc.f32 v2  }
0x13b: {  	v2 =	vcvt.f32.s32 v2;
	_ =	sdelay $0x1  }
0x13c: {  	v2 =	vmul.u32 $0xFFFFFC18, v2;
	_ =	sdelay $0x1  }
0x13d: {  	v1 =	vadd.s32 v1, v2  }
0x13e: {  	vm0 =	vlt.s32 v1, $0x0;
	v2 =	vadd.s32 $0x3E8, v1  }
0x13f: {  	v1 =	vsel vm0, v2, v1  }
0x140: {  	v1 =	vadd.s32 s1, v1  }
0x141: {  	[tilespmem:s5+$0xFFFFFFE0] =	vst v1  }
0x142: {  	v1 =	vld [tilespmem:s23+$0xFFFFFFF0];
	_ =	sdelay $0x4  }
0x143: {  	v2 =	vcvt.s32.f32 v1;
	_ =	sdelay $0x1  }
0x144: {  	v2 =	vmul.f32 $1.000000050e-03, v2;
	_ =	sdelay $0x1  }
0x145: {  	v2 =	vadd.f32 $5.000000000e-01, v2;
	_ =	sdelay $0x1  }
0x146: {  	v2 =	vtrunc.f32 v2  }
0x147: {  	v2 =	vcvt.f32.s32 v2;
	_ =	sdelay $0x1  }
0x148: {  	v2 =	vmul.u32 $0xFFFFFC18, v2;
	_ =	sdelay $0x1  }
0x149: {  	v1 =	vadd.s32 v1, v2  }
0x14a: {  	vm0 =	vlt.s32 v1, $0x0;
	v2 =	vadd.s32 $0x3E8, v1  }
0x14b: {  	v1 =	vsel vm0, v2, v1  }
0x14c: {  	v1 =	vadd.s32 s1, v1  }
0x14d: {  	[tilespmem:s5+$0xFFFFFFF0] =	vst v1  }
0x14e: {  	v1 =	vld [tilespmem:s23+$0x0];
	_ =	sdelay $0x4  }
0x14f: {  	v2 =	vcvt.s32.f32 v1;
	_ =	sdelay $0x1  }
0x150: {  	v2 =	vmul.f32 $1.000000050e-03, v2;
	_ =	sdelay $0x1  }
0x151: {  	v2 =	vadd.f32 $5.000000000e-01, v2;
	_ =	sdelay $0x1  }
0x152: {  	v2 =	vtrunc.f32 v2  }
0x153: {  	v2 =	vcvt.f32.s32 v2;
	_ =	sdelay $0x1  }
0x154: {  	v2 =	vmul.u32 $0xFFFFFC18, v2;
	_ =	sdelay $0x1  }
0x155: {  	v1 =	vadd.s32 v1, v2  }
0x156: {  	vm0 =	vlt.s32 v1, $0x0;
	v2 =	vadd.s32 $0x3E8, v1  }
0x157: {  	v1 =	vsel vm0, v2, v1  }
0x158: {  	v1 =	vadd.s32 s22, v1  }
0x159: {  	[tilespmem:s5+$0x0] =	vst v1  }
0x15a: {  	v1 =	vld [tilespmem:s23+$0x10];
	_ =	sdelay $0x4  }
0x15b: {  	v2 =	vcvt.s32.f32 v1;
	_ =	sdelay $0x1  }
0x15c: {  	v2 =	vmul.f32 $1.000000050e-03, v2;
	_ =	sdelay $0x1  }
0x15d: {  	v2 =	vadd.f32 $5.000000000e-01, v2;
	_ =	sdelay $0x1  }
0x15e: {  	v2 =	vtrunc.f32 v2  }
0x15f: {  	v2 =	vcvt.f32.s32 v2;
	_ =	sdelay $0x1  }
0x160: {  	v2 =	vmul.u32 $0xFFFFFC18, v2;
	_ =	sdelay $0x1  }
0x161: {  	v1 =	vadd.s32 v1, v2  }
0x162: {  	vm0 =	vlt.s32 v1, $0x0;
	v2 =	vadd.s32 $0x3E8, v1  }
0x163: {  	v1 =	vsel vm0, v2, v1  }
0x164: {  	v1 =	vadd.s32 s22, v1  }
0x165: {  	[tilespmem:s5+$0x10] =	vst v1  }
0x166: {  	v1 =	vld [tilespmem:s23+$0x20];
	_ =	sdelay $0x4  }
0x167: {  	v2 =	vcvt.s32.f32 v1;
	_ =	sdelay $0x1  }
0x168: {  	v2 =	vmul.f32 $1.000000050e-03, v2;
	_ =	sdelay $0x1  }
0x169: {  	v2 =	vadd.f32 $5.000000000e-01, v2;
	_ =	sdelay $0x1  }
0x16a: {  	v2 =	vtrunc.f32 v2  }
0x16b: {  	v2 =	vcvt.f32.s32 v2;
	_ =	sdelay $0x1  }
0x16c: {  	v2 =	vmul.u32 $0xFFFFFC18, v2;
	_ =	sdelay $0x1  }
0x16d: {  	v1 =	vadd.s32 v1, v2  }
0x16e: {  	vm0 =	vlt.s32 v1, $0x0;
	v2 =	vadd.s32 $0x3E8, v1  }
0x16f: {  	v1 =	vsel vm0, v2, v1  }
0x170: {  	v1 =	vadd.s32 s22, v1  }
0x171: {  	[tilespmem:s5+$0x20] =	vst v1  }
0x172: {  	v1 =	vld [tilespmem:s23+$0x30];
	_ =	sdelay $0x4  }
0x173: {  	v2 =	vcvt.s32.f32 v1;
	_ =	sdelay $0x1  }
0x174: {  	v2 =	vmul.f32 $1.000000050e-03, v2;
	_ =	sdelay $0x1  }
0x175: {  	v2 =	vadd.f32 $5.000000000e-01, v2;
	_ =	sdelay $0x1  }
0x176: {  	v2 =	vtrunc.f32 v2  }
0x177: {  	v2 =	vcvt.f32.s32 v2;
	_ =	sdelay $0x1  }
0x178: {  	v2 =	vmul.u32 $0xFFFFFC18, v2;
	_ =	sdelay $0x1  }
0x179: {  	v1 =	vadd.s32 v1, v2  }
0x17a: {  	vm0 =	vlt.s32 v1, $0x0;
	v2 =	vadd.s32 $0x3E8, v1  }
0x17b: {  	v1 =	vsel vm0, v2, v1  }
0x17c: {  	v1 =	vadd.s32 s22, v1  }
0x17d: {  	[tilespmem:s5+$0x30] =	vst v1  }
0x17e: {  	v1 =	vld [tilespmem:s23+$0x40];
	_ =	sdelay $0x4  }
0x17f: {  	v2 =	vcvt.s32.f32 v1;
	_ =	sdelay $0x1  }
0x180: {  	v2 =	vmul.f32 $1.000000050e-03, v2;
	_ =	sdelay $0x1  }
0x181: {  	v2 =	vadd.f32 $5.000000000e-01, v2;
	_ =	sdelay $0x1  }
0x182: {  	v2 =	vtrunc.f32 v2  }
0x183: {  	v2 =	vcvt.f32.s32 v2;
	_ =	sdelay $0x1  }
0x184: {  	v2 =	vmul.u32 $0xFFFFFC18, v2;
	_ =	sdelay $0x1  }
0x185: {  	v1 =	vadd.s32 v1, v2  }
0x186: {  	vm0 =	vlt.s32 v1, $0x0;
	v2 =	vadd.s32 $0x3E8, v1  }
0x187: {  	v1 =	vsel vm0, v2, v1  }
0x188: {  	v1 =	vadd.s32 s22, v1  }
0x189: {  	[tilespmem:s5+$0x40] =	vst v1  }
0x18a: {  	v1 =	vld [tilespmem:s23+$0x50];
	_ =	sdelay $0x4  }
0x18b: {  	v2 =	vcvt.s32.f32 v1;
	_ =	sdelay $0x1  }
0x18c: {  	v2 =	vmul.f32 $1.000000050e-03, v2;
	_ =	sdelay $0x1  }
0x18d: {  	v2 =	vadd.f32 $5.000000000e-01, v2;
	_ =	sdelay $0x1  }
0x18e: {  	v2 =	vtrunc.f32 v2  }
0x18f: {  	v2 =	vcvt.f32.s32 v2;
	_ =	sdelay $0x1  }
0x190: {  	v2 =	vmul.u32 $0xFFFFFC18, v2;
	_ =	sdelay $0x1  }
0x191: {  	v1 =	vadd.s32 v1, v2  }
0x192: {  	vm0 =	vlt.s32 v1, $0x0;
	v2 =	vadd.s32 $0x3E8, v1  }
0x193: {  	v1 =	vsel vm0, v2, v1  }
0x194: {  	v1 =	vadd.s32 s22, v1  }
0x195: {  	[tilespmem:s5+$0x50] =	vst v1  }
0x196: {  	v1 =	vld [tilespmem:s23+$0x60];
	_ =	sdelay $0x4  }
0x197: {  	v2 =	vcvt.s32.f32 v1;
	_ =	sdelay $0x1  }
0x198: {  	v2 =	vmul.f32 $1.000000050e-03, v2;
	_ =	sdelay $0x1  }
0x199: {  	v2 =	vadd.f32 $5.000000000e-01, v2;
	_ =	sdelay $0x1  }
0x19a: {  	v2 =	vtrunc.f32 v2  }
0x19b: {  	v2 =	vcvt.f32.s32 v2;
	_ =	sdelay $0x1  }
0x19c: {  	v2 =	vmul.u32 $0xFFFFFC18, v2;
	_ =	sdelay $0x1  }
0x19d: {  	v1 =	vadd.s32 v1, v2  }
0x19e: {  	vm0 =	vlt.s32 v1, $0x0;
	v2 =	vadd.s32 $0x3E8, v1  }
0x19f: {  	v1 =	vsel vm0, v2, v1  }
0x1a0: {  	v1 =	vadd.s32 s22, v1  }
0x1a1: {  	[tilespmem:s5+$0x60] =	vst v1  }
0x1a2: {  	v1 =	vld [tilespmem:s23+$0x70];
	_ =	sdelay $0x4  }
0x1a3: {  	v2 =	vcvt.s32.f32 v1;
	_ =	sdelay $0x1  }
0x1a4: {  	v2 =	vmul.f32 $1.000000050e-03, v2;
	_ =	sdelay $0x1  }
0x1a5: {  	v2 =	vadd.f32 $5.000000000e-01, v2;
	_ =	sdelay $0x1  }
0x1a6: {  	v2 =	vtrunc.f32 v2  }
0x1a7: {  	v2 =	vcvt.f32.s32 v2;
	_ =	sdelay $0x1  }
0x1a8: {  	v2 =	vmul.u32 $0xFFFFFC18, v2;
	_ =	sdelay $0x1  }
0x1a9: {  	v1 =	vadd.s32 v1, v2  }
.Ltmp0:
0x1aa: {  	vm0 =	vlt.s32 v1, $0x0;
	v2 =	vadd.s32 $0x3E8, v1;
	(pc) =	sbr.rel @p0 .LBB2_2-.Ltmp0, $4  }
0x1ab: {  	v1 =	vsel vm0, v2, v1  }
0x1ac: {  	v1 =	vadd.s32 s22, v1;
	s22 =	smov.u32 s28  }
0x1ad: {  	s23 =	sadd.s32 $0x100, s23;
	[tilespmem:s5+$0x70] =	vst v1  }
0x1ae: {  	s28 =	sadd.s32 $0x450, s28;
	v1 =	vld [tilespmem:s23+$0xFFFFFF80]  }
0x1af: {  	_ =	sdelay $0x3  }
0x1b0: {  	v2 =	vcvt.s32.f32 v1;
	_ =	sdelay $0x1  }
0x1b1: {  	v2 =	vmul.f32 $1.000000050e-03, v2;
	_ =	sdelay $0x1  }
0x1b2: {  	v2 =	vadd.f32 $5.000000000e-01, v2;
	_ =	sdelay $0x1  }
0x1b3: {  	v2 =	vtrunc.f32 v2  }
0x1b4: {  	v2 =	vcvt.f32.s32 v2;
	_ =	sdelay $0x1  }
0x1b5: {  	v2 =	vmul.u32 $0xFFFFFC18, v2;
	_ =	sdelay $0x1  }
0x1b6: {  	v1 =	vadd.s32 v1, v2  }
0x1b7: {  	vm0 =	vlt.s32 v1, $0x0;
	v2 =	vadd.s32 $0x3E8, v1  }
0x1b8: {  	s28 =	sadd.s32 $0xFFFF8FE0, s22;
	v1 =	vsel vm0, v2, v1  }
0x1b9: {  	s1 =	sadd.s32 $0x100, s5;
	v1 =	vadd.s32 s28, v1  }
0x1ba: {  	[tilespmem:s1+$0xFFFFFF80] =	vst v1  }
0x1bb: {  	v1 =	vld [tilespmem:s23+$0xFFFFFF90];
	_ =	sdelay $0x4  }
0x1bc: {  	v2 =	vcvt.s32.f32 v1;
	_ =	sdelay $0x1  }
0x1bd: {  	v2 =	vmul.f32 $1.000000050e-03, v2;
	_ =	sdelay $0x1  }
0x1be: {  	v2 =	vadd.f32 $5.000000000e-01, v2;
	_ =	sdelay $0x1  }
0x1bf: {  	v2 =	vtrunc.f32 v2  }
0x1c0: {  	v2 =	vcvt.f32.s32 v2;
	_ =	sdelay $0x1  }
0x1c1: {  	v2 =	vmul.u32 $0xFFFFFC18, v2;
	_ =	sdelay $0x1  }
0x1c2: {  	v1 =	vadd.s32 v1, v2  }
0x1c3: {  	vm5 =	vlt.s32 v1, $0x0;
	v2 =	vadd.s32 $0x3E8, v1  }
0x1c4: {  	v1 =	vsel vm5, v2, v1  }
0x1c5: {  	v1 =	vadd.s32 s28, v1  }
0x1c6: {  	[tilespmem:s1+$0xFFFFFF90] =	vst v1  }
0x1c7: {  	v1 =	vld [tilespmem:s23+$0xFFFFFFA0];
	_ =	sdelay $0x4  }
0x1c8: {  	v2 =	vcvt.s32.f32 v1;
	_ =	sdelay $0x1  }
0x1c9: {  	v2 =	vmul.f32 $1.000000050e-03, v2;
	_ =	sdelay $0x1  }
0x1ca: {  	v2 =	vadd.f32 $5.000000000e-01, v2;
	_ =	sdelay $0x1  }
0x1cb: {  	v2 =	vtrunc.f32 v2  }
0x1cc: {  	v2 =	vcvt.f32.s32 v2;
	_ =	sdelay $0x1  }
0x1cd: {  	v2 =	vmul.u32 $0xFFFFFC18, v2;
	_ =	sdelay $0x1  }
0x1ce: {  	v1 =	vadd.s32 v1, v2  }
0x1cf: {  	vm6 =	vlt.s32 v1, $0x0;
	v2 =	vadd.s32 $0x3E8, v1  }
0x1d0: {  	v1 =	vsel vm6, v2, v1  }
0x1d1: {  	v1 =	vadd.s32 s28, v1  }
0x1d2: {  	[tilespmem:s1+$0xFFFFFFA0] =	vst v1  }
0x1d3: {  	v1 =	vld [tilespmem:s23+$0xFFFFFFB0];
	_ =	sdelay $0x4  }
0x1d4: {  	v2 =	vcvt.s32.f32 v1;
	_ =	sdelay $0x1  }
0x1d5: {  	v2 =	vmul.f32 $1.000000050e-03, v2;
	_ =	sdelay $0x1  }
0x1d6: {  	v2 =	vadd.f32 $5.000000000e-01, v2;
	_ =	sdelay $0x1  }
0x1d7: {  	v2 =	vtrunc.f32 v2  }
0x1d8: {  	v2 =	vcvt.f32.s32 v2;
	_ =	sdelay $0x1  }
0x1d9: {  	v2 =	vmul.u32 $0xFFFFFC18, v2;
	_ =	sdelay $0x1  }
0x1da: {  	v1 =	vadd.s32 v1, v2  }
0x1db: {  	vm7 =	vlt.s32 v1, $0x0;
	v2 =	vadd.s32 $0x3E8, v1  }
0x1dc: {  	v1 =	vsel vm7, v2, v1  }
0x1dd: {  	v1 =	vadd.s32 s28, v1  }
0x1de: {  	[tilespmem:s1+$0xFFFFFFB0] =	vst v1  }
0x1df: {  	v1 =	vld [tilespmem:s23+$0xFFFFFFC0];
	_ =	sdelay $0x4  }
0x1e0: {  	v2 =	vcvt.s32.f32 v1;
	_ =	sdelay $0x1  }
0x1e1: {  	v2 =	vmul.f32 $1.000000050e-03, v2;
	_ =	sdelay $0x1  }
0x1e2: {  	v2 =	vadd.f32 $5.000000000e-01, v2;
	_ =	sdelay $0x1  }
0x1e3: {  	v2 =	vtrunc.f32 v2  }
0x1e4: {  	v2 =	vcvt.f32.s32 v2;
	_ =	sdelay $0x1  }
0x1e5: {  	v2 =	vmul.u32 $0xFFFFFC18, v2;
	_ =	sdelay $0x1  }
0x1e6: {  	v1 =	vadd.s32 v1, v2  }
0x1e7: {  	vm8 =	vlt.s32 v1, $0x0;
	v2 =	vadd.s32 $0x3E8, v1  }
0x1e8: {  	v1 =	vsel vm8, v2, v1  }
0x1e9: {  	v1 =	vadd.s32 s28, v1  }
0x1ea: {  	[tilespmem:s1+$0xFFFFFFC0] =	vst v1  }
0x1eb: {  	v1 =	vld [tilespmem:s23+$0xFFFFFFD0];
	_ =	sdelay $0x4  }
0x1ec: {  	v2 =	vcvt.s32.f32 v1;
	_ =	sdelay $0x1  }
0x1ed: {  	v2 =	vmul.f32 $1.000000050e-03, v2;
	_ =	sdelay $0x1  }
0x1ee: {  	v2 =	vadd.f32 $5.000000000e-01, v2;
	_ =	sdelay $0x1  }
0x1ef: {  	v2 =	vtrunc.f32 v2  }
0x1f0: {  	v2 =	vcvt.f32.s32 v2;
	_ =	sdelay $0x1  }
0x1f1: {  	v2 =	vmul.u32 $0xFFFFFC18, v2;
	_ =	sdelay $0x1  }
0x1f2: {  	v1 =	vadd.s32 v1, v2  }
0x1f3: {  	vm9 =	vlt.s32 v1, $0x0;
	v2 =	vadd.s32 $0x3E8, v1  }
0x1f4: {  	v1 =	vsel vm9, v2, v1  }
0x1f5: {  	v1 =	vadd.s32 s28, v1  }
0x1f6: {  	[tilespmem:s1+$0xFFFFFFD0] =	vst v1  }
0x1f7: {  	v1 =	vld [tilespmem:s23+$0xFFFFFFE0];
	_ =	sdelay $0x4  }
0x1f8: {  	v2 =	vcvt.s32.f32 v1;
	_ =	sdelay $0x1  }
0x1f9: {  	v2 =	vmul.f32 $1.000000050e-03, v2;
	_ =	sdelay $0x1  }
0x1fa: {  	v2 =	vadd.f32 $5.000000000e-01, v2;
	_ =	sdelay $0x1  }
0x1fb: {  	v2 =	vtrunc.f32 v2  }
0x1fc: {  	v2 =	vcvt.f32.s32 v2;
	_ =	sdelay $0x1  }
0x1fd: {  	v2 =	vmul.u32 $0xFFFFFC18, v2;
	_ =	sdelay $0x1  }
0x1fe: {  	v1 =	vadd.s32 v1, v2  }
0x1ff: {  	vm10 =	vlt.s32 v1, $0x0;
	v2 =	vadd.s32 $0x3E8, v1  }
0x200: {  	v1 =	vsel vm10, v2, v1  }
0x201: {  	v1 =	vadd.s32 s28, v1  }
0x202: {  	[tilespmem:s1+$0xFFFFFFE0] =	vst v1  }
0x203: {  	v1 =	vld [tilespmem:s23+$0xFFFFFFF0];
	_ =	sdelay $0x4  }
0x204: {  	v2 =	vcvt.s32.f32 v1;
	_ =	sdelay $0x1  }
0x205: {  	v2 =	vmul.f32 $1.000000050e-03, v2;
	_ =	sdelay $0x1  }
0x206: {  	v2 =	vadd.f32 $5.000000000e-01, v2;
	_ =	sdelay $0x1  }
0x207: {  	v2 =	vtrunc.f32 v2  }
0x208: {  	v2 =	vcvt.f32.s32 v2;
	_ =	sdelay $0x1  }
0x209: {  	v2 =	vmul.u32 $0xFFFFFC18, v2;
	_ =	sdelay $0x1  }
0x20a: {  	v1 =	vadd.s32 v1, v2  }
0x20b: {  	vm11 =	vlt.s32 v1, $0x0;
	v2 =	vadd.s32 $0x3E8, v1  }
0x20c: {  	v1 =	vsel vm11, v2, v1  }
0x20d: {  	v1 =	vadd.s32 s28, v1  }
0x20e: {  	[tilespmem:s1+$0xFFFFFFF0] =	vst v1  }
0x20f: {  	v1 =	vld [tilespmem:s23+$0x0];
	_ =	sdelay $0x4  }
0x210: {  	v2 =	vcvt.s32.f32 v1;
	_ =	sdelay $0x1  }
0x211: {  	v2 =	vmul.f32 $1.000000050e-03, v2;
	_ =	sdelay $0x1  }
0x212: {  	v2 =	vadd.f32 $5.000000000e-01, v2;
	_ =	sdelay $0x1  }
0x213: {  	v2 =	vtrunc.f32 v2  }
0x214: {  	v2 =	vcvt.f32.s32 v2;
	_ =	sdelay $0x1  }
0x215: {  	v2 =	vmul.u32 $0xFFFFFC18, v2;
	_ =	sdelay $0x1  }
0x216: {  	v1 =	vadd.s32 v1, v2  }
0x217: {  	vm12 =	vlt.s32 v1, $0x0;
	v2 =	vadd.s32 $0x3E8, v1  }
0x218: {  	v1 =	vsel vm12, v2, v1  }
0x219: {  	v1 =	vadd.s32 s22, v1  }
0x21a: {  	[tilespmem:s1+$0x0] =	vst v1  }
0x21b: {  	v1 =	vld [tilespmem:s23+$0x10];
	_ =	sdelay $0x4  }
0x21c: {  	v2 =	vcvt.s32.f32 v1;
	_ =	sdelay $0x1  }
0x21d: {  	v2 =	vmul.f32 $1.000000050e-03, v2;
	_ =	sdelay $0x1  }
0x21e: {  	v2 =	vadd.f32 $5.000000000e-01, v2;
	_ =	sdelay $0x1  }
0x21f: {  	v2 =	vtrunc.f32 v2  }
0x220: {  	v2 =	vcvt.f32.s32 v2;
	_ =	sdelay $0x1  }
0x221: {  	v2 =	vmul.u32 $0xFFFFFC18, v2;
	_ =	sdelay $0x1  }
0x222: {  	v1 =	vadd.s32 v1, v2  }
0x223: {  	vm13 =	vlt.s32 v1, $0x0;
	v2 =	vadd.s32 $0x3E8, v1  }
0x224: {  	v1 =	vsel vm13, v2, v1  }
0x225: {  	v1 =	vadd.s32 s22, v1  }
0x226: {  	[tilespmem:s1+$0x10] =	vst v1  }
0x227: {  	v1 =	vld [tilespmem:s23+$0x20];
	_ =	sdelay $0x4  }
0x228: {  	v2 =	vcvt.s32.f32 v1;
	_ =	sdelay $0x1  }
0x229: {  	v2 =	vmul.f32 $1.000000050e-03, v2;
	_ =	sdelay $0x1  }
0x22a: {  	v2 =	vadd.f32 $5.000000000e-01, v2;
	_ =	sdelay $0x1  }
0x22b: {  	v2 =	vtrunc.f32 v2  }
0x22c: {  	v2 =	vcvt.f32.s32 v2;
	_ =	sdelay $0x1  }
0x22d: {  	v2 =	vmul.u32 $0xFFFFFC18, v2;
	_ =	sdelay $0x1  }
0x22e: {  	v1 =	vadd.s32 v1, v2  }
0x22f: {  	vm14 =	vlt.s32 v1, $0x0;
	v2 =	vadd.s32 $0x3E8, v1  }
0x230: {  	v1 =	vsel vm14, v2, v1  }
0x231: {  	v1 =	vadd.s32 s22, v1  }
0x232: {  	[tilespmem:s1+$0x20] =	vst v1  }
0x233: {  	v1 =	vld [tilespmem:s23+$0x30];
	_ =	sdelay $0x4  }
0x234: {  	v2 =	vcvt.s32.f32 v1;
	_ =	sdelay $0x1  }
0x235: {  	v2 =	vmul.f32 $1.000000050e-03, v2;
	_ =	sdelay $0x1  }
0x236: {  	v2 =	vadd.f32 $5.000000000e-01, v2;
	_ =	sdelay $0x1  }
0x237: {  	v2 =	vtrunc.f32 v2  }
0x238: {  	v2 =	vcvt.f32.s32 v2;
	_ =	sdelay $0x1  }
0x239: {  	v2 =	vmul.u32 $0xFFFFFC18, v2;
	_ =	sdelay $0x1  }
0x23a: {  	v1 =	vadd.s32 v1, v2  }
0x23b: {  	vm15 =	vlt.s32 v1, $0x0;
	v2 =	vadd.s32 $0x3E8, v1  }
0x23c: {  	v1 =	vsel vm15, v2, v1  }
0x23d: {  	v1 =	vadd.s32 s22, v1  }
0x23e: {  	[tilespmem:s1+$0x30] =	vst v1  }
0x23f: {  	v1 =	vld [tilespmem:s23+$0x40];
	_ =	sdelay $0x4  }
0x240: {  	v2 =	vcvt.s32.f32 v1;
	_ =	sdelay $0x1  }
0x241: {  	v2 =	vmul.f32 $1.000000050e-03, v2;
	_ =	sdelay $0x1  }
0x242: {  	v2 =	vadd.f32 $5.000000000e-01, v2;
	_ =	sdelay $0x1  }
0x243: {  	v2 =	vtrunc.f32 v2  }
0x244: {  	v2 =	vcvt.f32.s32 v2;
	_ =	sdelay $0x1  }
0x245: {  	v2 =	vmul.u32 $0xFFFFFC18, v2;
	_ =	sdelay $0x1  }
0x246: {  	v1 =	vadd.s32 v1, v2  }
0x247: {  	vm4 =	vlt.s32 v1, $0x0;
	v2 =	vadd.s32 $0x3E8, v1  }
0x248: {  	v1 =	vsel vm4, v2, v1  }
0x249: {  	v1 =	vadd.s32 s22, v1  }
0x24a: {  	[tilespmem:s1+$0x40] =	vst v1  }
0x24b: {  	v1 =	vld [tilespmem:s23+$0x50];
	_ =	sdelay $0x4  }
0x24c: {  	v2 =	vcvt.s32.f32 v1;
	_ =	sdelay $0x1  }
0x24d: {  	v2 =	vmul.f32 $1.000000050e-03, v2;
	_ =	sdelay $0x1  }
0x24e: {  	v2 =	vadd.f32 $5.000000000e-01, v2;
	_ =	sdelay $0x1  }
0x24f: {  	v2 =	vtrunc.f32 v2  }
0x250: {  	v2 =	vcvt.f32.s32 v2;
	_ =	sdelay $0x1  }
0x251: {  	v2 =	vmul.u32 $0xFFFFFC18, v2;
	_ =	sdelay $0x1  }
0x252: {  	v1 =	vadd.s32 v1, v2  }
0x253: {  	vm5 =	vlt.s32 v1, $0x0;
	v2 =	vadd.s32 $0x3E8, v1  }
0x254: {  	v1 =	vsel vm5, v2, v1  }
0x255: {  	v1 =	vadd.s32 s22, v1  }
0x256: {  	[tilespmem:s1+$0x50] =	vst v1  }
0x257: {  	v1 =	vld [tilespmem:s23+$0x60];
	_ =	sdelay $0x4  }
0x258: {  	v2 =	vcvt.s32.f32 v1;
	_ =	sdelay $0x1  }
0x259: {  	v2 =	vmul.f32 $1.000000050e-03, v2;
	_ =	sdelay $0x1  }
0x25a: {  	v2 =	vadd.f32 $5.000000000e-01, v2;
	_ =	sdelay $0x1  }
0x25b: {  	v2 =	vtrunc.f32 v2  }
0x25c: {  	v2 =	vcvt.f32.s32 v2;
	_ =	sdelay $0x1  }
0x25d: {  	v2 =	vmul.u32 $0xFFFFFC18, v2;
	_ =	sdelay $0x1  }
0x25e: {  	v1 =	vadd.s32 v1, v2  }
0x25f: {  	vm6 =	vlt.s32 v1, $0x0;
	v2 =	vadd.s32 $0x3E8, v1  }
0x260: {  	v1 =	vsel vm6, v2, v1  }
0x261: {  	v1 =	vadd.s32 s22, v1  }
0x262: {  	[tilespmem:s1+$0x60] =	vst v1  }
0x263: {  	v1 =	vld [tilespmem:s23+$0x70];
	_ =	sdelay $0x4  }
0x264: {  	v2 =	vcvt.s32.f32 v1;
	_ =	sdelay $0x1  }
0x265: {  	v2 =	vmul.f32 $1.000000050e-03, v2;
	_ =	sdelay $0x1  }
0x266: {  	v2 =	vadd.f32 $5.000000000e-01, v2;
	_ =	sdelay $0x1  }
0x267: {  	v2 =	vtrunc.f32 v2  }
0x268: {  	v2 =	vcvt.f32.s32 v2;
	_ =	sdelay $0x1  }
0x269: {  	v2 =	vmul.u32 $0xFFFFFC18, v2;
	_ =	sdelay $0x1  }
0x26a: {  	v1 =	vadd.s32 v1, v2  }
0x26b: {  	vm7 =	vlt.s32 v1, $0x0;
	v2 =	vadd.s32 $0x3E8, v1  }
0x26c: {  	v1 =	vsel vm7, v2, v1  }
0x26d: {  	v1 =	vadd.s32 s22, v1  }
0x26e: {  	[tilespmem:s1+$0x70] =	vst v1  }
0x26f: {  	v1 =	vld [tilespmem:$0x1900];
	_ =	sdelay $0x1  }
0x270: {  	v2 =	vld [tilespmem:$0x1910]  }
0x271: {  	v5 =	vld [tilespmem:$0x1920];
	_ =	sdelay $0x1  }
0x272: {  	v3 =	vcvt.s32.f32 v1  }
0x273: {  	v12 =	vld [tilespmem:$0x1970]  }
0x274: {  	v6 =	vld [tilespmem:$0x1930];
	v4 =	vcvt.s32.f32 v2;
	v3 =	vmul.f32 $1.000000050e-03, v3  }
0x275: {  	v7 =	vcvt.s32.f32 v5  }
0x276: {  	v4 =	vmul.f32 $1.000000050e-03, v4;
	v3 =	vadd.f32 $5.000000000e-01, v3  }
0x277: {  	v8 =	vld [tilespmem:$0x1940];
	v7 =	vmul.f32 $1.000000050e-03, v7  }
0x278: {  	v9 =	vld [tilespmem:$0x1950];
	v13 =	vcvt.s32.f32 v12;
	v4 =	vadd.f32 $5.000000000e-01, v4;
	v3 =	vtrunc.f32 v3  }
0x279: {  	v11 =	vld [tilespmem:$0x1960];
	v51 =	vcvt.s32.f32 v6;
	v7 =	vadd.f32 $5.000000000e-01, v7;
	v3 =	vcvt.f32.s32 v3  }
0x27a: {  	v13 =	vmul.f32 $1.000000050e-03, v13;
	v4 =	vtrunc.f32 v4  }
0x27b: {  	v7 =	vtrunc.f32 v7;
	v4 =	vcvt.f32.s32 v4;
	v3 =	vmul.u32 $0xFFFFFC18, v3  }
0x27c: {  	v52 =	vcvt.s32.f32 v8;
	v7 =	vcvt.f32.s32 v7  }
0x27d: {  	v57 =	vadd.f32 $5.000000000e-01, v13;
	v1 =	vadd.s32 v1, v3;
	v3 =	vmul.u32 $0xFFFFFC18, v4  }
0x27e: {  	v54 =	vcvt.s32.f32 v9;
	v55 =	vcvt.s32.f32 v11;
	v7 =	vmul.u32 $0xFFFFFC18, v7  }
0x27f: {  	v58 =	vtrunc.f32 v57;
	v2 =	vadd.s32 v2, v3;
	v3 =	vmul.f32 $1.000000050e-03, v51  }
0x280: {  	v4 =	vmul.f32 $1.000000050e-03, v52;
	v5 =	vadd.s32 v5, v7;
	v7 =	vmul.f32 $1.000000050e-03, v55  }
0x281: {  	vm8 =	vlt.s32 v1, $0x0;
	vm10 =	vlt.s32 v5, $0x0;
	v3 =	vadd.f32 $5.000000000e-01, v3  }
0x282: {  	v10 =	vsel vm8, $0x701D, v0;
	v4 =	vadd.f32 $5.000000000e-01, v4;
	v14 =	vsel vm10, $0x701D, v0  }
0x283: {  	v1 =	vadd.s32 v1, v10;
	v10 =	vmul.f32 $1.000000050e-03, v54;
	v3 =	vtrunc.f32 v3  }
0x284: {  	v7 =	vadd.f32 $5.000000000e-01, v7;
	v4 =	vtrunc.f32 v4;
	v3 =	vcvt.f32.s32 v3  }
0x285: {  	vm9 =	vlt.s32 v2, $0x0;
	v4 =	vcvt.f32.s32 v4;
	v10 =	vadd.f32 $5.000000000e-01, v10  }
0x286: {  	v5 =	vadd.s32 v5, v14;
	v53 =	vsel vm9, $0x701D, v0;
	v3 =	vmul.u32 $0xFFFFFC18, v3  }
0x287: {  	v7 =	vtrunc.f32 v7;
	v4 =	vmul.u32 $0xFFFFFC18, v4;
	v56 =	vtrunc.f32 v10  }
0x288: {  	v2 =	vadd.s32 v2, v53;
	v3 =	vadd.s32 v6, v3;
	v6 =	vcvt.f32.s32 v56  }
0x289: {  	v7 =	vcvt.f32.s32 v7;
	v4 =	vadd.s32 v8, v4;
	vm11 =	vlt.s32 v3, $0x0  }
0x28a: {  	v8 =	vcvt.f32.s32 v58;
	v59 =	vsel vm11, $0x701D, v0;
	v6 =	vmul.u32 $0xFFFFFC18, v6  }
0x28b: {  	[tilespmem:$0x3500] =	vst v1;
	vm12 =	vlt.s32 v4, $0x0;
	v1 =	vadd.s32 v3, v59;
	v3 =	vmul.u32 $0xFFFFFC18, v7  }
0x28c: {  	[tilespmem:$0x3510] =	vst v2;
	v60 =	vsel vm12, $0x701D, v0;
	v61 =	vmul.u32 $0xFFFFFC18, v8;
	v2 =	vadd.s32 v9, v6  }
0x28d: {  	[tilespmem:$0x3520] =	vst v5;
	v4 =	vadd.s32 v4, v60;
	v3 =	vadd.s32 v11, v3;
	vm13 =	vlt.s32 v2, $0x0  }
0x28e: {  	[tilespmem:$0x3530] =	vst v1;
	v1 =	vadd.s32 v12, v61;
	v62 =	vsel vm13, $0x701D, v0;
	vm14 =	vlt.s32 v3, $0x0  }
0x28f: {  	[tilespmem:$0x3540] =	vst v4;
	vm15 =	vlt.s32 v1, $0x0;
	v2 =	vadd.s32 v2, v62;
	v63 =	vsel vm14, $0x701D, v0  }
0x290: {  	[tilespmem:$0x3550] =	vst v2;
	v2 =	vadd.s32 v3, v63;
	v3 =	vsel vm15, $0x701D, v0  }
0x291: {  	[tilespmem:$0x3560] =	vst v2;
	v1 =	vadd.s32 v1, v3  }
0x292: {  	s5 =	simm.s32 $0x1C00;
	[tilespmem:$0x3570] =	vst v1  }
0x293: {  	[tilespmem:s31], [sflag:$0x1] =	stream.indirect.gather [hbm4b:s4+s29], $0x80, s5, s29, $0xb8;
	[tilespmem:$0x1F800] =	vst v63  }
0x294: {  	_ = 	snop  }
0x295: {  	[tilespmem:s2], [sflag:$0x2] =	stream.indirect.gather [hbm4b:s4+s29], $0x80, s0, s29, $0xb8;
	[tilespmem:$0x1F800] =	vst v63  }
0x296: {  	s22 =	simm.s32 $0x1D00  }
0x297: {  	[tilespmem:s25], [sflag:$0x3] =	stream.indirect.gather [hbm4b:s4+s29], $0x80, s22, s29, $0xb8;
	[tilespmem:$0x1F800] =	vst v63  }
0x298: {  	s23 =	simm.s32 $0x1D80  }
0x299: {  	[tilespmem:s30], [sflag:$0x4] =	stream.indirect.gather [hbm4b:s4+s29], $0x80, s23, s29, $0xb8;
	[tilespmem:$0x1F800] =	vst v63  }
0x29a: {  	s28 =	simm.s32 $0x1E00  }
0x29b: {  	[tilespmem:s26], [sflag:$0x5] =	stream.indirect.gather [hbm4b:s4+s29], $0x80, s28, s29, $0xb8;
	[tilespmem:$0x1F800] =	vst v63  }
0x29c: {  	s5 =	simm.s32 $0x1E80  }
0x29d: {  	[tilespmem:s24], [sflag:$0x6] =	stream.indirect.gather [hbm4b:s4+s29], $0x80, s5, s29, $0xb8;
	[tilespmem:$0x1F800] =	vst v63  }
0x29e: {  	_ =	swait.ge [sflag:s6], $0x4000  }
0x29f: {  	[sflag:s6] =	ssyncset.done $0x0  }
0x2a0: {  	s1 =	simm.s32 $0x0;
	s22 =	rddreg [dreg:$0xd];
	[sflag:s6] =	ssyncadd.s32 $0xFFFFC000  }
0x2a1: {  	[hbm4b:s22+s1] =	stream.linear.scatter [tilespmem:s31], [sflag:$0x8], $0x4000, $0x38;
	[tilespmem:$0x1F800] =	vst v63  }
0x2a2: {  	s23 =	simm.s32 $0x1F00  }
0x2a3: {  	[tilespmem:s7], [sflag:$0x7] =	stream.indirect.gather [hbm4b:s4+s29], $0x80, s23, s29, $0xb8;
	[tilespmem:$0x1F800] =	vst v63  }
0x2a4: {  	_ =	swait.ge [sflag:s8], $0x4000  }
0x2a5: {  	[sflag:s8] =	ssyncset.done $0x0  }
0x2a6: {  	s28 =	rddreg [dreg:$0xe];
	[sflag:s8] =	ssyncadd.s32 $0xFFFFC000  }
0x2a7: {  	[hbm4b:s28+s1] =	stream.linear.scatter [tilespmem:s2], [sflag:$0x9], $0x4000, $0x38;
	[tilespmem:$0x1F800] =	vst v63  }
0x2a8: {  	_ =	swait.ge [sflag:s9], $0x4000  }
0x2a9: {  	[sflag:s9] =	ssyncset.done $0x0  }
0x2aa: {  	s22 =	simm.s32 $0x1F80;
	[sflag:s9] =	ssyncadd.s32 $0xFFFFC000  }
0x2ab: {  	[tilespmem:s31], [sflag:$0x1] =	stream.indirect.gather [hbm4b:s4+s29], $0x80, s22, s29, $0xb8;
	[tilespmem:$0x1F800] =	vst v63  }
0x2ac: {  	_ =	swait.ge [sflag:s10], $0x4000  }
0x2ad: {  	[sflag:s10] =	ssyncset.done $0x0  }
0x2ae: {  	s23 =	rddreg [dreg:$0xf];
	[sflag:s10] =	ssyncadd.s32 $0xFFFFC000  }
0x2af: {  	[hbm4b:s23+s1] =	stream.linear.scatter [tilespmem:s25], [sflag:$0xA], $0x4000, $0x38;
	[tilespmem:$0x1F800] =	vst v63  }
0x2b0: {  	_ =	swait.ge [sflag:s11], $0x4000  }
0x2b1: {  	[sflag:s11] =	ssyncset.done $0x0  }
0x2b2: {  	s28 =	simm.s32 $0x2000;
	[sflag:s11] =	ssyncadd.s32 $0xFFFFC000  }
0x2b3: {  	[tilespmem:s2], [sflag:$0x2] =	stream.indirect.gather [hbm4b:s4+s29], $0x80, s28, s29, $0xb8;
	[tilespmem:$0x1F800] =	vst v63  }
0x2b4: {  	_ =	swait.ge [sflag:s12], $0x4000  }
0x2b5: {  	[sflag:s12] =	ssyncset.done $0x0  }
0x2b6: {  	s22 =	rddreg [dreg:$0x10];
	[sflag:s12] =	ssyncadd.s32 $0xFFFFC000  }
0x2b7: {  	[hbm4b:s22+s1] =	stream.linear.scatter [tilespmem:s30], [sflag:$0xB], $0x4000, $0x38;
	[tilespmem:$0x1F800] =	vst v63  }
0x2b8: {  	_ =	swait.ge [sflag:s13], $0x4000  }
0x2b9: {  	[sflag:s13] =	ssyncset.done $0x0  }
0x2ba: {  	s23 =	simm.s32 $0x2080;
	[sflag:s13] =	ssyncadd.s32 $0xFFFFC000  }
0x2bb: {  	[tilespmem:s25], [sflag:$0x3] =	stream.indirect.gather [hbm4b:s4+s29], $0x80, s23, s29, $0xb8;
	[tilespmem:$0x1F800] =	vst v63  }
0x2bc: {  	_ =	swait.ge [sflag:s14], $0x4000  }
0x2bd: {  	[sflag:s14] =	ssyncset.done $0x0  }
0x2be: {  	s28 =	rddreg [dreg:$0x11];
	[sflag:s14] =	ssyncadd.s32 $0xFFFFC000  }
0x2bf: {  	[hbm4b:s28+s1] =	stream.linear.scatter [tilespmem:s26], [sflag:$0xC], $0x4000, $0x38;
	[tilespmem:$0x1F800] =	vst v63  }
0x2c0: {  	_ =	swait.ge [sflag:s15], $0x4000  }
0x2c1: {  	[sflag:s15] =	ssyncset.done $0x0  }
0x2c2: {  	s22 =	simm.s32 $0x2100;
	[sflag:s15] =	ssyncadd.s32 $0xFFFFC000  }
0x2c3: {  	[tilespmem:s30], [sflag:$0x4] =	stream.indirect.gather [hbm4b:s4+s29], $0x80, s22, s29, $0xb8;
	[tilespmem:$0x1F800] =	vst v63  }
0x2c4: {  	_ =	swait.ge [sflag:s16], $0x4000  }
0x2c5: {  	[sflag:s16] =	ssyncset.done $0x0  }
0x2c6: {  	s23 =	rddreg [dreg:$0x12];
	[sflag:s16] =	ssyncadd.s32 $0xFFFFC000  }
0x2c7: {  	[hbm4b:s23+s1] =	stream.linear.scatter [tilespmem:s24], [sflag:$0xD], $0x4000, $0x38;
	[tilespmem:$0x1F800] =	vst v63  }
0x2c8: {  	_ =	swait.ge [sflag:s17], $0x4000  }
0x2c9: {  	[sflag:s17] =	ssyncset.done $0x0  }
0x2ca: {  	s28 =	simm.s32 $0x2180;
	[sflag:s17] =	ssyncadd.s32 $0xFFFFC000  }
0x2cb: {  	[tilespmem:s26], [sflag:$0x5] =	stream.indirect.gather [hbm4b:s4+s29], $0x80, s28, s29, $0xb8;
	[tilespmem:$0x1F800] =	vst v63  }
0x2cc: {  	_ =	swait.ge [sflag:s18], $0x4000  }
0x2cd: {  	[sflag:s18] =	ssyncset.done $0x0  }
0x2ce: {  	s22 =	rddreg [dreg:$0x13];
	[sflag:s18] =	ssyncadd.s32 $0xFFFFC000  }
0x2cf: {  	[hbm4b:s22+s1] =	stream.linear.scatter [tilespmem:s7], [sflag:$0xE], $0x4000, $0x38;
	[tilespmem:$0x1F800] =	vst v63  }
0x2d0: {  	_ =	swait.ge [sflag:s19], $0x4000  }
0x2d1: {  	[sflag:s19] =	ssyncset.done $0x0  }
0x2d2: {  	s23 =	simm.s32 $0x2200;
	[sflag:s19] =	ssyncadd.s32 $0xFFFFC000  }
0x2d3: {  	[tilespmem:s24], [sflag:$0x6] =	stream.indirect.gather [hbm4b:s4+s29], $0x80, s23, s29, $0xb8;
	[tilespmem:$0x1F800] =	vst v63  }
0x2d4: {  	_ =	swait.ge [sflag:s6], $0x4000  }
0x2d5: {  	[sflag:s6] =	ssyncset.done $0x0  }
0x2d6: {  	s28 =	rddreg [dreg:$0x9];
	[sflag:s6] =	ssyncadd.s32 $0xFFFFC000  }
0x2d7: {  	s5 =	rddreg [dreg:$0x2]  }
0x2d8: {  	s1 =	sadd.s32 s5, s28  }
0x2d9: {  	[hbm4b:s1+s3] =	stream.linear.scatter [tilespmem:s31], [sflag:$0x8], $0x4000, $0x38;
	[tilespmem:$0x1F800] =	vst v63  }
0x2da: {  	_ =	swait.ge [sflag:s20], $0x4000  }
0x2db: {  	[sflag:s20] =	ssyncset.done $0x0  }
0x2dc: {  	s22 =	simm.s32 $0x2280;
	[sflag:s20] =	ssyncadd.s32 $0xFFFFC000  }
0x2dd: {  	[tilespmem:s7], [sflag:$0x7] =	stream.indirect.gather [hbm4b:s4+s29], $0x80, s22, s29, $0xb8;
	[tilespmem:$0x1F800] =	vst v63  }
0x2de: {  	_ =	swait.ge [sflag:s8], $0x4000  }
0x2df: {  	s23 =	rddreg [dreg:$0x8];
	[sflag:s8] =	ssyncset.done $0x0  }
0x2e0: {  	[sflag:s8] =	ssyncadd.s32 $0xFFFFC000;
	s1 =	sadd.s32 s5, s23  }
0x2e1: {  	[hbm4b:s1+s3] =	stream.linear.scatter [tilespmem:s2], [sflag:$0x9], $0x4000, $0x38;
	[tilespmem:$0x1F800] =	vst v63  }
0x2e2: {  	_ =	swait.ge [sflag:s9], $0x4000  }
0x2e3: {  	[sflag:s9] =	ssyncset.done $0x0  }
0x2e4: {  	s28 =	simm.s32 $0x2300;
	[sflag:s9] =	ssyncadd.s32 $0xFFFFC000  }
0x2e5: {  	[tilespmem:s31], [sflag:$0x1] =	stream.indirect.gather [hbm4b:s4+s29], $0x80, s28, s29, $0xb8;
	[tilespmem:$0x1F800] =	vst v63  }
0x2e6: {  	_ =	swait.ge [sflag:s10], $0x4000  }
0x2e7: {  	s22 =	rddreg [dreg:$0x7];
	[sflag:s10] =	ssyncset.done $0x0  }
0x2e8: {  	[sflag:s10] =	ssyncadd.s32 $0xFFFFC000;
	s1 =	sadd.s32 s5, s22  }
0x2e9: {  	[hbm4b:s1+s3] =	stream.linear.scatter [tilespmem:s25], [sflag:$0xA], $0x4000, $0x38;
	[tilespmem:$0x1F800] =	vst v63  }
0x2ea: {  	_ =	swait.ge [sflag:s11], $0x4000  }
0x2eb: {  	[sflag:s11] =	ssyncset.done $0x0  }
0x2ec: {  	s23 =	simm.s32 $0x2380;
	[sflag:s11] =	ssyncadd.s32 $0xFFFFC000  }
0x2ed: {  	[tilespmem:s2], [sflag:$0x2] =	stream.indirect.gather [hbm4b:s4+s29], $0x80, s23, s29, $0xb8;
	[tilespmem:$0x1F800] =	vst v63  }
0x2ee: {  	_ =	swait.ge [sflag:s12], $0x4000  }
0x2ef: {  	s28 =	rddreg [dreg:$0x6];
	[sflag:s12] =	ssyncset.done $0x0  }
0x2f0: {  	[sflag:s12] =	ssyncadd.s32 $0xFFFFC000;
	s1 =	sadd.s32 s5, s28  }
0x2f1: {  	[hbm4b:s1+s3] =	stream.linear.scatter [tilespmem:s30], [sflag:$0xB], $0x4000, $0x38;
	[tilespmem:$0x1F800] =	vst v63  }
0x2f2: {  	_ =	swait.ge [sflag:s13], $0x4000  }
0x2f3: {  	[sflag:s13] =	ssyncset.done $0x0  }
0x2f4: {  	s22 =	simm.s32 $0x2400;
	[sflag:s13] =	ssyncadd.s32 $0xFFFFC000  }
0x2f5: {  	[tilespmem:s25], [sflag:$0x3] =	stream.indirect.gather [hbm4b:s4+s29], $0x80, s22, s29, $0xb8;
	[tilespmem:$0x1F800] =	vst v63  }
0x2f6: {  	_ =	swait.ge [sflag:s14], $0x4000  }
0x2f7: {  	s23 =	rddreg [dreg:$0x5];
	[sflag:s14] =	ssyncset.done $0x0  }
0x2f8: {  	[sflag:s14] =	ssyncadd.s32 $0xFFFFC000;
	s1 =	sadd.s32 s5, s23  }
0x2f9: {  	[hbm4b:s1+s3] =	stream.linear.scatter [tilespmem:s26], [sflag:$0xC], $0x4000, $0x38;
	[tilespmem:$0x1F800] =	vst v63  }
0x2fa: {  	_ =	swait.ge [sflag:s15], $0x4000  }
0x2fb: {  	[sflag:s15] =	ssyncset.done $0x0  }
0x2fc: {  	s28 =	simm.s32 $0x2480;
	[sflag:s15] =	ssyncadd.s32 $0xFFFFC000  }
0x2fd: {  	[tilespmem:s30], [sflag:$0x4] =	stream.indirect.gather [hbm4b:s4+s29], $0x80, s28, s29, $0xb8;
	[tilespmem:$0x1F800] =	vst v63  }
0x2fe: {  	_ =	swait.ge [sflag:s16], $0x4000  }
0x2ff: {  	s22 =	rddreg [dreg:$0x4];
	[sflag:s16] =	ssyncset.done $0x0  }
0x300: {  	[sflag:s16] =	ssyncadd.s32 $0xFFFFC000;
	s1 =	sadd.s32 s5, s22  }
0x301: {  	[hbm4b:s1+s3] =	stream.linear.scatter [tilespmem:s24], [sflag:$0xD], $0x4000, $0x38;
	[tilespmem:$0x1F800] =	vst v63  }
0x302: {  	_ =	swait.ge [sflag:s17], $0x4000  }
0x303: {  	[sflag:s17] =	ssyncset.done $0x0  }
0x304: {  	s23 =	simm.s32 $0x2500;
	[sflag:s17] =	ssyncadd.s32 $0xFFFFC000  }
0x305: {  	[tilespmem:s26], [sflag:$0x5] =	stream.indirect.gather [hbm4b:s4+s29], $0x80, s23, s29, $0xb8;
	[tilespmem:$0x1F800] =	vst v63  }
0x306: {  	_ =	swait.ge [sflag:s18], $0x4000  }
0x307: {  	s28 =	rddreg [dreg:$0xa];
	[sflag:s18] =	ssyncset.done $0x0  }
0x308: {  	[sflag:s18] =	ssyncadd.s32 $0xFFFFC000;
	s1 =	sadd.s32 s5, s28  }
0x309: {  	[hbm4b:s1+s3] =	stream.linear.scatter [tilespmem:s7], [sflag:$0xE], $0x4000, $0x38;
	[tilespmem:$0x1F800] =	vst v63  }
0x30a: {  	_ =	swait.ge [sflag:s19], $0x4000  }
0x30b: {  	s22 =	simm.s32 $0x2580;
	[sflag:s19] =	ssyncset.done $0x0  }
0x30c: {  	s5 =	sadd.s32 $0x150000, s5;
	s1 =	simm.s32 $0xE00;
	[sflag:s19] =	ssyncadd.s32 $0xFFFFC000  }
.LBB2_4:
0x30d: {  	[tilespmem:s24], [sflag:$0x6] =	stream.indirect.gather [hbm4b:s4+s29], $0x80, s22, s29, $0xb8;
	[tilespmem:$0x1F800] =	vst v63  }
0x30e: {  	_ =	swait.ge [sflag:s6], $0x4000  }
0x30f: {  	s23 =	rddreg [dreg:$0x9];
	[sflag:s6] =	ssyncset.done $0x0  }
0x310: {  	[sflag:s6] =	ssyncadd.s32 $0xFFFFC000;
	s23 =	sadd.s32 s5, s23  }
0x311: {  	[hbm4b:s23+s3] =	stream.linear.scatter [tilespmem:s31], [sflag:$0x8], $0x4000, $0x38;
	[tilespmem:$0x1F800] =	vst v63  }
0x312: {  	s28 =	smov.u32 s1;
	_ =	swait.ge [sflag:s20], $0x4000  }
0x313: {  	s22 =	sshra.s32 s28, $0x2;
	[sflag:s20] =	ssyncset.done $0x0  }
0x314: {  	s28 =	sadd.s32 $0x2280, s22;
	[sflag:s20] =	ssyncadd.s32 $0xFFFFC000  }
0x315: {  	[tilespmem:s7], [sflag:$0x7] =	stream.indirect.gather [hbm4b:s4+s29], $0x80, s28, s29, $0xb8;
	[tilespmem:$0x1F800] =	vst v63  }
0x316: {  	_ =	swait.ge [sflag:s8], $0x4000  }
0x317: {  	s28 =	rddreg [dreg:$0x8];
	[sflag:s8] =	ssyncset.done $0x0  }
0x318: {  	[sflag:s8] =	ssyncadd.s32 $0xFFFFC000;
	s23 =	sadd.s32 s5, s28  }
0x319: {  	[hbm4b:s23+s3] =	stream.linear.scatter [tilespmem:s2], [sflag:$0x9], $0x4000, $0x38;
	[tilespmem:$0x1F800] =	vst v63  }
0x31a: {  	_ =	swait.ge [sflag:s9], $0x4000  }
0x31b: {  	[sflag:s9] =	ssyncset.done $0x0  }
0x31c: {  	s28 =	sadd.s32 $0x2300, s22;
	[sflag:s9] =	ssyncadd.s32 $0xFFFFC000  }
0x31d: {  	[tilespmem:s31], [sflag:$0x1] =	stream.indirect.gather [hbm4b:s4+s29], $0x80, s28, s29, $0xb8;
	[tilespmem:$0x1F800] =	vst v63  }
0x31e: {  	_ =	swait.ge [sflag:s10], $0x4000  }
0x31f: {  	s28 =	rddreg [dreg:$0x7];
	[sflag:s10] =	ssyncset.done $0x0  }
0x320: {  	[sflag:s10] =	ssyncadd.s32 $0xFFFFC000;
	s23 =	sadd.s32 s5, s28  }
0x321: {  	[hbm4b:s23+s3] =	stream.linear.scatter [tilespmem:s25], [sflag:$0xA], $0x4000, $0x38;
	[tilespmem:$0x1F800] =	vst v63  }
0x322: {  	_ =	swait.ge [sflag:s11], $0x4000  }
0x323: {  	[sflag:s11] =	ssyncset.done $0x0  }
0x324: {  	s28 =	sadd.s32 $0x2380, s22;
	[sflag:s11] =	ssyncadd.s32 $0xFFFFC000  }
0x325: {  	[tilespmem:s2], [sflag:$0x2] =	stream.indirect.gather [hbm4b:s4+s29], $0x80, s28, s29, $0xb8;
	[tilespmem:$0x1F800] =	vst v63  }
0x326: {  	_ =	swait.ge [sflag:s12], $0x4000  }
0x327: {  	s28 =	rddreg [dreg:$0x6];
	[sflag:s12] =	ssyncset.done $0x0  }
0x328: {  	[sflag:s12] =	ssyncadd.s32 $0xFFFFC000;
	s23 =	sadd.s32 s5, s28  }
0x329: {  	[hbm4b:s23+s3] =	stream.linear.scatter [tilespmem:s30], [sflag:$0xB], $0x4000, $0x38;
	[tilespmem:$0x1F800] =	vst v63  }
0x32a: {  	_ =	swait.ge [sflag:s13], $0x4000  }
0x32b: {  	[sflag:s13] =	ssyncset.done $0x0  }
0x32c: {  	s28 =	sadd.s32 $0x2400, s22;
	[sflag:s13] =	ssyncadd.s32 $0xFFFFC000  }
0x32d: {  	[tilespmem:s25], [sflag:$0x3] =	stream.indirect.gather [hbm4b:s4+s29], $0x80, s28, s29, $0xb8;
	[tilespmem:$0x1F800] =	vst v63  }
0x32e: {  	_ =	swait.ge [sflag:s14], $0x4000  }
0x32f: {  	s28 =	rddreg [dreg:$0x5];
	[sflag:s14] =	ssyncset.done $0x0  }
0x330: {  	[sflag:s14] =	ssyncadd.s32 $0xFFFFC000;
	s23 =	sadd.s32 s5, s28  }
0x331: {  	[hbm4b:s23+s3] =	stream.linear.scatter [tilespmem:s26], [sflag:$0xC], $0x4000, $0x38;
	[tilespmem:$0x1F800] =	vst v63  }
0x332: {  	_ =	swait.ge [sflag:s15], $0x4000  }
0x333: {  	[sflag:s15] =	ssyncset.done $0x0  }
0x334: {  	s28 =	sadd.s32 $0x2480, s22;
	[sflag:s15] =	ssyncadd.s32 $0xFFFFC000  }
0x335: {  	[tilespmem:s30], [sflag:$0x4] =	stream.indirect.gather [hbm4b:s4+s29], $0x80, s28, s29, $0xb8;
	[tilespmem:$0x1F800] =	vst v63  }
0x336: {  	_ =	swait.ge [sflag:s16], $0x4000  }
0x337: {  	s28 =	rddreg [dreg:$0x4];
	[sflag:s16] =	ssyncset.done $0x0  }
0x338: {  	[sflag:s16] =	ssyncadd.s32 $0xFFFFC000;
	s23 =	sadd.s32 s5, s28  }
0x339: {  	[hbm4b:s23+s3] =	stream.linear.scatter [tilespmem:s24], [sflag:$0xD], $0x4000, $0x38;
	[tilespmem:$0x1F800] =	vst v63  }
0x33a: {  	_ =	swait.ge [sflag:s17], $0x4000  }
0x33b: {  	[sflag:s17] =	ssyncset.done $0x0  }
0x33c: {  	s28 =	sadd.s32 $0x2500, s22;
	[sflag:s17] =	ssyncadd.s32 $0xFFFFC000  }
0x33d: {  	[tilespmem:s26], [sflag:$0x5] =	stream.indirect.gather [hbm4b:s4+s29], $0x80, s28, s29, $0xb8;
	[tilespmem:$0x1F800] =	vst v63  }
0x33e: {  	_ =	swait.ge [sflag:s18], $0x4000  }
0x33f: {  	p0 =	sne.s32 s1, $0x3800;
	s28 =	rddreg [dreg:$0xa];
	[sflag:s18] =	ssyncset.done $0x0  }
.Ltmp1:
0x340: {  	[sflag:s18] =	ssyncadd.s32 $0xFFFFC000;
	s23 =	sadd.s32 s5, s28;
	(pc) =	sbr.rel @p0 .LBB2_4-.Ltmp1, $4  }
0x341: {  	[hbm4b:s23+s3] =	stream.linear.scatter [tilespmem:s7], [sflag:$0xE], $0x4000, $0x38;
	[tilespmem:$0x1F800] =	vst v63  }
0x342: {  	_ =	swait.ge [sflag:s19], $0x4000  }
0x343: {  	s1 =	sadd.s32 $0xE00, s1;
	[sflag:s19] =	ssyncset.done $0x0  }
0x344: {  	s22 =	sadd.s32 $0x2580, s22;
	s5 =	sadd.s32 $0x150000, s5;
	[sflag:s19] =	ssyncadd.s32 $0xFFFFC000  }
0x345: {  	[tilespmem:s24], [sflag:$0x6] =	stream.indirect.gather [hbm4b:s4+s29], $0x80, s22, s29, $0xb8;
	[tilespmem:$0x1F800] =	vst v63  }
0x346: {  	_ =	swait.ge [sflag:s6], $0x4000  }
0x347: {  	[sflag:s6] =	ssyncset.done $0x0  }
0x348: {  	s1 =	rddreg [dreg:$0x14];
	[sflag:s6] =	ssyncadd.s32 $0xFFFFC000  }
0x349: {  	[hbm4b:s1+s3] =	stream.linear.scatter [tilespmem:s31], [sflag:$0x8], $0x4000, $0x38;
	[tilespmem:$0x1F800] =	vst v63  }
0x34a: {  	_ =	swait.ge [sflag:s20], $0x4000  }
0x34b: {  	[sflag:s20] =	ssyncset.done $0x0  }
0x34c: {  	s5 =	simm.s32 $0x3400;
	[sflag:s20] =	ssyncadd.s32 $0xFFFFC000  }
0x34d: {  	[tilespmem:s7], [sflag:$0x7] =	stream.indirect.gather [hbm4b:s4+s29], $0x80, s5, s29, $0xb8;
	[tilespmem:$0x1F800] =	vst v63  }
0x34e: {  	_ =	swait.ge [sflag:s8], $0x4000  }
0x34f: {  	[sflag:s8] =	ssyncset.done $0x0  }
0x350: {  	s22 =	rddreg [dreg:$0x15];
	[sflag:s8] =	ssyncadd.s32 $0xFFFFC000  }
0x351: {  	[hbm4b:s22+s3] =	stream.linear.scatter [tilespmem:s2], [sflag:$0x9], $0x4000, $0x38;
	[tilespmem:$0x1F800] =	vst v63  }
0x352: {  	_ =	swait.ge [sflag:s9], $0x4000  }
0x353: {  	[sflag:s9] =	ssyncset.done $0x0  }
0x354: {  	s23 =	simm.s32 $0x3480;
	[sflag:s9] =	ssyncadd.s32 $0xFFFFC000  }
0x355: {  	[tilespmem:s31], [sflag:$0x1] =	stream.indirect.gather [hbm4b:s4+s29], $0x80, s23, s29, $0xb8;
	[tilespmem:$0x1F800] =	vst v63  }
0x356: {  	_ =	swait.ge [sflag:s10], $0x4000  }
0x357: {  	[sflag:s10] =	ssyncset.done $0x0  }
0x358: {  	s28 =	rddreg [dreg:$0x16];
	[sflag:s10] =	ssyncadd.s32 $0xFFFFC000  }
0x359: {  	[hbm4b:s28+s3] =	stream.linear.scatter [tilespmem:s25], [sflag:$0xA], $0x4000, $0x38;
	[tilespmem:$0x1F800] =	vst v63  }
0x35a: {  	_ =	swait.ge [sflag:s11], $0x4000  }
0x35b: {  	[sflag:s11] =	ssyncset.done $0x0  }
0x35c: {  	s5 =	simm.s32 $0x3500;
	[sflag:s11] =	ssyncadd.s32 $0xFFFFC000  }
0x35d: {  	[tilespmem:s2], [sflag:$0x2] =	stream.indirect.gather [hbm4b:s4+s29], $0x80, s5, s29, $0xb8;
	[tilespmem:$0x1F800] =	vst v63  }
0x35e: {  	_ =	swait.ge [sflag:s12], $0x4000  }
0x35f: {  	[sflag:s12] =	ssyncset.done $0x0  }
0x360: {  	s22 =	rddreg [dreg:$0x17];
	[sflag:s12] =	ssyncadd.s32 $0xFFFFC000  }
0x361: {  	[hbm4b:s22+s3] =	stream.linear.scatter [tilespmem:s30], [sflag:$0xB], $0x4000, $0x38;
	[tilespmem:$0x1F800] =	vst v63  }
0x362: {  	_ =	swait.ge [sflag:s14], $0x4000  }
0x363: {  	[sflag:s14] =	ssyncset.done $0x0  }
0x364: {  	s23 =	rddreg [dreg:$0x18];
	[sflag:s14] =	ssyncadd.s32 $0xFFFFC000  }
0x365: {  	[hbm4b:s23+s3] =	stream.linear.scatter [tilespmem:s26], [sflag:$0xC], $0x4000, $0x38;
	[tilespmem:$0x1F800] =	vst v63  }
0x366: {  	_ =	swait.ge [sflag:s16], $0x4000  }
0x367: {  	[sflag:s16] =	ssyncset.done $0x0  }
0x368: {  	s28 =	rddreg [dreg:$0x19];
	[sflag:s16] =	ssyncadd.s32 $0xFFFFC000  }
0x369: {  	[hbm4b:s28+s3] =	stream.linear.scatter [tilespmem:s24], [sflag:$0xD], $0x4000, $0x38;
	[tilespmem:$0x1F800] =	vst v63  }
0x36a: {  	_ =	swait.ge [sflag:s18], $0x4000  }
0x36b: {  	[sflag:s18] =	ssyncset.done $0x0  }
0x36c: {  	s5 =	rddreg [dreg:$0x1a];
	[sflag:s18] =	ssyncadd.s32 $0xFFFFC000  }
0x36d: {  	[hbm4b:s5+s3] =	stream.linear.scatter [tilespmem:s7], [sflag:$0xE], $0x4000, $0x38;
	[tilespmem:$0x1F800] =	vst v63  }
0x36e: {  	_ =	swait.ge [sflag:s6], $0x4000  }
0x36f: {  	[sflag:s6] =	ssyncset.done $0x0  }
0x370: {  	s22 =	rddreg [dreg:$0x1b];
	[sflag:s6] =	ssyncadd.s32 $0xFFFFC000  }
0x371: {  	[hbm4b:s22+s3] =	stream.linear.scatter [tilespmem:s31], [sflag:$0x8], $0x4000, $0x38;
	[tilespmem:$0x1F800] =	vst v63  }
0x372: {  	_ =	swait.ge [sflag:s8], $0x4000  }
0x373: {  	[sflag:s8] =	ssyncset.done $0x0  }
0x374: {  	s23 =	rddreg [dreg:$0x1c];
	[sflag:s8] =	ssyncadd.s32 $0xFFFFC000  }
0x375: {  	[hbm4b:s23+s3] =	stream.linear.scatter [tilespmem:s2], [sflag:$0x9], $0x4000, $0x38;
	[tilespmem:$0x1F800] =	vst v63  }
0x376: {  	_ =	swait.ge [sflag:s9], $0x4000  }
0x377: {  	[sflag:s9] =	ssyncset.done $0x0  }
0x378: {  	[sflag:s9] =	ssyncadd.s32 $0xFFFFC000  }
0x379: {  	_ =	swait.ge [sflag:s11], $0x4000  }
0x37a: {  	[sflag:s11] =	ssyncset.done $0x0  }
0x37b: {  	[sflag:s11] =	ssyncadd.s32 $0xFFFFC000  }
0x37c: {  	_ =	swait.ge [sflag:s13], $0x4000  }
0x37d: {  	[sflag:s13] =	ssyncset.done $0x0  }
0x37e: {  	[sflag:s13] =	ssyncadd.s32 $0xFFFFC000  }
0x37f: {  	_ =	swait.ge [sflag:s15], $0x4000  }
0x380: {  	[sflag:s15] =	ssyncset.done $0x0  }
0x381: {  	[sflag:s15] =	ssyncadd.s32 $0xFFFFC000  }
0x382: {  	_ =	swait.ge [sflag:s17], $0x4000  }
0x383: {  	[sflag:s17] =	ssyncset.done $0x0  }
0x384: {  	[sflag:s17] =	ssyncadd.s32 $0xFFFFC000  }
0x385: {  	_ =	swait.ge [sflag:s19], $0x4000  }
0x386: {  	[sflag:s19] =	ssyncset.done $0x0  }
0x387: {  	[sflag:s19] =	ssyncadd.s32 $0xFFFFC000  }
0x388: {  	_ =	swait.ge [sflag:s20], $0x4000  }
0x389: {  	s21 =	sadd.s32 $0x1, s21;
	s28 =	rddreg [dreg:$0x1d]  }
0x38a: {  	p0 =	sne.s32 s21, s28  }
.Ltmp2:
0x38b: {  	_ = 	snop;
	(pc) =	sbr.rel @p0 .LBB2_1-.Ltmp2, $3  }
0x38c: {  	_ =	sdelay $0x1  }
0x38d: {  	[sflag:s20] =	ssyncset.done $0x0  }
0x38e: {  	[sflag:s20] =	ssyncadd.s32 $0xFFFFC000  }
0x38f: {  	_ =	sfence.sel $0x180000  }
0x390: {  	[bflag:$0x0] =	sbarrier.arrive $0xFFFF  }
0x391: {  	_ =	strace $0x90000047  }
0x392: {  	s0 =	stileid.u32;
	[bflag:$0x2] =	sbarrier.arrive $0xFFFF  }
0x393: {  	p0 =	sne.s32 s0, $0x0;
	s0 =	rddreg [dreg:$0x3]  }
0x394: {  	s0 =	sadd.s32 @!p0 $0x100000, s0  }
0x395: {  	[sflag:s0] =	ssyncadd.tile.s32 @!p0 $0x1;
	_ =	shalt  }
.Lfunc_end2:
_tile_overlayer_lowered:
.L_overlay_start_2:
0x396: {  	(tag) =	ssettag $0x2  }
0x397: {  	s0 =	rddreg [dreg:$0x0];
	s2 =	stileid.u32  }
0x398: {  	s1 =	rddreg [dreg:$0x1];
	p0 =	sne.s32 s2, $0x0  }
0x399: {  	s3 =	rddreg [dreg:$0x2];
	[bflag:$0x3] =	sbarrier.arrive $0xFFFF;
	s2 =	simm.s32 @!p0 $0x1C0F  }
0x39a: {  	[timem:s3], [sflag:s2] =	dma.local @!p0 [hbm:s0], s1  }
0x39b: {  	s0 =	simm.s32 @!p0 $0xF  }
0x39c: {  	_ =	swait.ge @!p0 [sflag:s0], s1  }
0x39d: {  	s1 =	ssub.s32 @!p0 $0x0, s1;
	[sflag:s0] =	ssyncset.done @!p0 $0x0  }
0x39e: {  	[sflag:s0] =	ssyncadd.s32 @!p0 s1  }
0x39f: {  	[bflag:$0x3] =	sbarrier.arrive $0xFFFF  }
0x3a0: {  	_ =	shalt  }

</sc_bundles>
